<compile_context>
chip_gen: v7x
topology: tpu7x:2x2x1
jax: 0.10.2.dev20260603
libtpu: 0.0.44.dev20260713+nightly
codegen_flags: <defaults>
</compile_context>

<pallas_src>
import functools

import jax
import jax.numpy as jnp
import numpy as np
from jax import lax
from jax.experimental import pallas as pl
from jax.experimental.pallas import tpu as pltpu
from jax.experimental.pallas import tpu_sc as plsc

RADIUS = 0.2
NSAMPLE = 32
QB = 128


def _cross(ax, ay, az, bx, by, bz):
    return (ay * bz - az * by, az * bx - ax * bz, ax * by - ay * bx)


def _bitonic_sort_tiles(vals):
    n = len(vals)
    k = 2
    while k <= n:
        j = k // 2
        while j >= 1:
            for i in range(n):
                l = i ^ j
                if l > i:
                    up = (i & k) == 0
                    a, b = vals[i], vals[l]
                    lo = jnp.minimum(a, b)
                    hi = jnp.maximum(a, b)
                    vals[i], vals[l] = (lo, hi) if up else (hi, lo)
            j //= 2
        k *= 2
    return vals


def _rri_kernel(xr, yr, zr, outr):
    px = xr[0, :32, :]
    py = yr[0, :32, :]
    pz = zr[0, :32, :]
    cx = xr[0, 32:33, :]
    cy = yr[0, 32:33, :]
    cz = zr[0, 32:33, :]

    pxi = px[:, None, :]
    pyi = py[:, None, :]
    pzi = pz[:, None, :]
    dx = pxi - px[None, :, :]
    dy = pyi - py[None, :, :]
    dz = pzi - pz[None, :, :]
    dis = jnp.sqrt((dx * dx + dy * dy) + dz * dz)

    mean_dis = jnp.sum(dis, axis=1) * jnp.float32(1.0 / 32.0)
    mx = jnp.max(mean_dis, axis=0, keepdims=True)
    ii = jax.lax.broadcasted_iota(jnp.int32, (32, QB), 0)
    tip = jnp.min(jnp.where(mean_dis == mx, ii, jnp.int32(32)), axis=0,
                  keepdims=True)
    sel = ii == tip
    zero = jnp.zeros((32, QB), jnp.float32)
    tx = jnp.sum(jnp.where(sel, px, zero), axis=0, keepdims=True)
    ty = jnp.sum(jnp.where(sel, py, zero), axis=0, keepdims=True)
    tz = jnp.sum(jnp.where(sel, pz, zero), axis=0, keepdims=True)

    ux, uy, uz = _cross(cx, cy, cz, px, py, pz)
    gx, gy, gz = _cross(ux, uy, uz, cx, cy, cz)
    gn = jnp.sqrt((gx * gx + gy * gy) + gz * gz)
    gx, gy, gz = gx / gn, gy / gn, gz / gn

    vx, vy, vz = _cross(cx, cy, cz, tx, ty, tz)
    tpx, tpy, tpz = _cross(vx, vy, vz, cx, cy, cz)
    tn = jnp.sqrt((tpx * tpx + tpy * tpy) + tpz * tpz)
    tpx, tpy, tpz = tpx / tn, tpy / tn, tpz / tn

    wx, wy, wz = _cross(gx, gy, gz, tpx, tpy, tpz)
    cr = jnp.sqrt((cx * cx + cy * cy) + cz * cz)
    inv = 1.0 / (cr + jnp.float32(1e-8))
    nnx, nny, nnz = cx * inv, cy * inv, cz * inv
    gp_sin = (wx * nnx + wy * nny) + wz * nnz

    tiles = [dis[i] for i in range(32)]
    tiles = _bitonic_sort_tiles(tiles)
    rows = [t * gp_sin for t in tiles]

    rows.append(jnp.sqrt((px * px + py * py) + pz * pz))
    outr[0] = jnp.stack(rows, axis=0)


def _rri_features(gxT, gyT, gzT, B, NP):
    out = pl.pallas_call(
        _rri_kernel,
        out_shape=jax.ShapeDtypeStruct((B, 33, 32, NP), jnp.float32),
        grid=(B, NP // QB),
        in_specs=[
            pl.BlockSpec((1, 33, QB), lambda b, q: (b, 0, q)),
            pl.BlockSpec((1, 33, QB), lambda b, q: (b, 0, q)),
            pl.BlockSpec((1, 33, QB), lambda b, q: (b, 0, q)),
        ],
        out_specs=pl.BlockSpec((1, 33, 32, QB), lambda b, q: (b, 0, 0, q)),
    )(gxT, gyT, gzT)
    return jnp.transpose(out, (0, 1, 3, 2))


def _ball_group_sc(xs, ys, zs, xx, qx, qy, qz, nn, B, N, NP):
    info = plsc.get_sparse_core_info()
    NC, NS = info.num_cores, info.num_subcores
    NW = NC * NS
    TQ = (B * NP) // NW
    TPB = NW // B
    r2 = np.float32(RADIUS * RADIUS)
    nchunks = N // 16

    mesh = plsc.VectorSubcoreMesh(core_axis_name="c", subcore_axis_name="s")

    @functools.partial(
        pl.kernel,
        mesh=mesh,
        compiler_params=pltpu.CompilerParams(needs_layout_passes=False),
        out_type=[jax.ShapeDtypeStruct((B * NP * 32,), jnp.float32)] * 3,
        scratch_types=[
            pltpu.VMEM((N,), jnp.float32),
            pltpu.VMEM((N,), jnp.float32),
            pltpu.VMEM((N,), jnp.float32),
            pltpu.VMEM((N,), jnp.float32),
            pltpu.VMEM((TQ + 16,), jnp.float32),
            pltpu.VMEM((TQ + 16,), jnp.float32),
            pltpu.VMEM((TQ + 16,), jnp.float32),
            pltpu.VMEM((TQ + 16,), jnp.float32),
            pltpu.VMEM((8 * 64,), jnp.int32),
            pltpu.VMEM((TQ * 32,), jnp.float32),
            pltpu.VMEM((TQ * 32,), jnp.float32),
            pltpu.VMEM((TQ * 32,), jnp.float32),
        ],
    )
    def k(xs_h, ys_h, zs_h, xx_h, qx_h, qy_h, qz_h, nn_h,
          gx_h, gy_h, gz_h,
          xs_v, ys_v, zs_v, xx_v, qx_v, qy_v, qz_v, nn_v, buf, ox, oy, oz):
        wid = lax.axis_index("s") * NC + lax.axis_index("c")
        qbase = wid * TQ
        pbase = (wid // TPB) * N
        pltpu.sync_copy(xs_h.at[pl.ds(pbase, N)], xs_v)
        pltpu.sync_copy(ys_h.at[pl.ds(pbase, N)], ys_v)
        pltpu.sync_copy(zs_h.at[pl.ds(pbase, N)], zs_v)
        pltpu.sync_copy(xx_h.at[pl.ds(pbase, N)], xx_v)
        pltpu.sync_copy(qx_h.at[pl.ds(qbase, TQ)], qx_v.at[pl.ds(0, TQ)])
        pltpu.sync_copy(qy_h.at[pl.ds(qbase, TQ)], qy_v.at[pl.ds(0, TQ)])
        pltpu.sync_copy(qz_h.at[pl.ds(qbase, TQ)], qz_v.at[pl.ds(0, TQ)])
        pltpu.sync_copy(nn_h.at[pl.ds(qbase, TQ)], nn_v.at[pl.ds(0, TQ)])

        lane = lax.iota(jnp.int32, 16)

        def bf16r(v):
            t = lax.bitcast_convert_type(v, jnp.int32)
            r = (t + jnp.int32(0x7FFF) + ((t >> 16) & 1)) & jnp.int32(-65536)
            return lax.bitcast_convert_type(r, jnp.float32)

        QG = 8

        def per_block(blk, carry):
            qb0 = blk * QG
            qxv = qx_v[pl.ds(qb0, 16)]
            qyv = qy_v[pl.ds(qb0, 16)]
            qzv = qz_v[pl.ds(qb0, 16)]
            nnv = nn_v[pl.ds(qb0, 16)]
            qxs = [qxv[j] for j in range(QG)]
            qys = [qyv[j] for j in range(QG)]
            qzs = [qzv[j] for j in range(QG)]
            nns = [nnv[j] for j in range(QG)]

            def cond(st):
                i, ov = st
                act = plsc.all_reduce_population_count(ov < 32)[0]
                return (act > 0) & (i < nchunks)

            def body(st):
                i, ov = st
                offs = [ov[j] for j in range(QG)]
                base = i * 16
                px = bf16r(xs_v[pl.ds(base, 16)])
                py = bf16r(ys_v[pl.ds(base, 16)])
                pz = bf16r(zs_v[pl.ds(base, 16)])
                xxv = xx_v[pl.ds(base, 16)]
                ids = lane + base
                cnt = jnp.zeros((16,), jnp.int32)
                for j in range(QG):
                    dot = (qxs[j] * px + qys[j] * py) + qzs[j] * pz
                    d2 = (nns[j] + xxv) - jnp.float32(2.0) * dot
                    m = d2 < r2
                    pc = plsc.all_reduce_population_count(m)
                    cnt = jnp.where(lane == j, pc, cnt)
                    plsc.store_compressed(
                        buf.at[pl.ds(j * 64 + offs[j], 16)], ids, mask=m)
                ov = jnp.where(ov < 32, ov + cnt, ov)
                return i + 1, ov

            ov0 = jnp.where(lane < QG, jnp.int32(0), jnp.int32(32))
            _, ovf = lax.while_loop(cond, body, (jnp.int32(0), ov0))

            for j in range(QG):
                off = ovf[j]
                jb = j * 64
                i0 = buf[pl.ds(jb, 16)]
                i1 = buf[pl.ds(jb + 16, 16)]
                first = jnp.where(off > 0, i0[0], jnp.int32(0))
                i0 = jnp.where(lane < off, i0, first)
                i1 = jnp.where(lane + 16 < off, i1, first)
                qo = (qb0 + j) * 32
                ox[pl.ds(qo, 16)] = plsc.load_gather(xs_v, [i0])
                ox[pl.ds(qo + 16, 16)] = plsc.load_gather(xs_v, [i1])
                oy[pl.ds(qo, 16)] = plsc.load_gather(ys_v, [i0])
                oy[pl.ds(qo + 16, 16)] = plsc.load_gather(ys_v, [i1])
                oz[pl.ds(qo, 16)] = plsc.load_gather(zs_v, [i0])
                oz[pl.ds(qo + 16, 16)] = plsc.load_gather(zs_v, [i1])
            return carry

        lax.fori_loop(0, TQ // QG, per_block, 0)
        pltpu.sync_copy(ox, gx_h.at[pl.ds(qbase * 32, TQ * 32)])
        pltpu.sync_copy(oy, gy_h.at[pl.ds(qbase * 32, TQ * 32)])
        pltpu.sync_copy(oz, gz_h.at[pl.ds(qbase * 32, TQ * 32)])

    return k(xs, ys, zs, xx, qx, qy, qz, nn)


def kernel(xyz, new_xyz):
    B, N, _ = xyz.shape
    NP = new_xyz.shape[1]
    xt = jnp.transpose(xyz, (0, 2, 1))
    qt = jnp.transpose(new_xyz, (0, 2, 1))
    xx = jnp.sum(xyz * xyz, axis=-1)
    nn = jnp.sum(new_xyz * new_xyz, axis=-1)
    qtb = lax.bitcast_convert_type(qt, jnp.int32)
    qtb = (qtb + jnp.int32(0x7FFF) + ((qtb >> 16) & 1)) & jnp.int32(-65536)
    qb = lax.bitcast_convert_type(qtb, jnp.float32)
    gx, gy, gz = _ball_group_sc(
        xt[:, 0].reshape(-1), xt[:, 1].reshape(-1), xt[:, 2].reshape(-1),
        xx.reshape(-1),
        qb[:, 0].reshape(-1), qb[:, 1].reshape(-1), qb[:, 2].reshape(-1),
        nn.reshape(-1), B, N, NP)
    X = jnp.concatenate(
        [jnp.transpose(gx.reshape(B, NP, 32), (0, 2, 1)), qt[:, 0:1]], axis=1)
    Y = jnp.concatenate(
        [jnp.transpose(gy.reshape(B, NP, 32), (0, 2, 1)), qt[:, 1:2]], axis=1)
    Z = jnp.concatenate(
        [jnp.transpose(gz.reshape(B, NP, 32), (0, 2, 1)), qt[:, 2:3]], axis=1)
    return _rri_features(X, Y, Z, B, NP)

# --- scband reference (transcript-rebuilt; emitter-appended) ---
"""Pipeline reference for scband-query-and-group-rri-52785148068535 (READ-ONLY COPY).

The authoritative reference and input builder live on the scoring server;
editing this copy changes nothing except your own understanding.
"""

import jax, jax.numpy as jnp
import numpy as np

RADIUS = 0.2
NSAMPLE = 32


def ball_query(radius, nsample, xyz, new_xyz):
    # xyz: (B, N, 3), new_xyz: (B, npoint, 3) -> idx (B, npoint, nsample) int32
    B, N, _ = xyz.shape
    xx = jnp.sum(xyz * xyz, axis=-1)            # (B, N)
    nn = jnp.sum(new_xyz * new_xyz, axis=-1)    # (B, npoint)
    d2 = nn[:, :, None] + xx[:, None, :] - 2.0 * jnp.einsum('bpc,bnc->bpn', new_xyz, xyz)
    mask = d2 < (radius * radius)
    ar = jnp.arange(N, dtype=jnp.int32)
    # pick the first nsample in-ball indices (ascending point order), like the CUDA kernel
    score = jnp.where(mask, -ar[None, None, :], jnp.int32(-N))
    vals, _ = jax.lax.top_k(score, nsample)
    idx_sorted = -vals                          # ascending indices, padded with N
    first = idx_sorted[:, :, :1]
    idx = jnp.where(idx_sorted == N, first, idx_sorted)  # pad with first in-ball idx
    idx = jnp.where(idx == N, 0, idx)                     # empty ball -> 0
    return idx


def grouping_operation(features, idx):
    # features: (B, C, N), idx: (B, npoint, nsample) -> (B, C, npoint, nsample)
    return jax.vmap(lambda f, i: f[:, i])(features, idx)


def setup_inputs(seed: int = 0) -> dict:
    key = jax.random.key(seed)
    k1, k2 = jax.random.split(key)
    xyz = jax.random.uniform(k1, (2, 16384, 3), dtype=jnp.float32)
    new_xyz = jax.random.uniform(k2, (2, 4096, 3), dtype=jnp.float32)
    return {"xyz": xyz, "new_xyz": new_xyz}


def reference(xyz, new_xyz):
    idx = ball_query(RADIUS, NSAMPLE, xyz, new_xyz)
    xyz_trans = jnp.transpose(xyz, (0, 2, 1))
    grouped_xyz = grouping_operation(xyz_trans, idx)                 # (B,3,np,ns)
    new_xyz_reshaped = jnp.transpose(new_xyz, (0, 2, 1))[:, :, :, None]  # (B,3,np,1)

    diff = grouped_xyz[:, :, :, :, None] - grouped_xyz[:, :, :, None, :]
    dis = jnp.sqrt(jnp.sum(diff * diff, axis=1))                     # (B,np,ns,ns)
    mean_dis = jnp.mean(dis, axis=3)                                 # (B,np,ns)
    tip_idxs = jnp.argmax(mean_dis, axis=2)                          # (B,np)
    tip_pts = jnp.take_along_axis(grouped_xyz, tip_idxs[:, None, :, None], axis=3)[..., 0]  # (B,3,np)

    new_rep = jnp.broadcast_to(new_xyz_reshaped, grouped_xyz.shape)
    gpv = jnp.cross(jnp.cross(new_rep, grouped_xyz, axisa=1, axisb=1, axisc=1), new_rep, axisa=1, axisb=1, axisc=1)
    gpv = gpv / jnp.linalg.norm(gpv, axis=1)[:, None, :, :]

    new_r = jnp.sqrt(jnp.sum(new_xyz_reshaped * new_xyz_reshaped, axis=1))  # (B,np,1)
    new_norm = new_xyz_reshaped / (new_r[:, None, :, :] + 1e-08)

    nsq = new_xyz_reshaped[:, :, :, 0]                               # (B,3,np)
    tpv = jnp.cross(jnp.cross(nsq, tip_pts, axisa=1, axisb=1, axisc=1), nsq, axisa=1, axisb=1, axisc=1)
    tpv = tpv / jnp.linalg.norm(tpv, axis=1)[:, None, :]

    tpv_rep = jnp.broadcast_to(tpv[:, :, :, None], gpv.shape)
    gcv = jnp.cross(gpv, tpv_rep, axisa=1, axisb=1, axisc=1)
    gp_sin = jnp.sum(gcv * new_norm, axis=1)                         # (B,np,ns)

    dis_t = jnp.transpose(dis, (0, 2, 1, 3))                         # (B,ns,np,ns)
    dis_sort = jnp.sort(dis_t, axis=1)
    dis_sort = dis_sort * gp_sin[:, None, :, :]

    grouped_r = jnp.sqrt(jnp.sum(grouped_xyz * grouped_xyz, axis=1))  # (B,np,ns)
    grouped_rri = jnp.concatenate((dis_sort, grouped_r[:, None, :, :]), axis=1)  # (B,ns+1,np,ns)
    return grouped_rri

if __name__ == "__main__":
    import jax
    _d = setup_inputs()
    print(jax.jit(kernel)(*tuple(_d.values())))

</pallas_src>

<mosaic_0001>
#map = affine_map<(d0, d1) -> (0)>
module attributes {stable_mosaic.version = 14 : i64} {
  func.func @k(%arg0: i32, %arg1: i32, %arg2: memref<32768xf32, #tpu.memory_space<hbm>>, %arg3: memref<32768xf32, #tpu.memory_space<hbm>>, %arg4: memref<32768xf32, #tpu.memory_space<hbm>>, %arg5: memref<32768xf32, #tpu.memory_space<hbm>>, %arg6: memref<8192xf32, #tpu.memory_space<hbm>>, %arg7: memref<8192xf32, #tpu.memory_space<hbm>>, %arg8: memref<8192xf32, #tpu.memory_space<hbm>>, %arg9: memref<8192xf32, #tpu.memory_space<hbm>>, %arg10: memref<262144xf32, #tpu.memory_space<hbm>>, %arg11: memref<262144xf32, #tpu.memory_space<hbm>>, %arg12: memref<262144xf32, #tpu.memory_space<hbm>>, %arg13: memref<16384xf32, #tpu.memory_space<vmem>>, %arg14: memref<16384xf32, #tpu.memory_space<vmem>>, %arg15: memref<16384xf32, #tpu.memory_space<vmem>>, %arg16: memref<16384xf32, #tpu.memory_space<vmem>>, %arg17: memref<272xf32, #tpu.memory_space<vmem>>, %arg18: memref<272xf32, #tpu.memory_space<vmem>>, %arg19: memref<272xf32, #tpu.memory_space<vmem>>, %arg20: memref<272xf32, #tpu.memory_space<vmem>>, %arg21: memref<512xi32, #tpu.memory_space<vmem>>, %arg22: memref<8192xf32, #tpu.memory_space<vmem>>, %arg23: memref<8192xf32, #tpu.memory_space<vmem>>, %arg24: memref<8192xf32, #tpu.memory_space<vmem>>) attributes {dimension_semantics = [#tpu.dimension_semantics<core_parallel>, #tpu.dimension_semantics<subcore_parallel>], iteration_bounds = array<i64: 2, 16>, scalar_prefetch = 0 : i64, scratch_operands = 12 : i64, tpu.core_type = #tpu.core_type<sc_vector_subcore>, window_params = [{transform_indices = #map}, {transform_indices = #map}, {transform_indices = #map}, {transform_indices = #map}, {transform_indices = #map}, {transform_indices = #map}, {transform_indices = #map}, {transform_indices = #map}, {transform_indices = #map}, {transform_indices = #map}, {transform_indices = #map}]} {
    %mul3A = arith.constant 2 : i32
    %mul3A_0 = arith.muli %arg1, %mul3A : i32
    %add3A = arith.addi %mul3A_0, %arg0 : i32
    %mul3A_1 = arith.constant 256 : i32
    %mul3A_2 = arith.muli %add3A, %mul3A_1 : i32
    %jit3A = arith.constant 16 : i32
    %div3A = arith.divsi %add3A, %jit3A : i32
    %sign3A = arith.constant 0 : i32
    %sign3A_3 = arith.cmpi sgt, %add3A, %sign3A : i32
    %sign3A_4 = arith.extui %sign3A_3 : i1 to i32
    %sign3A_5 = arith.constant 0 : i32
    %sign3A_6 = arith.cmpi slt, %add3A, %sign3A_5 : i32
    %sign3A_7 = arith.extui %sign3A_6 : i1 to i32
    %sign3A_8 = arith.subi %sign3A_4, %sign3A_7 : i32
    %sign3A_9 = arith.constant 0 : i32
    %sign3A_10 = arith.cmpi sgt, %jit3A, %sign3A_9 : i32
    %sign3A_11 = arith.extui %sign3A_10 : i1 to i32
    %sign3A_12 = arith.constant 0 : i32
    %sign3A_13 = arith.cmpi slt, %jit3A, %sign3A_12 : i32
    %sign3A_14 = arith.extui %sign3A_13 : i1 to i32
    %sign3A_15 = arith.subi %sign3A_11, %sign3A_14 : i32
    %ne3A = arith.cmpi ne, %sign3A_8, %sign3A_15 : i32
    %rem3A = arith.remsi %add3A, %jit3A : i32
    %ne3A_16 = arith.constant 0 : i32
    %ne3A_17 = arith.cmpi ne, %rem3A, %ne3A_16 : i32
    %and3A = arith.andi %ne3A, %ne3A_17 : i1
    %sub3A = arith.constant 1 : i32
    %sub3A_18 = arith.subi %div3A, %sub3A : i32
    %select_n3A = arith.select %and3A, %sub3A_18, %div3A : i32
    %mul3A_19 = arith.constant 16384 : i32
    %mul3A_20 = arith.muli %select_n3A, %mul3A_19 : i32
    "tpu.region"() ({
      %run_scoped3A = tpu.sem_alloc : memref<!tpu.dma_semaphore, #tpu.memory_space<semaphore_mem>>
      %dma_start3A = tpu.memref_slice %arg2[%mul3A_20] : memref<32768xf32, #tpu.memory_space<hbm>> -> memref<16384xf32, #tpu.memory_space<hbm>>
      %dma_start3A_32 = tpu.memref_slice %arg2[%mul3A_20] : memref<32768xf32, #tpu.memory_space<hbm>> -> memref<16384xf32, #tpu.memory_space<hbm>>
      tpu.enqueue_dma source(%dma_start3A_32 : memref<16384xf32, #tpu.memory_space<hbm>>) target(%arg13 : memref<16384xf32, #tpu.memory_space<vmem>>) target_semaphore(%run_scoped3A : memref<!tpu.dma_semaphore, #tpu.memory_space<semaphore_mem>>)
      %dma_wait3A = tpu.memref_slice %arg2[%mul3A_20] : memref<32768xf32, #tpu.memory_space<hbm>> -> memref<16384xf32, #tpu.memory_space<hbm>>
      %dma_wait3A_33 = tpu.memref_slice %arg2[%mul3A_20] : memref<32768xf32, #tpu.memory_space<hbm>> -> memref<16384xf32, #tpu.memory_space<hbm>>
      tpu.wait_dma2 semaphore(%run_scoped3A : memref<!tpu.dma_semaphore, #tpu.memory_space<semaphore_mem>>) src(%dma_wait3A_33 : memref<16384xf32, #tpu.memory_space<hbm>>) dst(%arg13 : memref<16384xf32, #tpu.memory_space<vmem>>)
      tpu.yield
    }) : () -> ()
    "tpu.region"() ({
      %run_scoped3A = tpu.sem_alloc : memref<!tpu.dma_semaphore, #tpu.memory_space<semaphore_mem>>
      %dma_start3A = tpu.memref_slice %arg3[%mul3A_20] : memref<32768xf32, #tpu.memory_space<hbm>> -> memref<16384xf32, #tpu.memory_space<hbm>>
      %dma_start3A_32 = tpu.memref_slice %arg3[%mul3A_20] : memref<32768xf32, #tpu.memory_space<hbm>> -> memref<16384xf32, #tpu.memory_space<hbm>>
      tpu.enqueue_dma source(%dma_start3A_32 : memref<16384xf32, #tpu.memory_space<hbm>>) target(%arg14 : memref<16384xf32, #tpu.memory_space<vmem>>) target_semaphore(%run_scoped3A : memref<!tpu.dma_semaphore, #tpu.memory_space<semaphore_mem>>)
      %dma_wait3A = tpu.memref_slice %arg3[%mul3A_20] : memref<32768xf32, #tpu.memory_space<hbm>> -> memref<16384xf32, #tpu.memory_space<hbm>>
      %dma_wait3A_33 = tpu.memref_slice %arg3[%mul3A_20] : memref<32768xf32, #tpu.memory_space<hbm>> -> memref<16384xf32, #tpu.memory_space<hbm>>
      tpu.wait_dma2 semaphore(%run_scoped3A : memref<!tpu.dma_semaphore, #tpu.memory_space<semaphore_mem>>) src(%dma_wait3A_33 : memref<16384xf32, #tpu.memory_space<hbm>>) dst(%arg14 : memref<16384xf32, #tpu.memory_space<vmem>>)
      tpu.yield
    }) : () -> ()
    "tpu.region"() ({
      %run_scoped3A = tpu.sem_alloc : memref<!tpu.dma_semaphore, #tpu.memory_space<semaphore_mem>>
      %dma_start3A = tpu.memref_slice %arg4[%mul3A_20] : memref<32768xf32, #tpu.memory_space<hbm>> -> memref<16384xf32, #tpu.memory_space<hbm>>
      %dma_start3A_32 = tpu.memref_slice %arg4[%mul3A_20] : memref<32768xf32, #tpu.memory_space<hbm>> -> memref<16384xf32, #tpu.memory_space<hbm>>
      tpu.enqueue_dma source(%dma_start3A_32 : memref<16384xf32, #tpu.memory_space<hbm>>) target(%arg15 : memref<16384xf32, #tpu.memory_space<vmem>>) target_semaphore(%run_scoped3A : memref<!tpu.dma_semaphore, #tpu.memory_space<semaphore_mem>>)
      %dma_wait3A = tpu.memref_slice %arg4[%mul3A_20] : memref<32768xf32, #tpu.memory_space<hbm>> -> memref<16384xf32, #tpu.memory_space<hbm>>
      %dma_wait3A_33 = tpu.memref_slice %arg4[%mul3A_20] : memref<32768xf32, #tpu.memory_space<hbm>> -> memref<16384xf32, #tpu.memory_space<hbm>>
      tpu.wait_dma2 semaphore(%run_scoped3A : memref<!tpu.dma_semaphore, #tpu.memory_space<semaphore_mem>>) src(%dma_wait3A_33 : memref<16384xf32, #tpu.memory_space<hbm>>) dst(%arg15 : memref<16384xf32, #tpu.memory_space<vmem>>)
      tpu.yield
    }) : () -> ()
    "tpu.region"() ({
      %run_scoped3A = tpu.sem_alloc : memref<!tpu.dma_semaphore, #tpu.memory_space<semaphore_mem>>
      %dma_start3A = tpu.memref_slice %arg5[%mul3A_20] : memref<32768xf32, #tpu.memory_space<hbm>> -> memref<16384xf32, #tpu.memory_space<hbm>>
      %dma_start3A_32 = tpu.memref_slice %arg5[%mul3A_20] : memref<32768xf32, #tpu.memory_space<hbm>> -> memref<16384xf32, #tpu.memory_space<hbm>>
      tpu.enqueue_dma source(%dma_start3A_32 : memref<16384xf32, #tpu.memory_space<hbm>>) target(%arg16 : memref<16384xf32, #tpu.memory_space<vmem>>) target_semaphore(%run_scoped3A : memref<!tpu.dma_semaphore, #tpu.memory_space<semaphore_mem>>)
      %dma_wait3A = tpu.memref_slice %arg5[%mul3A_20] : memref<32768xf32, #tpu.memory_space<hbm>> -> memref<16384xf32, #tpu.memory_space<hbm>>
      %dma_wait3A_33 = tpu.memref_slice %arg5[%mul3A_20] : memref<32768xf32, #tpu.memory_space<hbm>> -> memref<16384xf32, #tpu.memory_space<hbm>>
      tpu.wait_dma2 semaphore(%run_scoped3A : memref<!tpu.dma_semaphore, #tpu.memory_space<semaphore_mem>>) src(%dma_wait3A_33 : memref<16384xf32, #tpu.memory_space<hbm>>) dst(%arg16 : memref<16384xf32, #tpu.memory_space<vmem>>)
      tpu.yield
    }) : () -> ()
    "tpu.region"() ({
      %run_scoped3A = tpu.sem_alloc : memref<!tpu.dma_semaphore, #tpu.memory_space<semaphore_mem>>
      %dma_start3A = arith.constant 0 : i32
      %dma_start3A_32 = tpu.memref_slice %arg17[%dma_start3A] : memref<272xf32, #tpu.memory_space<vmem>> -> memref<256xf32, #tpu.memory_space<vmem>>
      %dma_start3A_33 = tpu.memref_slice %arg6[%mul3A_2] : memref<8192xf32, #tpu.memory_space<hbm>> -> memref<256xf32, #tpu.memory_space<hbm>>
      %dma_start3A_34 = arith.constant 0 : i32
      %dma_start3A_35 = tpu.memref_slice %arg17[%dma_start3A_34] : memref<272xf32, #tpu.memory_space<vmem>> -> memref<256xf32, #tpu.memory_space<vmem>>
      %dma_start3A_36 = tpu.memref_slice %arg6[%mul3A_2] : memref<8192xf32, #tpu.memory_space<hbm>> -> memref<256xf32, #tpu.memory_space<hbm>>
      tpu.enqueue_dma source(%dma_start3A_36 : memref<256xf32, #tpu.memory_space<hbm>>) target(%dma_start3A_35 : memref<256xf32, #tpu.memory_space<vmem>>) target_semaphore(%run_scoped3A : memref<!tpu.dma_semaphore, #tpu.memory_space<semaphore_mem>>)
      %dma_wait3A = arith.constant 0 : i32
      %dma_wait3A_37 = tpu.memref_slice %arg17[%dma_wait3A] : memref<272xf32, #tpu.memory_space<vmem>> -> memref<256xf32, #tpu.memory_space<vmem>>
      %dma_wait3A_38 = tpu.memref_slice %arg6[%mul3A_2] : memref<8192xf32, #tpu.memory_space<hbm>> -> memref<256xf32, #tpu.memory_space<hbm>>
      %dma_wait3A_39 = arith.constant 0 : i32
      %dma_wait3A_40 = tpu.memref_slice %arg17[%dma_wait3A_39] : memref<272xf32, #tpu.memory_space<vmem>> -> memref<256xf32, #tpu.memory_space<vmem>>
      %dma_wait3A_41 = tpu.memref_slice %arg6[%mul3A_2] : memref<8192xf32, #tpu.memory_space<hbm>> -> memref<256xf32, #tpu.memory_space<hbm>>
      tpu.wait_dma2 semaphore(%run_scoped3A : memref<!tpu.dma_semaphore, #tpu.memory_space<semaphore_mem>>) src(%dma_wait3A_41 : memref<256xf32, #tpu.memory_space<hbm>>) dst(%dma_wait3A_40 : memref<256xf32, #tpu.memory_space<vmem>>)
      tpu.yield
    }) : () -> ()
    "tpu.region"() ({
      %run_scoped3A = tpu.sem_alloc : memref<!tpu.dma_semaphore, #tpu.memory_space<semaphore_mem>>
      %dma_start3A = arith.constant 0 : i32
      %dma_start3A_32 = tpu.memref_slice %arg18[%dma_start3A] : memref<272xf32, #tpu.memory_space<vmem>> -> memref<256xf32, #tpu.memory_space<vmem>>
      %dma_start3A_33 = tpu.memref_slice %arg7[%mul3A_2] : memref<8192xf32, #tpu.memory_space<hbm>> -> memref<256xf32, #tpu.memory_space<hbm>>
      %dma_start3A_34 = arith.constant 0 : i32
      %dma_start3A_35 = tpu.memref_slice %arg18[%dma_start3A_34] : memref<272xf32, #tpu.memory_space<vmem>> -> memref<256xf32, #tpu.memory_space<vmem>>
      %dma_start3A_36 = tpu.memref_slice %arg7[%mul3A_2] : memref<8192xf32, #tpu.memory_space<hbm>> -> memref<256xf32, #tpu.memory_space<hbm>>
      tpu.enqueue_dma source(%dma_start3A_36 : memref<256xf32, #tpu.memory_space<hbm>>) target(%dma_start3A_35 : memref<256xf32, #tpu.memory_space<vmem>>) target_semaphore(%run_scoped3A : memref<!tpu.dma_semaphore, #tpu.memory_space<semaphore_mem>>)
      %dma_wait3A = arith.constant 0 : i32
      %dma_wait3A_37 = tpu.memref_slice %arg18[%dma_wait3A] : memref<272xf32, #tpu.memory_space<vmem>> -> memref<256xf32, #tpu.memory_space<vmem>>
      %dma_wait3A_38 = tpu.memref_slice %arg7[%mul3A_2] : memref<8192xf32, #tpu.memory_space<hbm>> -> memref<256xf32, #tpu.memory_space<hbm>>
      %dma_wait3A_39 = arith.constant 0 : i32
      %dma_wait3A_40 = tpu.memref_slice %arg18[%dma_wait3A_39] : memref<272xf32, #tpu.memory_space<vmem>> -> memref<256xf32, #tpu.memory_space<vmem>>
      %dma_wait3A_41 = tpu.memref_slice %arg7[%mul3A_2] : memref<8192xf32, #tpu.memory_space<hbm>> -> memref<256xf32, #tpu.memory_space<hbm>>
      tpu.wait_dma2 semaphore(%run_scoped3A : memref<!tpu.dma_semaphore, #tpu.memory_space<semaphore_mem>>) src(%dma_wait3A_41 : memref<256xf32, #tpu.memory_space<hbm>>) dst(%dma_wait3A_40 : memref<256xf32, #tpu.memory_space<vmem>>)
      tpu.yield
    }) : () -> ()
    "tpu.region"() ({
      %run_scoped3A = tpu.sem_alloc : memref<!tpu.dma_semaphore, #tpu.memory_space<semaphore_mem>>
      %dma_start3A = arith.constant 0 : i32
      %dma_start3A_32 = tpu.memref_slice %arg19[%dma_start3A] : memref<272xf32, #tpu.memory_space<vmem>> -> memref<256xf32, #tpu.memory_space<vmem>>
      %dma_start3A_33 = tpu.memref_slice %arg8[%mul3A_2] : memref<8192xf32, #tpu.memory_space<hbm>> -> memref<256xf32, #tpu.memory_space<hbm>>
      %dma_start3A_34 = arith.constant 0 : i32
      %dma_start3A_35 = tpu.memref_slice %arg19[%dma_start3A_34] : memref<272xf32, #tpu.memory_space<vmem>> -> memref<256xf32, #tpu.memory_space<vmem>>
      %dma_start3A_36 = tpu.memref_slice %arg8[%mul3A_2] : memref<8192xf32, #tpu.memory_space<hbm>> -> memref<256xf32, #tpu.memory_space<hbm>>
      tpu.enqueue_dma source(%dma_start3A_36 : memref<256xf32, #tpu.memory_space<hbm>>) target(%dma_start3A_35 : memref<256xf32, #tpu.memory_space<vmem>>) target_semaphore(%run_scoped3A : memref<!tpu.dma_semaphore, #tpu.memory_space<semaphore_mem>>)
      %dma_wait3A = arith.constant 0 : i32
      %dma_wait3A_37 = tpu.memref_slice %arg19[%dma_wait3A] : memref<272xf32, #tpu.memory_space<vmem>> -> memref<256xf32, #tpu.memory_space<vmem>>
      %dma_wait3A_38 = tpu.memref_slice %arg8[%mul3A_2] : memref<8192xf32, #tpu.memory_space<hbm>> -> memref<256xf32, #tpu.memory_space<hbm>>
      %dma_wait3A_39 = arith.constant 0 : i32
      %dma_wait3A_40 = tpu.memref_slice %arg19[%dma_wait3A_39] : memref<272xf32, #tpu.memory_space<vmem>> -> memref<256xf32, #tpu.memory_space<vmem>>
      %dma_wait3A_41 = tpu.memref_slice %arg8[%mul3A_2] : memref<8192xf32, #tpu.memory_space<hbm>> -> memref<256xf32, #tpu.memory_space<hbm>>
      tpu.wait_dma2 semaphore(%run_scoped3A : memref<!tpu.dma_semaphore, #tpu.memory_space<semaphore_mem>>) src(%dma_wait3A_41 : memref<256xf32, #tpu.memory_space<hbm>>) dst(%dma_wait3A_40 : memref<256xf32, #tpu.memory_space<vmem>>)
      tpu.yield
    }) : () -> ()
    "tpu.region"() ({
      %run_scoped3A = tpu.sem_alloc : memref<!tpu.dma_semaphore, #tpu.memory_space<semaphore_mem>>
      %dma_start3A = arith.constant 0 : i32
      %dma_start3A_32 = tpu.memref_slice %arg20[%dma_start3A] : memref<272xf32, #tpu.memory_space<vmem>> -> memref<256xf32, #tpu.memory_space<vmem>>
      %dma_start3A_33 = tpu.memref_slice %arg9[%mul3A_2] : memref<8192xf32, #tpu.memory_space<hbm>> -> memref<256xf32, #tpu.memory_space<hbm>>
      %dma_start3A_34 = arith.constant 0 : i32
      %dma_start3A_35 = tpu.memref_slice %arg20[%dma_start3A_34] : memref<272xf32, #tpu.memory_space<vmem>> -> memref<256xf32, #tpu.memory_space<vmem>>
      %dma_start3A_36 = tpu.memref_slice %arg9[%mul3A_2] : memref<8192xf32, #tpu.memory_space<hbm>> -> memref<256xf32, #tpu.memory_space<hbm>>
      tpu.enqueue_dma source(%dma_start3A_36 : memref<256xf32, #tpu.memory_space<hbm>>) target(%dma_start3A_35 : memref<256xf32, #tpu.memory_space<vmem>>) target_semaphore(%run_scoped3A : memref<!tpu.dma_semaphore, #tpu.memory_space<semaphore_mem>>)
      %dma_wait3A = arith.constant 0 : i32
      %dma_wait3A_37 = tpu.memref_slice %arg20[%dma_wait3A] : memref<272xf32, #tpu.memory_space<vmem>> -> memref<256xf32, #tpu.memory_space<vmem>>
      %dma_wait3A_38 = tpu.memref_slice %arg9[%mul3A_2] : memref<8192xf32, #tpu.memory_space<hbm>> -> memref<256xf32, #tpu.memory_space<hbm>>
      %dma_wait3A_39 = arith.constant 0 : i32
      %dma_wait3A_40 = tpu.memref_slice %arg20[%dma_wait3A_39] : memref<272xf32, #tpu.memory_space<vmem>> -> memref<256xf32, #tpu.memory_space<vmem>>
      %dma_wait3A_41 = tpu.memref_slice %arg9[%mul3A_2] : memref<8192xf32, #tpu.memory_space<hbm>> -> memref<256xf32, #tpu.memory_space<hbm>>
      tpu.wait_dma2 semaphore(%run_scoped3A : memref<!tpu.dma_semaphore, #tpu.memory_space<semaphore_mem>>) src(%dma_wait3A_41 : memref<256xf32, #tpu.memory_space<hbm>>) dst(%dma_wait3A_40 : memref<256xf32, #tpu.memory_space<vmem>>)
      tpu.yield
    }) : () -> ()
    %iota3A = tpu.iota {dimensions = array<i32: 0>} : vector<16xi32>
    %scan3A = arith.constant 0 : i32
    %scan3A_21 = arith.constant 0 : i32
    %scan3A_22 = arith.constant 32 : i32
    %scan3A_23 = arith.addi %scan3A_21, %scan3A_22 : i32
    %scan3A_24 = arith.constant 1 : i32
    scf.for %scan3A_32 = %scan3A_21 to %scan3A_23 step %scan3A_24  : i32 {
      %mul3A_33 = arith.constant 8 : i32
      %mul3A_34 = arith.muli %scan3A_32, %mul3A_33 : i32
      %get3A = arith.index_cast %mul3A_34 : i32 to index
      %get3A_35 = tpu.vector_load %arg17[%get3A] {strides = array<i32>} : memref<272xf32, #tpu.memory_space<vmem>>, vector<16xf32>,
      %get3A_36 = arith.index_cast %mul3A_34 : i32 to index
      %get3A_37 = tpu.vector_load %arg18[%get3A_36] {strides = array<i32>} : memref<272xf32, #tpu.memory_space<vmem>>, vector<16xf32>,
      %get3A_38 = arith.index_cast %mul3A_34 : i32 to index
      %get3A_39 = tpu.vector_load %arg19[%get3A_38] {strides = array<i32>} : memref<272xf32, #tpu.memory_space<vmem>>, vector<16xf32>,
      %get3A_40 = arith.index_cast %mul3A_34 : i32 to index
      %get3A_41 = tpu.vector_load %arg20[%get3A_40] {strides = array<i32>} : memref<272xf32, #tpu.memory_space<vmem>>, vector<16xf32>,
      %slice3A = vector.extract_strided_slice %get3A_35 {offsets = [0], sizes = [1], strides = [1]} : vector<16xf32> to vector<1xf32>
      %squeeze3A = vector.extract %slice3A[0] : f32 from vector<1xf32>
      %slice3A_42 = vector.extract_strided_slice %get3A_35 {offsets = [1], sizes = [1], strides = [1]} : vector<16xf32> to vector<1xf32>
      %squeeze3A_43 = vector.extract %slice3A_42[0] : f32 from vector<1xf32>
      %slice3A_44 = vector.extract_strided_slice %get3A_35 {offsets = [2], sizes = [1], strides = [1]} : vector<16xf32> to vector<1xf32>
      %squeeze3A_45 = vector.extract %slice3A_44[0] : f32 from vector<1xf32>
      %slice3A_46 = vector.extract_strided_slice %get3A_35 {offsets = [3], sizes = [1], strides = [1]} : vector<16xf32> to vector<1xf32>
      %squeeze3A_47 = vector.extract %slice3A_46[0] : f32 from vector<1xf32>
      %slice3A_48 = vector.extract_strided_slice %get3A_35 {offsets = [4], sizes = [1], strides = [1]} : vector<16xf32> to vector<1xf32>
      %squeeze3A_49 = vector.extract %slice3A_48[0] : f32 from vector<1xf32>
      %slice3A_50 = vector.extract_strided_slice %get3A_35 {offsets = [5], sizes = [1], strides = [1]} : vector<16xf32> to vector<1xf32>
      %squeeze3A_51 = vector.extract %slice3A_50[0] : f32 from vector<1xf32>
      %slice3A_52 = vector.extract_strided_slice %get3A_35 {offsets = [6], sizes = [1], strides = [1]} : vector<16xf32> to vector<1xf32>
      %squeeze3A_53 = vector.extract %slice3A_52[0] : f32 from vector<1xf32>
      %slice3A_54 = vector.extract_strided_slice %get3A_35 {offsets = [7], sizes = [1], strides = [1]} : vector<16xf32> to vector<1xf32>
      %squeeze3A_55 = vector.extract %slice3A_54[0] : f32 from vector<1xf32>
      %slice3A_56 = vector.extract_strided_slice %get3A_37 {offsets = [0], sizes = [1], strides = [1]} : vector<16xf32> to vector<1xf32>
      %squeeze3A_57 = vector.extract %slice3A_56[0] : f32 from vector<1xf32>
      %slice3A_58 = vector.extract_strided_slice %get3A_37 {offsets = [1], sizes = [1], strides = [1]} : vector<16xf32> to vector<1xf32>
      %squeeze3A_59 = vector.extract %slice3A_58[0] : f32 from vector<1xf32>
      %slice3A_60 = vector.extract_strided_slice %get3A_37 {offsets = [2], sizes = [1], strides = [1]} : vector<16xf32> to vector<1xf32>
      %squeeze3A_61 = vector.extract %slice3A_60[0] : f32 from vector<1xf32>
      %slice3A_62 = vector.extract_strided_slice %get3A_37 {offsets = [3], sizes = [1], strides = [1]} : vector<16xf32> to vector<1xf32>
      %squeeze3A_63 = vector.extract %slice3A_62[0] : f32 from vector<1xf32>
      %slice3A_64 = vector.extract_strided_slice %get3A_37 {offsets = [4], sizes = [1], strides = [1]} : vector<16xf32> to vector<1xf32>
      %squeeze3A_65 = vector.extract %slice3A_64[0] : f32 from vector<1xf32>
      %slice3A_66 = vector.extract_strided_slice %get3A_37 {offsets = [5], sizes = [1], strides = [1]} : vector<16xf32> to vector<1xf32>
      %squeeze3A_67 = vector.extract %slice3A_66[0] : f32 from vector<1xf32>
      %slice3A_68 = vector.extract_strided_slice %get3A_37 {offsets = [6], sizes = [1], strides = [1]} : vector<16xf32> to vector<1xf32>
      %squeeze3A_69 = vector.extract %slice3A_68[0] : f32 from vector<1xf32>
      %slice3A_70 = vector.extract_strided_slice %get3A_37 {offsets = [7], sizes = [1], strides = [1]} : vector<16xf32> to vector<1xf32>
      %squeeze3A_71 = vector.extract %slice3A_70[0] : f32 from vector<1xf32>
      %slice3A_72 = vector.extract_strided_slice %get3A_39 {offsets = [0], sizes = [1], strides = [1]} : vector<16xf32> to vector<1xf32>
      %squeeze3A_73 = vector.extract %slice3A_72[0] : f32 from vector<1xf32>
      %slice3A_74 = vector.extract_strided_slice %get3A_39 {offsets = [1], sizes = [1], strides = [1]} : vector<16xf32> to vector<1xf32>
      %squeeze3A_75 = vector.extract %slice3A_74[0] : f32 from vector<1xf32>
      %slice3A_76 = vector.extract_strided_slice %get3A_39 {offsets = [2], sizes = [1], strides = [1]} : vector<16xf32> to vector<1xf32>
      %squeeze3A_77 = vector.extract %slice3A_76[0] : f32 from vector<1xf32>
      %slice3A_78 = vector.extract_strided_slice %get3A_39 {offsets = [3], sizes = [1], strides = [1]} : vector<16xf32> to vector<1xf32>
      %squeeze3A_79 = vector.extract %slice3A_78[0] : f32 from vector<1xf32>
      %slice3A_80 = vector.extract_strided_slice %get3A_39 {offsets = [4], sizes = [1], strides = [1]} : vector<16xf32> to vector<1xf32>
      %squeeze3A_81 = vector.extract %slice3A_80[0] : f32 from vector<1xf32>
      %slice3A_82 = vector.extract_strided_slice %get3A_39 {offsets = [5], sizes = [1], strides = [1]} : vector<16xf32> to vector<1xf32>
      %squeeze3A_83 = vector.extract %slice3A_82[0] : f32 from vector<1xf32>
      %slice3A_84 = vector.extract_strided_slice %get3A_39 {offsets = [6], sizes = [1], strides = [1]} : vector<16xf32> to vector<1xf32>
      %squeeze3A_85 = vector.extract %slice3A_84[0] : f32 from vector<1xf32>
      %slice3A_86 = vector.extract_strided_slice %get3A_39 {offsets = [7], sizes = [1], strides = [1]} : vector<16xf32> to vector<1xf32>
      %squeeze3A_87 = vector.extract %slice3A_86[0] : f32 from vector<1xf32>
      %slice3A_88 = vector.extract_strided_slice %get3A_41 {offsets = [0], sizes = [1], strides = [1]} : vector<16xf32> to vector<1xf32>
      %squeeze3A_89 = vector.extract %slice3A_88[0] : f32 from vector<1xf32>
      %slice3A_90 = vector.extract_strided_slice %get3A_41 {offsets = [1], sizes = [1], strides = [1]} : vector<16xf32> to vector<1xf32>
      %squeeze3A_91 = vector.extract %slice3A_90[0] : f32 from vector<1xf32>
      %slice3A_92 = vector.extract_strided_slice %get3A_41 {offsets = [2], sizes = [1], strides = [1]} : vector<16xf32> to vector<1xf32>
      %squeeze3A_93 = vector.extract %slice3A_92[0] : f32 from vector<1xf32>
      %slice3A_94 = vector.extract_strided_slice %get3A_41 {offsets = [3], sizes = [1], strides = [1]} : vector<16xf32> to vector<1xf32>
      %squeeze3A_95 = vector.extract %slice3A_94[0] : f32 from vector<1xf32>
      %slice3A_96 = vector.extract_strided_slice %get3A_41 {offsets = [4], sizes = [1], strides = [1]} : vector<16xf32> to vector<1xf32>
      %squeeze3A_97 = vector.extract %slice3A_96[0] : f32 from vector<1xf32>
      %slice3A_98 = vector.extract_strided_slice %get3A_41 {offsets = [5], sizes = [1], strides = [1]} : vector<16xf32> to vector<1xf32>
      %squeeze3A_99 = vector.extract %slice3A_98[0] : f32 from vector<1xf32>
      %slice3A_100 = vector.extract_strided_slice %get3A_41 {offsets = [6], sizes = [1], strides = [1]} : vector<16xf32> to vector<1xf32>
      %squeeze3A_101 = vector.extract %slice3A_100[0] : f32 from vector<1xf32>
      %slice3A_102 = vector.extract_strided_slice %get3A_41 {offsets = [7], sizes = [1], strides = [1]} : vector<16xf32> to vector<1xf32>
      %squeeze3A_103 = vector.extract %slice3A_102[0] : f32 from vector<1xf32>
      %lt3A = arith.constant 8 : i32
      %lt3A_104 = vector.broadcast %lt3A : i32 to vector<16xi32>
      %lt3A_105 = arith.cmpi slt, %iota3A, %lt3A_104 : vector<16xi32>
      %jit3A_106 = arith.constant 0 : i32
      %jit3A_107 = arith.constant 32 : i32
      %broadcast_in_dim3A = vector.broadcast %jit3A_106 : i32 to vector<16xi32>
      %broadcast_in_dim3A_108 = vector.broadcast %jit3A_107 : i32 to vector<16xi32>
      %select_n3A_109 = arith.select %lt3A_105, %broadcast_in_dim3A, %broadcast_in_dim3A_108 : vector<16xi1>, vector<16xi32>
      %while3A = arith.constant 0 : i32
      %while3A_110:2 = scf.while (%while3A_516 = %while3A, %while3A_517 = %select_n3A_109) : (i32, vector<16xi32>) -> (i32, vector<16xi32>) {
        %lt3A_518 = arith.constant 32 : i32
        %lt3A_519 = vector.broadcast %lt3A_518 : i32 to vector<16xi32>
        %lt3A_520 = arith.cmpi slt, %while3A_517, %lt3A_519 : vector<16xi32>
        %all_reduce_population_count3A = tpu.all_reduce %lt3A_520 {dim = 0 : i64, kind = #tpu.reduction_kind<sum>} : vector<16xi1> -> vector<16xi32>
        %slice3A_521 = vector.extract_strided_slice %all_reduce_population_count3A {offsets = [0], sizes = [1], strides = [1]} : vector<16xi32> to vector<1xi32>
        %squeeze3A_522 = vector.extract %slice3A_521[0] : i32 from vector<1xi32>
        %gt3A_523 = arith.constant 0 : i32
        %gt3A_524 = arith.cmpi sgt, %squeeze3A_522, %gt3A_523 : i32
        %lt3A_525 = arith.constant 1024 : i32
        %lt3A_526 = arith.cmpi slt, %while3A_516, %lt3A_525 : i32
        %and3A_527 = arith.andi %gt3A_524, %lt3A_526 : i1
        scf.condition(%and3A_527) %while3A_516, %while3A_517 : i32, vector<16xi32>
      } do {
      ^bb0(%while3A_516: i32, %while3A_517: vector<16xi32>):
        %slice3A_518 = vector.extract_strided_slice %while3A_517 {offsets = [0], sizes = [1], strides = [1]} : vector<16xi32> to vector<1xi32>
        %squeeze3A_519 = vector.extract %slice3A_518[0] : i32 from vector<1xi32>
        %slice3A_520 = vector.extract_strided_slice %while3A_517 {offsets = [1], sizes = [1], strides = [1]} : vector<16xi32> to vector<1xi32>
        %squeeze3A_521 = vector.extract %slice3A_520[0] : i32 from vector<1xi32>
        %slice3A_522 = vector.extract_strided_slice %while3A_517 {offsets = [2], sizes = [1], strides = [1]} : vector<16xi32> to vector<1xi32>
        %squeeze3A_523 = vector.extract %slice3A_522[0] : i32 from vector<1xi32>
        %slice3A_524 = vector.extract_strided_slice %while3A_517 {offsets = [3], sizes = [1], strides = [1]} : vector<16xi32> to vector<1xi32>
        %squeeze3A_525 = vector.extract %slice3A_524[0] : i32 from vector<1xi32>
        %slice3A_526 = vector.extract_strided_slice %while3A_517 {offsets = [4], sizes = [1], strides = [1]} : vector<16xi32> to vector<1xi32>
        %squeeze3A_527 = vector.extract %slice3A_526[0] : i32 from vector<1xi32>
        %slice3A_528 = vector.extract_strided_slice %while3A_517 {offsets = [5], sizes = [1], strides = [1]} : vector<16xi32> to vector<1xi32>
        %squeeze3A_529 = vector.extract %slice3A_528[0] : i32 from vector<1xi32>
        %slice3A_530 = vector.extract_strided_slice %while3A_517 {offsets = [6], sizes = [1], strides = [1]} : vector<16xi32> to vector<1xi32>
        %squeeze3A_531 = vector.extract %slice3A_530[0] : i32 from vector<1xi32>
        %slice3A_532 = vector.extract_strided_slice %while3A_517 {offsets = [7], sizes = [1], strides = [1]} : vector<16xi32> to vector<1xi32>
        %squeeze3A_533 = vector.extract %slice3A_532[0] : i32 from vector<1xi32>
        %mul3A_534 = arith.constant 16 : i32
        %mul3A_535 = arith.muli %while3A_516, %mul3A_534 : i32
        %get3A_536 = arith.index_cast %mul3A_535 : i32 to index
        %get3A_537 = tpu.vector_load %arg13[%get3A_536] {strides = array<i32>} : memref<16384xf32, #tpu.memory_space<vmem>>, vector<16xf32>,
        %bitcast_convert_type3A = tpu.bitcast %get3A_537 : vector<16xf32> -> vector<16xi32>
        %add3A_538 = arith.constant 32767 : i32
        %add3A_539 = vector.broadcast %add3A_538 : i32 to vector<16xi32>
        %add3A_540 = arith.addi %bitcast_convert_type3A, %add3A_539 : vector<16xi32>
        %shift_right_arithmetic3A = arith.constant 16 : i32
        %shift_right_arithmetic3A_541 = vector.broadcast %shift_right_arithmetic3A : i32 to vector<16xi32>
        %shift_right_arithmetic3A_542 = arith.shrsi %bitcast_convert_type3A, %shift_right_arithmetic3A_541 : vector<16xi32>
        %and3A_543 = arith.constant 1 : i32
        %and3A_544 = vector.broadcast %and3A_543 : i32 to vector<16xi32>
        %and3A_545 = arith.andi %shift_right_arithmetic3A_542, %and3A_544 : vector<16xi32>
        %add3A_546 = arith.addi %add3A_540, %and3A_545 : vector<16xi32>
        %and3A_547 = arith.constant -65536 : i32
        %and3A_548 = vector.broadcast %and3A_547 : i32 to vector<16xi32>
        %and3A_549 = arith.andi %add3A_546, %and3A_548 : vector<16xi32>
        %bitcast_convert_type3A_550 = tpu.bitcast %and3A_549 : vector<16xi32> -> vector<16xf32>
        %get3A_551 = arith.index_cast %mul3A_535 : i32 to index
        %get3A_552 = tpu.vector_load %arg14[%get3A_551] {strides = array<i32>} : memref<16384xf32, #tpu.memory_space<vmem>>, vector<16xf32>,
        %bitcast_convert_type3A_553 = tpu.bitcast %get3A_552 : vector<16xf32> -> vector<16xi32>
        %add3A_554 = arith.constant 32767 : i32
        %add3A_555 = vector.broadcast %add3A_554 : i32 to vector<16xi32>
        %add3A_556 = arith.addi %bitcast_convert_type3A_553, %add3A_555 : vector<16xi32>
        %shift_right_arithmetic3A_557 = arith.constant 16 : i32
        %shift_right_arithmetic3A_558 = vector.broadcast %shift_right_arithmetic3A_557 : i32 to vector<16xi32>
        %shift_right_arithmetic3A_559 = arith.shrsi %bitcast_convert_type3A_553, %shift_right_arithmetic3A_558 : vector<16xi32>
        %and3A_560 = arith.constant 1 : i32
        %and3A_561 = vector.broadcast %and3A_560 : i32 to vector<16xi32>
        %and3A_562 = arith.andi %shift_right_arithmetic3A_559, %and3A_561 : vector<16xi32>
        %add3A_563 = arith.addi %add3A_556, %and3A_562 : vector<16xi32>
        %and3A_564 = arith.constant -65536 : i32
        %and3A_565 = vector.broadcast %and3A_564 : i32 to vector<16xi32>
        %and3A_566 = arith.andi %add3A_563, %and3A_565 : vector<16xi32>
        %bitcast_convert_type3A_567 = tpu.bitcast %and3A_566 : vector<16xi32> -> vector<16xf32>
        %get3A_568 = arith.index_cast %mul3A_535 : i32 to index
        %get3A_569 = tpu.vector_load %arg15[%get3A_568] {strides = array<i32>} : memref<16384xf32, #tpu.memory_space<vmem>>, vector<16xf32>,
        %bitcast_convert_type3A_570 = tpu.bitcast %get3A_569 : vector<16xf32> -> vector<16xi32>
        %add3A_571 = arith.constant 32767 : i32
        %add3A_572 = vector.broadcast %add3A_571 : i32 to vector<16xi32>
        %add3A_573 = arith.addi %bitcast_convert_type3A_570, %add3A_572 : vector<16xi32>
        %shift_right_arithmetic3A_574 = arith.constant 16 : i32
        %shift_right_arithmetic3A_575 = vector.broadcast %shift_right_arithmetic3A_574 : i32 to vector<16xi32>
        %shift_right_arithmetic3A_576 = arith.shrsi %bitcast_convert_type3A_570, %shift_right_arithmetic3A_575 : vector<16xi32>
        %and3A_577 = arith.constant 1 : i32
        %and3A_578 = vector.broadcast %and3A_577 : i32 to vector<16xi32>
        %and3A_579 = arith.andi %shift_right_arithmetic3A_576, %and3A_578 : vector<16xi32>
        %add3A_580 = arith.addi %add3A_573, %and3A_579 : vector<16xi32>
        %and3A_581 = arith.constant -65536 : i32
        %and3A_582 = vector.broadcast %and3A_581 : i32 to vector<16xi32>
        %and3A_583 = arith.andi %add3A_580, %and3A_582 : vector<16xi32>
        %bitcast_convert_type3A_584 = tpu.bitcast %and3A_583 : vector<16xi32> -> vector<16xf32>
        %get3A_585 = arith.index_cast %mul3A_535 : i32 to index
        %get3A_586 = tpu.vector_load %arg16[%get3A_585] {strides = array<i32>} : memref<16384xf32, #tpu.memory_space<vmem>>, vector<16xf32>,
        %add3A_587 = vector.broadcast %mul3A_535 : i32 to vector<16xi32>
        %add3A_588 = arith.addi %iota3A, %add3A_587 : vector<16xi32>
        %broadcast_in_dim3A_589 = arith.constant 0 : i32
        %broadcast_in_dim3A_590 = vector.broadcast %broadcast_in_dim3A_589 : i32 to vector<16xi32>
        %mul3A_591 = vector.broadcast %squeeze3A : f32 to vector<16xf32>
        %mul3A_592 = arith.mulf %mul3A_591, %bitcast_convert_type3A_550 : vector<16xf32>
        %mul3A_593 = vector.broadcast %squeeze3A_57 : f32 to vector<16xf32>
        %mul3A_594 = arith.mulf %mul3A_593, %bitcast_convert_type3A_567 : vector<16xf32>
        %add3A_595 = arith.addf %mul3A_592, %mul3A_594 : vector<16xf32>
        %mul3A_596 = vector.broadcast %squeeze3A_73 : f32 to vector<16xf32>
        %mul3A_597 = arith.mulf %mul3A_596, %bitcast_convert_type3A_584 : vector<16xf32>
        %add3A_598 = arith.addf %add3A_595, %mul3A_597 : vector<16xf32>
        %add3A_599 = vector.broadcast %squeeze3A_89 : f32 to vector<16xf32>
        %add3A_600 = arith.addf %add3A_599, %get3A_586 : vector<16xf32>
        %mul3A_601 = arith.constant 2.000000e+00 : f32
        %mul3A_602 = vector.broadcast %mul3A_601 : f32 to vector<16xf32>
        %mul3A_603 = arith.mulf %mul3A_602, %add3A_598 : vector<16xf32>
        %sub3A_604 = arith.subf %add3A_600, %mul3A_603 : vector<16xf32>
        %lt3A_605 = arith.constant 4.000000e-02 : f32
        %lt3A_606 = vector.broadcast %lt3A_605 : f32 to vector<16xf32>
        %lt3A_607 = arith.cmpf olt, %sub3A_604, %lt3A_606 : vector<16xf32>
        %all_reduce_population_count3A = tpu.all_reduce %lt3A_607 {dim = 0 : i64, kind = #tpu.reduction_kind<sum>} : vector<16xi1> -> vector<16xi32>
        %eq3A = arith.constant 0 : i32
        %eq3A_608 = vector.broadcast %eq3A : i32 to vector<16xi32>
        %eq3A_609 = arith.cmpi eq, %iota3A, %eq3A_608 : vector<16xi32>
        %select_n3A_610 = arith.select %eq3A_609, %all_reduce_population_count3A, %broadcast_in_dim3A_590 : vector<16xi1>, vector<16xi32>
        %add3A_611 = arith.constant 0 : i32
        %add3A_612 = arith.addi %add3A_611, %squeeze3A_519 : i32
        %swap3A_613 = arith.index_cast %add3A_612 : i32 to index
        %swap3A_614 = tpu.vector_load %arg21[%swap3A_613] masked %lt3A_607 {strides = array<i32>} : memref<512xi32, #tpu.memory_space<vmem>>, vector<16xi32>, vector<16xi1>
        tpu.vector_store %arg21[%swap3A_613], %add3A_588 masked %lt3A_607 {strides = array<i32>} : memref<512xi32, #tpu.memory_space<vmem>>, vector<16xi32>, vector<16xi1>
        %mul3A_615 = vector.broadcast %squeeze3A_43 : f32 to vector<16xf32>
        %mul3A_616 = arith.mulf %mul3A_615, %bitcast_convert_type3A_550 : vector<16xf32>
        %mul3A_617 = vector.broadcast %squeeze3A_59 : f32 to vector<16xf32>
        %mul3A_618 = arith.mulf %mul3A_617, %bitcast_convert_type3A_567 : vector<16xf32>
        %add3A_619 = arith.addf %mul3A_616, %mul3A_618 : vector<16xf32>
        %mul3A_620 = vector.broadcast %squeeze3A_75 : f32 to vector<16xf32>
        %mul3A_621 = arith.mulf %mul3A_620, %bitcast_convert_type3A_584 : vector<16xf32>
        %add3A_622 = arith.addf %add3A_619, %mul3A_621 : vector<16xf32>
        %add3A_623 = vector.broadcast %squeeze3A_91 : f32 to vector<16xf32>
        %add3A_624 = arith.addf %add3A_623, %get3A_586 : vector<16xf32>
        %mul3A_625 = arith.constant 2.000000e+00 : f32
        %mul3A_626 = vector.broadcast %mul3A_625 : f32 to vector<16xf32>
        %mul3A_627 = arith.mulf %mul3A_626, %add3A_622 : vector<16xf32>
        %sub3A_628 = arith.subf %add3A_624, %mul3A_627 : vector<16xf32>
        %lt3A_629 = arith.constant 4.000000e-02 : f32
        %lt3A_630 = vector.broadcast %lt3A_629 : f32 to vector<16xf32>
        %lt3A_631 = arith.cmpf olt, %sub3A_628, %lt3A_630 : vector<16xf32>
        %all_reduce_population_count3A_632 = tpu.all_reduce %lt3A_631 {dim = 0 : i64, kind = #tpu.reduction_kind<sum>} : vector<16xi1> -> vector<16xi32>
        %eq3A_633 = arith.constant 1 : i32
        %eq3A_634 = vector.broadcast %eq3A_633 : i32 to vector<16xi32>
        %eq3A_635 = arith.cmpi eq, %iota3A, %eq3A_634 : vector<16xi32>
        %select_n3A_636 = arith.select %eq3A_635, %all_reduce_population_count3A_632, %select_n3A_610 : vector<16xi1>, vector<16xi32>
        %add3A_637 = arith.constant 64 : i32
        %add3A_638 = arith.addi %add3A_637, %squeeze3A_521 : i32
        %swap3A_639 = arith.index_cast %add3A_638 : i32 to index
        %swap3A_640 = tpu.vector_load %arg21[%swap3A_639] masked %lt3A_631 {strides = array<i32>} : memref<512xi32, #tpu.memory_space<vmem>>, vector<16xi32>, vector<16xi1>
        tpu.vector_store %arg21[%swap3A_639], %add3A_588 masked %lt3A_631 {strides = array<i32>} : memref<512xi32, #tpu.memory_space<vmem>>, vector<16xi32>, vector<16xi1>
        %mul3A_641 = vector.broadcast %squeeze3A_45 : f32 to vector<16xf32>
        %mul3A_642 = arith.mulf %mul3A_641, %bitcast_convert_type3A_550 : vector<16xf32>
        %mul3A_643 = vector.broadcast %squeeze3A_61 : f32 to vector<16xf32>
        %mul3A_644 = arith.mulf %mul3A_643, %bitcast_convert_type3A_567 : vector<16xf32>
        %add3A_645 = arith.addf %mul3A_642, %mul3A_644 : vector<16xf32>
        %mul3A_646 = vector.broadcast %squeeze3A_77 : f32 to vector<16xf32>
        %mul3A_647 = arith.mulf %mul3A_646, %bitcast_convert_type3A_584 : vector<16xf32>
        %add3A_648 = arith.addf %add3A_645, %mul3A_647 : vector<16xf32>
        %add3A_649 = vector.broadcast %squeeze3A_93 : f32 to vector<16xf32>
        %add3A_650 = arith.addf %add3A_649, %get3A_586 : vector<16xf32>
        %mul3A_651 = arith.constant 2.000000e+00 : f32
        %mul3A_652 = vector.broadcast %mul3A_651 : f32 to vector<16xf32>
        %mul3A_653 = arith.mulf %mul3A_652, %add3A_648 : vector<16xf32>
        %sub3A_654 = arith.subf %add3A_650, %mul3A_653 : vector<16xf32>
        %lt3A_655 = arith.constant 4.000000e-02 : f32
        %lt3A_656 = vector.broadcast %lt3A_655 : f32 to vector<16xf32>
        %lt3A_657 = arith.cmpf olt, %sub3A_654, %lt3A_656 : vector<16xf32>
        %all_reduce_population_count3A_658 = tpu.all_reduce %lt3A_657 {dim = 0 : i64, kind = #tpu.reduction_kind<sum>} : vector<16xi1> -> vector<16xi32>
        %eq3A_659 = arith.constant 2 : i32
        %eq3A_660 = vector.broadcast %eq3A_659 : i32 to vector<16xi32>
        %eq3A_661 = arith.cmpi eq, %iota3A, %eq3A_660 : vector<16xi32>
        %select_n3A_662 = arith.select %eq3A_661, %all_reduce_population_count3A_658, %select_n3A_636 : vector<16xi1>, vector<16xi32>
        %add3A_663 = arith.constant 128 : i32
        %add3A_664 = arith.addi %add3A_663, %squeeze3A_523 : i32
        %swap3A_665 = arith.index_cast %add3A_664 : i32 to index
        %swap3A_666 = tpu.vector_load %arg21[%swap3A_665] masked %lt3A_657 {strides = array<i32>} : memref<512xi32, #tpu.memory_space<vmem>>, vector<16xi32>, vector<16xi1>
        tpu.vector_store %arg21[%swap3A_665], %add3A_588 masked %lt3A_657 {strides = array<i32>} : memref<512xi32, #tpu.memory_space<vmem>>, vector<16xi32>, vector<16xi1>
        %mul3A_667 = vector.broadcast %squeeze3A_47 : f32 to vector<16xf32>
        %mul3A_668 = arith.mulf %mul3A_667, %bitcast_convert_type3A_550 : vector<16xf32>
        %mul3A_669 = vector.broadcast %squeeze3A_63 : f32 to vector<16xf32>
        %mul3A_670 = arith.mulf %mul3A_669, %bitcast_convert_type3A_567 : vector<16xf32>
        %add3A_671 = arith.addf %mul3A_668, %mul3A_670 : vector<16xf32>
        %mul3A_672 = vector.broadcast %squeeze3A_79 : f32 to vector<16xf32>
        %mul3A_673 = arith.mulf %mul3A_672, %bitcast_convert_type3A_584 : vector<16xf32>
        %add3A_674 = arith.addf %add3A_671, %mul3A_673 : vector<16xf32>
        %add3A_675 = vector.broadcast %squeeze3A_95 : f32 to vector<16xf32>
        %add3A_676 = arith.addf %add3A_675, %get3A_586 : vector<16xf32>
        %mul3A_677 = arith.constant 2.000000e+00 : f32
        %mul3A_678 = vector.broadcast %mul3A_677 : f32 to vector<16xf32>
        %mul3A_679 = arith.mulf %mul3A_678, %add3A_674 : vector<16xf32>
        %sub3A_680 = arith.subf %add3A_676, %mul3A_679 : vector<16xf32>
        %lt3A_681 = arith.constant 4.000000e-02 : f32
        %lt3A_682 = vector.broadcast %lt3A_681 : f32 to vector<16xf32>
        %lt3A_683 = arith.cmpf olt, %sub3A_680, %lt3A_682 : vector<16xf32>
        %all_reduce_population_count3A_684 = tpu.all_reduce %lt3A_683 {dim = 0 : i64, kind = #tpu.reduction_kind<sum>} : vector<16xi1> -> vector<16xi32>
        %eq3A_685 = arith.constant 3 : i32
        %eq3A_686 = vector.broadcast %eq3A_685 : i32 to vector<16xi32>
        %eq3A_687 = arith.cmpi eq, %iota3A, %eq3A_686 : vector<16xi32>
        %select_n3A_688 = arith.select %eq3A_687, %all_reduce_population_count3A_684, %select_n3A_662 : vector<16xi1>, vector<16xi32>
        %add3A_689 = arith.constant 192 : i32
        %add3A_690 = arith.addi %add3A_689, %squeeze3A_525 : i32
        %swap3A_691 = arith.index_cast %add3A_690 : i32 to index
        %swap3A_692 = tpu.vector_load %arg21[%swap3A_691] masked %lt3A_683 {strides = array<i32>} : memref<512xi32, #tpu.memory_space<vmem>>, vector<16xi32>, vector<16xi1>
        tpu.vector_store %arg21[%swap3A_691], %add3A_588 masked %lt3A_683 {strides = array<i32>} : memref<512xi32, #tpu.memory_space<vmem>>, vector<16xi32>, vector<16xi1>
        %mul3A_693 = vector.broadcast %squeeze3A_49 : f32 to vector<16xf32>
        %mul3A_694 = arith.mulf %mul3A_693, %bitcast_convert_type3A_550 : vector<16xf32>
        %mul3A_695 = vector.broadcast %squeeze3A_65 : f32 to vector<16xf32>
        %mul3A_696 = arith.mulf %mul3A_695, %bitcast_convert_type3A_567 : vector<16xf32>
        %add3A_697 = arith.addf %mul3A_694, %mul3A_696 : vector<16xf32>
        %mul3A_698 = vector.broadcast %squeeze3A_81 : f32 to vector<16xf32>
        %mul3A_699 = arith.mulf %mul3A_698, %bitcast_convert_type3A_584 : vector<16xf32>
        %add3A_700 = arith.addf %add3A_697, %mul3A_699 : vector<16xf32>
        %add3A_701 = vector.broadcast %squeeze3A_97 : f32 to vector<16xf32>
        %add3A_702 = arith.addf %add3A_701, %get3A_586 : vector<16xf32>
        %mul3A_703 = arith.constant 2.000000e+00 : f32
        %mul3A_704 = vector.broadcast %mul3A_703 : f32 to vector<16xf32>
        %mul3A_705 = arith.mulf %mul3A_704, %add3A_700 : vector<16xf32>
        %sub3A_706 = arith.subf %add3A_702, %mul3A_705 : vector<16xf32>
        %lt3A_707 = arith.constant 4.000000e-02 : f32
        %lt3A_708 = vector.broadcast %lt3A_707 : f32 to vector<16xf32>
        %lt3A_709 = arith.cmpf olt, %sub3A_706, %lt3A_708 : vector<16xf32>
        %all_reduce_population_count3A_710 = tpu.all_reduce %lt3A_709 {dim = 0 : i64, kind = #tpu.reduction_kind<sum>} : vector<16xi1> -> vector<16xi32>
        %eq3A_711 = arith.constant 4 : i32
        %eq3A_712 = vector.broadcast %eq3A_711 : i32 to vector<16xi32>
        %eq3A_713 = arith.cmpi eq, %iota3A, %eq3A_712 : vector<16xi32>
        %select_n3A_714 = arith.select %eq3A_713, %all_reduce_population_count3A_710, %select_n3A_688 : vector<16xi1>, vector<16xi32>
        %add3A_715 = arith.constant 256 : i32
        %add3A_716 = arith.addi %add3A_715, %squeeze3A_527 : i32
        %swap3A_717 = arith.index_cast %add3A_716 : i32 to index
        %swap3A_718 = tpu.vector_load %arg21[%swap3A_717] masked %lt3A_709 {strides = array<i32>} : memref<512xi32, #tpu.memory_space<vmem>>, vector<16xi32>, vector<16xi1>
        tpu.vector_store %arg21[%swap3A_717], %add3A_588 masked %lt3A_709 {strides = array<i32>} : memref<512xi32, #tpu.memory_space<vmem>>, vector<16xi32>, vector<16xi1>
        %mul3A_719 = vector.broadcast %squeeze3A_51 : f32 to vector<16xf32>
        %mul3A_720 = arith.mulf %mul3A_719, %bitcast_convert_type3A_550 : vector<16xf32>
        %mul3A_721 = vector.broadcast %squeeze3A_67 : f32 to vector<16xf32>
        %mul3A_722 = arith.mulf %mul3A_721, %bitcast_convert_type3A_567 : vector<16xf32>
        %add3A_723 = arith.addf %mul3A_720, %mul3A_722 : vector<16xf32>
        %mul3A_724 = vector.broadcast %squeeze3A_83 : f32 to vector<16xf32>
        %mul3A_725 = arith.mulf %mul3A_724, %bitcast_convert_type3A_584 : vector<16xf32>
        %add3A_726 = arith.addf %add3A_723, %mul3A_725 : vector<16xf32>
        %add3A_727 = vector.broadcast %squeeze3A_99 : f32 to vector<16xf32>
        %add3A_728 = arith.addf %add3A_727, %get3A_586 : vector<16xf32>
        %mul3A_729 = arith.constant 2.000000e+00 : f32
        %mul3A_730 = vector.broadcast %mul3A_729 : f32 to vector<16xf32>
        %mul3A_731 = arith.mulf %mul3A_730, %add3A_726 : vector<16xf32>
        %sub3A_732 = arith.subf %add3A_728, %mul3A_731 : vector<16xf32>
        %lt3A_733 = arith.constant 4.000000e-02 : f32
        %lt3A_734 = vector.broadcast %lt3A_733 : f32 to vector<16xf32>
        %lt3A_735 = arith.cmpf olt, %sub3A_732, %lt3A_734 : vector<16xf32>
        %all_reduce_population_count3A_736 = tpu.all_reduce %lt3A_735 {dim = 0 : i64, kind = #tpu.reduction_kind<sum>} : vector<16xi1> -> vector<16xi32>
        %eq3A_737 = arith.constant 5 : i32
        %eq3A_738 = vector.broadcast %eq3A_737 : i32 to vector<16xi32>
        %eq3A_739 = arith.cmpi eq, %iota3A, %eq3A_738 : vector<16xi32>
        %select_n3A_740 = arith.select %eq3A_739, %all_reduce_population_count3A_736, %select_n3A_714 : vector<16xi1>, vector<16xi32>
        %add3A_741 = arith.constant 320 : i32
        %add3A_742 = arith.addi %add3A_741, %squeeze3A_529 : i32
        %swap3A_743 = arith.index_cast %add3A_742 : i32 to index
        %swap3A_744 = tpu.vector_load %arg21[%swap3A_743] masked %lt3A_735 {strides = array<i32>} : memref<512xi32, #tpu.memory_space<vmem>>, vector<16xi32>, vector<16xi1>
        tpu.vector_store %arg21[%swap3A_743], %add3A_588 masked %lt3A_735 {strides = array<i32>} : memref<512xi32, #tpu.memory_space<vmem>>, vector<16xi32>, vector<16xi1>
        %mul3A_745 = vector.broadcast %squeeze3A_53 : f32 to vector<16xf32>
        %mul3A_746 = arith.mulf %mul3A_745, %bitcast_convert_type3A_550 : vector<16xf32>
        %mul3A_747 = vector.broadcast %squeeze3A_69 : f32 to vector<16xf32>
        %mul3A_748 = arith.mulf %mul3A_747, %bitcast_convert_type3A_567 : vector<16xf32>
        %add3A_749 = arith.addf %mul3A_746, %mul3A_748 : vector<16xf32>
        %mul3A_750 = vector.broadcast %squeeze3A_85 : f32 to vector<16xf32>
        %mul3A_751 = arith.mulf %mul3A_750, %bitcast_convert_type3A_584 : vector<16xf32>
        %add3A_752 = arith.addf %add3A_749, %mul3A_751 : vector<16xf32>
        %add3A_753 = vector.broadcast %squeeze3A_101 : f32 to vector<16xf32>
        %add3A_754 = arith.addf %add3A_753, %get3A_586 : vector<16xf32>
        %mul3A_755 = arith.constant 2.000000e+00 : f32
        %mul3A_756 = vector.broadcast %mul3A_755 : f32 to vector<16xf32>
        %mul3A_757 = arith.mulf %mul3A_756, %add3A_752 : vector<16xf32>
        %sub3A_758 = arith.subf %add3A_754, %mul3A_757 : vector<16xf32>
        %lt3A_759 = arith.constant 4.000000e-02 : f32
        %lt3A_760 = vector.broadcast %lt3A_759 : f32 to vector<16xf32>
        %lt3A_761 = arith.cmpf olt, %sub3A_758, %lt3A_760 : vector<16xf32>
        %all_reduce_population_count3A_762 = tpu.all_reduce %lt3A_761 {dim = 0 : i64, kind = #tpu.reduction_kind<sum>} : vector<16xi1> -> vector<16xi32>
        %eq3A_763 = arith.constant 6 : i32
        %eq3A_764 = vector.broadcast %eq3A_763 : i32 to vector<16xi32>
        %eq3A_765 = arith.cmpi eq, %iota3A, %eq3A_764 : vector<16xi32>
        %select_n3A_766 = arith.select %eq3A_765, %all_reduce_population_count3A_762, %select_n3A_740 : vector<16xi1>, vector<16xi32>
        %add3A_767 = arith.constant 384 : i32
        %add3A_768 = arith.addi %add3A_767, %squeeze3A_531 : i32
        %swap3A_769 = arith.index_cast %add3A_768 : i32 to index
        %swap3A_770 = tpu.vector_load %arg21[%swap3A_769] masked %lt3A_761 {strides = array<i32>} : memref<512xi32, #tpu.memory_space<vmem>>, vector<16xi32>, vector<16xi1>
        tpu.vector_store %arg21[%swap3A_769], %add3A_588 masked %lt3A_761 {strides = array<i32>} : memref<512xi32, #tpu.memory_space<vmem>>, vector<16xi32>, vector<16xi1>
        %mul3A_771 = vector.broadcast %squeeze3A_55 : f32 to vector<16xf32>
        %mul3A_772 = arith.mulf %mul3A_771, %bitcast_convert_type3A_550 : vector<16xf32>
        %mul3A_773 = vector.broadcast %squeeze3A_71 : f32 to vector<16xf32>
        %mul3A_774 = arith.mulf %mul3A_773, %bitcast_convert_type3A_567 : vector<16xf32>
        %add3A_775 = arith.addf %mul3A_772, %mul3A_774 : vector<16xf32>
        %mul3A_776 = vector.broadcast %squeeze3A_87 : f32 to vector<16xf32>
        %mul3A_777 = arith.mulf %mul3A_776, %bitcast_convert_type3A_584 : vector<16xf32>
        %add3A_778 = arith.addf %add3A_775, %mul3A_777 : vector<16xf32>
        %add3A_779 = vector.broadcast %squeeze3A_103 : f32 to vector<16xf32>
        %add3A_780 = arith.addf %add3A_779, %get3A_586 : vector<16xf32>
        %mul3A_781 = arith.constant 2.000000e+00 : f32
        %mul3A_782 = vector.broadcast %mul3A_781 : f32 to vector<16xf32>
        %mul3A_783 = arith.mulf %mul3A_782, %add3A_778 : vector<16xf32>
        %sub3A_784 = arith.subf %add3A_780, %mul3A_783 : vector<16xf32>
        %lt3A_785 = arith.constant 4.000000e-02 : f32
        %lt3A_786 = vector.broadcast %lt3A_785 : f32 to vector<16xf32>
        %lt3A_787 = arith.cmpf olt, %sub3A_784, %lt3A_786 : vector<16xf32>
        %all_reduce_population_count3A_788 = tpu.all_reduce %lt3A_787 {dim = 0 : i64, kind = #tpu.reduction_kind<sum>} : vector<16xi1> -> vector<16xi32>
        %eq3A_789 = arith.constant 7 : i32
        %eq3A_790 = vector.broadcast %eq3A_789 : i32 to vector<16xi32>
        %eq3A_791 = arith.cmpi eq, %iota3A, %eq3A_790 : vector<16xi32>
        %select_n3A_792 = arith.select %eq3A_791, %all_reduce_population_count3A_788, %select_n3A_766 : vector<16xi1>, vector<16xi32>
        %add3A_793 = arith.constant 448 : i32
        %add3A_794 = arith.addi %add3A_793, %squeeze3A_533 : i32
        %swap3A_795 = arith.index_cast %add3A_794 : i32 to index
        %swap3A_796 = tpu.vector_load %arg21[%swap3A_795] masked %lt3A_787 {strides = array<i32>} : memref<512xi32, #tpu.memory_space<vmem>>, vector<16xi32>, vector<16xi1>
        tpu.vector_store %arg21[%swap3A_795], %add3A_588 masked %lt3A_787 {strides = array<i32>} : memref<512xi32, #tpu.memory_space<vmem>>, vector<16xi32>, vector<16xi1>
        %lt3A_797 = arith.constant 32 : i32
        %lt3A_798 = vector.broadcast %lt3A_797 : i32 to vector<16xi32>
        %lt3A_799 = arith.cmpi slt, %while3A_517, %lt3A_798 : vector<16xi32>
        %add3A_800 = arith.addi %while3A_517, %select_n3A_792 : vector<16xi32>
        %select_n3A_801 = arith.select %lt3A_799, %add3A_800, %while3A_517 : vector<16xi1>, vector<16xi32>
        %add3A_802 = arith.constant 1 : i32
        %add3A_803 = arith.addi %while3A_516, %add3A_802 : i32
        scf.yield %add3A_803, %select_n3A_801 : i32, vector<16xi32>
      }
      %slice3A_111 = vector.extract_strided_slice %while3A_110#1 {offsets = [0], sizes = [1], strides = [1]} : vector<16xi32> to vector<1xi32>
      %squeeze3A_112 = vector.extract %slice3A_111[0] : i32 from vector<1xi32>
      %get3A_113 = arith.constant 0 : index
      %get3A_114 = tpu.vector_load %arg21[%get3A_113] {strides = array<i32>} : memref<512xi32, #tpu.memory_space<vmem>>, vector<16xi32>,
      %get3A_115 = arith.constant 16 : index
      %get3A_116 = tpu.vector_load %arg21[%get3A_115] {strides = array<i32>} : memref<512xi32, #tpu.memory_space<vmem>>, vector<16xi32>,
      %gt3A = arith.constant 0 : i32
      %gt3A_117 = arith.cmpi sgt, %squeeze3A_112, %gt3A : i32
      %slice3A_118 = vector.extract_strided_slice %get3A_114 {offsets = [0], sizes = [1], strides = [1]} : vector<16xi32> to vector<1xi32>
      %squeeze3A_119 = vector.extract %slice3A_118[0] : i32 from vector<1xi32>
      %jit3A_120 = arith.constant 0 : i32
      %select_n3A_121 = arith.select %gt3A_117, %squeeze3A_119, %jit3A_120 : i32
      %lt3A_122 = vector.broadcast %squeeze3A_112 : i32 to vector<16xi32>
      %lt3A_123 = arith.cmpi slt, %iota3A, %lt3A_122 : vector<16xi32>
      %broadcast_in_dim3A_124 = vector.broadcast %select_n3A_121 : i32 to vector<16xi32>
      %select_n3A_125 = arith.select %lt3A_123, %get3A_114, %broadcast_in_dim3A_124 : vector<16xi1>, vector<16xi32>
      %add3A_126 = arith.constant 16 : i32
      %add3A_127 = vector.broadcast %add3A_126 : i32 to vector<16xi32>
      %add3A_128 = arith.addi %iota3A, %add3A_127 : vector<16xi32>
      %lt3A_129 = vector.broadcast %squeeze3A_112 : i32 to vector<16xi32>
      %lt3A_130 = arith.cmpi slt, %add3A_128, %lt3A_129 : vector<16xi32>
      %broadcast_in_dim3A_131 = vector.broadcast %select_n3A_121 : i32 to vector<16xi32>
      %select_n3A_132 = arith.select %lt3A_130, %get3A_116, %broadcast_in_dim3A_131 : vector<16xi1>, vector<16xi32>
      %add3A_133 = arith.constant 0 : i32
      %add3A_134 = arith.addi %mul3A_34, %add3A_133 : i32
      %mul3A_135 = arith.constant 32 : i32
      %mul3A_136 = arith.muli %add3A_134, %mul3A_135 : i32
      %gather3A = tpu.vector_load_idx %arg13[%select_n3A_125] : memref<16384xf32, #tpu.memory_space<vmem>>[vector<16xi32>], vector<16xf32>,
      %swap3A = arith.index_cast %mul3A_136 : i32 to index
      %swap3A_137 = tpu.vector_load %arg22[%swap3A] {strides = array<i32>} : memref<8192xf32, #tpu.memory_space<vmem>>, vector<16xf32>,
      tpu.vector_store %arg22[%swap3A], %gather3A {strides = array<i32>} : memref<8192xf32, #tpu.memory_space<vmem>>, vector<16xf32>,
      %gather3A_138 = tpu.vector_load_idx %arg13[%select_n3A_132] : memref<16384xf32, #tpu.memory_space<vmem>>[vector<16xi32>], vector<16xf32>,
      %add3A_139 = arith.constant 16 : i32
      %add3A_140 = arith.addi %mul3A_136, %add3A_139 : i32
      %swap3A_141 = arith.index_cast %add3A_140 : i32 to index
      %swap3A_142 = tpu.vector_load %arg22[%swap3A_141] {strides = array<i32>} : memref<8192xf32, #tpu.memory_space<vmem>>, vector<16xf32>,
      tpu.vector_store %arg22[%swap3A_141], %gather3A_138 {strides = array<i32>} : memref<8192xf32, #tpu.memory_space<vmem>>, vector<16xf32>,
      %gather3A_143 = tpu.vector_load_idx %arg14[%select_n3A_125] : memref<16384xf32, #tpu.memory_space<vmem>>[vector<16xi32>], vector<16xf32>,
      %swap3A_144 = arith.index_cast %mul3A_136 : i32 to index
      %swap3A_145 = tpu.vector_load %arg23[%swap3A_144] {strides = array<i32>} : memref<8192xf32, #tpu.memory_space<vmem>>, vector<16xf32>,
      tpu.vector_store %arg23[%swap3A_144], %gather3A_143 {strides = array<i32>} : memref<8192xf32, #tpu.memory_space<vmem>>, vector<16xf32>,
      %gather3A_146 = tpu.vector_load_idx %arg14[%select_n3A_132] : memref<16384xf32, #tpu.memory_space<vmem>>[vector<16xi32>], vector<16xf32>,
      %add3A_147 = arith.constant 16 : i32
      %add3A_148 = arith.addi %mul3A_136, %add3A_147 : i32
      %swap3A_149 = arith.index_cast %add3A_148 : i32 to index
      %swap3A_150 = tpu.vector_load %arg23[%swap3A_149] {strides = array<i32>} : memref<8192xf32, #tpu.memory_space<vmem>>, vector<16xf32>,
      tpu.vector_store %arg23[%swap3A_149], %gather3A_146 {strides = array<i32>} : memref<8192xf32, #tpu.memory_space<vmem>>, vector<16xf32>,
      %gather3A_151 = tpu.vector_load_idx %arg15[%select_n3A_125] : memref<16384xf32, #tpu.memory_space<vmem>>[vector<16xi32>], vector<16xf32>,
      %swap3A_152 = arith.index_cast %mul3A_136 : i32 to index
      %swap3A_153 = tpu.vector_load %arg24[%swap3A_152] {strides = array<i32>} : memref<8192xf32, #tpu.memory_space<vmem>>, vector<16xf32>,
      tpu.vector_store %arg24[%swap3A_152], %gather3A_151 {strides = array<i32>} : memref<8192xf32, #tpu.memory_space<vmem>>, vector<16xf32>,
      %gather3A_154 = tpu.vector_load_idx %arg15[%select_n3A_132] : memref<16384xf32, #tpu.memory_space<vmem>>[vector<16xi32>], vector<16xf32>,
      %add3A_155 = arith.constant 16 : i32
      %add3A_156 = arith.addi %mul3A_136, %add3A_155 : i32
      %swap3A_157 = arith.index_cast %add3A_156 : i32 to index
      %swap3A_158 = tpu.vector_load %arg24[%swap3A_157] {strides = array<i32>} : memref<8192xf32, #tpu.memory_space<vmem>>, vector<16xf32>,
      tpu.vector_store %arg24[%swap3A_157], %gather3A_154 {strides = array<i32>} : memref<8192xf32, #tpu.memory_space<vmem>>, vector<16xf32>,
      %slice3A_159 = vector.extract_strided_slice %while3A_110#1 {offsets = [1], sizes = [1], strides = [1]} : vector<16xi32> to vector<1xi32>
      %squeeze3A_160 = vector.extract %slice3A_159[0] : i32 from vector<1xi32>
      %get3A_161 = arith.constant 64 : index
      %get3A_162 = tpu.vector_load %arg21[%get3A_161] {strides = array<i32>} : memref<512xi32, #tpu.memory_space<vmem>>, vector<16xi32>,
      %get3A_163 = arith.constant 80 : index
      %get3A_164 = tpu.vector_load %arg21[%get3A_163] {strides = array<i32>} : memref<512xi32, #tpu.memory_space<vmem>>, vector<16xi32>,
      %gt3A_165 = arith.constant 0 : i32
      %gt3A_166 = arith.cmpi sgt, %squeeze3A_160, %gt3A_165 : i32
      %slice3A_167 = vector.extract_strided_slice %get3A_162 {offsets = [0], sizes = [1], strides = [1]} : vector<16xi32> to vector<1xi32>
      %squeeze3A_168 = vector.extract %slice3A_167[0] : i32 from vector<1xi32>
      %jit3A_169 = arith.constant 0 : i32
      %select_n3A_170 = arith.select %gt3A_166, %squeeze3A_168, %jit3A_169 : i32
      %lt3A_171 = vector.broadcast %squeeze3A_160 : i32 to vector<16xi32>
      %lt3A_172 = arith.cmpi slt, %iota3A, %lt3A_171 : vector<16xi32>
      %broadcast_in_dim3A_173 = vector.broadcast %select_n3A_170 : i32 to vector<16xi32>
      %select_n3A_174 = arith.select %lt3A_172, %get3A_162, %broadcast_in_dim3A_173 : vector<16xi1>, vector<16xi32>
      %add3A_175 = arith.constant 16 : i32
      %add3A_176 = vector.broadcast %add3A_175 : i32 to vector<16xi32>
      %add3A_177 = arith.addi %iota3A, %add3A_176 : vector<16xi32>
      %lt3A_178 = vector.broadcast %squeeze3A_160 : i32 to vector<16xi32>
      %lt3A_179 = arith.cmpi slt, %add3A_177, %lt3A_178 : vector<16xi32>
      %broadcast_in_dim3A_180 = vector.broadcast %select_n3A_170 : i32 to vector<16xi32>
      %select_n3A_181 = arith.select %lt3A_179, %get3A_164, %broadcast_in_dim3A_180 : vector<16xi1>, vector<16xi32>
      %add3A_182 = arith.constant 1 : i32
      %add3A_183 = arith.addi %mul3A_34, %add3A_182 : i32
      %mul3A_184 = arith.constant 32 : i32
      %mul3A_185 = arith.muli %add3A_183, %mul3A_184 : i32
      %gather3A_186 = tpu.vector_load_idx %arg13[%select_n3A_174] : memref<16384xf32, #tpu.memory_space<vmem>>[vector<16xi32>], vector<16xf32>,
      %swap3A_187 = arith.index_cast %mul3A_185 : i32 to index
      %swap3A_188 = tpu.vector_load %arg22[%swap3A_187] {strides = array<i32>} : memref<8192xf32, #tpu.memory_space<vmem>>, vector<16xf32>,
      tpu.vector_store %arg22[%swap3A_187], %gather3A_186 {strides = array<i32>} : memref<8192xf32, #tpu.memory_space<vmem>>, vector<16xf32>,
      %gather3A_189 = tpu.vector_load_idx %arg13[%select_n3A_181] : memref<16384xf32, #tpu.memory_space<vmem>>[vector<16xi32>], vector<16xf32>,
      %add3A_190 = arith.constant 16 : i32
      %add3A_191 = arith.addi %mul3A_185, %add3A_190 : i32
      %swap3A_192 = arith.index_cast %add3A_191 : i32 to index
      %swap3A_193 = tpu.vector_load %arg22[%swap3A_192] {strides = array<i32>} : memref<8192xf32, #tpu.memory_space<vmem>>, vector<16xf32>,
      tpu.vector_store %arg22[%swap3A_192], %gather3A_189 {strides = array<i32>} : memref<8192xf32, #tpu.memory_space<vmem>>, vector<16xf32>,
      %gather3A_194 = tpu.vector_load_idx %arg14[%select_n3A_174] : memref<16384xf32, #tpu.memory_space<vmem>>[vector<16xi32>], vector<16xf32>,
      %swap3A_195 = arith.index_cast %mul3A_185 : i32 to index
      %swap3A_196 = tpu.vector_load %arg23[%swap3A_195] {strides = array<i32>} : memref<8192xf32, #tpu.memory_space<vmem>>, vector<16xf32>,
      tpu.vector_store %arg23[%swap3A_195], %gather3A_194 {strides = array<i32>} : memref<8192xf32, #tpu.memory_space<vmem>>, vector<16xf32>,
      %gather3A_197 = tpu.vector_load_idx %arg14[%select_n3A_181] : memref<16384xf32, #tpu.memory_space<vmem>>[vector<16xi32>], vector<16xf32>,
      %add3A_198 = arith.constant 16 : i32
      %add3A_199 = arith.addi %mul3A_185, %add3A_198 : i32
      %swap3A_200 = arith.index_cast %add3A_199 : i32 to index
      %swap3A_201 = tpu.vector_load %arg23[%swap3A_200] {strides = array<i32>} : memref<8192xf32, #tpu.memory_space<vmem>>, vector<16xf32>,
      tpu.vector_store %arg23[%swap3A_200], %gather3A_197 {strides = array<i32>} : memref<8192xf32, #tpu.memory_space<vmem>>, vector<16xf32>,
      %gather3A_202 = tpu.vector_load_idx %arg15[%select_n3A_174] : memref<16384xf32, #tpu.memory_space<vmem>>[vector<16xi32>], vector<16xf32>,
      %swap3A_203 = arith.index_cast %mul3A_185 : i32 to index
      %swap3A_204 = tpu.vector_load %arg24[%swap3A_203] {strides = array<i32>} : memref<8192xf32, #tpu.memory_space<vmem>>, vector<16xf32>,
      tpu.vector_store %arg24[%swap3A_203], %gather3A_202 {strides = array<i32>} : memref<8192xf32, #tpu.memory_space<vmem>>, vector<16xf32>,
      %gather3A_205 = tpu.vector_load_idx %arg15[%select_n3A_181] : memref<16384xf32, #tpu.memory_space<vmem>>[vector<16xi32>], vector<16xf32>,
      %add3A_206 = arith.constant 16 : i32
      %add3A_207 = arith.addi %mul3A_185, %add3A_206 : i32
      %swap3A_208 = arith.index_cast %add3A_207 : i32 to index
      %swap3A_209 = tpu.vector_load %arg24[%swap3A_208] {strides = array<i32>} : memref<8192xf32, #tpu.memory_space<vmem>>, vector<16xf32>,
      tpu.vector_store %arg24[%swap3A_208], %gather3A_205 {strides = array<i32>} : memref<8192xf32, #tpu.memory_space<vmem>>, vector<16xf32>,
      %slice3A_210 = vector.extract_strided_slice %while3A_110#1 {offsets = [2], sizes = [1], strides = [1]} : vector<16xi32> to vector<1xi32>
      %squeeze3A_211 = vector.extract %slice3A_210[0] : i32 from vector<1xi32>
      %get3A_212 = arith.constant 128 : index
      %get3A_213 = tpu.vector_load %arg21[%get3A_212] {strides = array<i32>} : memref<512xi32, #tpu.memory_space<vmem>>, vector<16xi32>,
      %get3A_214 = arith.constant 144 : index
      %get3A_215 = tpu.vector_load %arg21[%get3A_214] {strides = array<i32>} : memref<512xi32, #tpu.memory_space<vmem>>, vector<16xi32>,
      %gt3A_216 = arith.constant 0 : i32
      %gt3A_217 = arith.cmpi sgt, %squeeze3A_211, %gt3A_216 : i32
      %slice3A_218 = vector.extract_strided_slice %get3A_213 {offsets = [0], sizes = [1], strides = [1]} : vector<16xi32> to vector<1xi32>
      %squeeze3A_219 = vector.extract %slice3A_218[0] : i32 from vector<1xi32>
      %jit3A_220 = arith.constant 0 : i32
      %select_n3A_221 = arith.select %gt3A_217, %squeeze3A_219, %jit3A_220 : i32
      %lt3A_222 = vector.broadcast %squeeze3A_211 : i32 to vector<16xi32>
      %lt3A_223 = arith.cmpi slt, %iota3A, %lt3A_222 : vector<16xi32>
      %broadcast_in_dim3A_224 = vector.broadcast %select_n3A_221 : i32 to vector<16xi32>
      %select_n3A_225 = arith.select %lt3A_223, %get3A_213, %broadcast_in_dim3A_224 : vector<16xi1>, vector<16xi32>
      %add3A_226 = arith.constant 16 : i32
      %add3A_227 = vector.broadcast %add3A_226 : i32 to vector<16xi32>
      %add3A_228 = arith.addi %iota3A, %add3A_227 : vector<16xi32>
      %lt3A_229 = vector.broadcast %squeeze3A_211 : i32 to vector<16xi32>
      %lt3A_230 = arith.cmpi slt, %add3A_228, %lt3A_229 : vector<16xi32>
      %broadcast_in_dim3A_231 = vector.broadcast %select_n3A_221 : i32 to vector<16xi32>
      %select_n3A_232 = arith.select %lt3A_230, %get3A_215, %broadcast_in_dim3A_231 : vector<16xi1>, vector<16xi32>
      %add3A_233 = arith.constant 2 : i32
      %add3A_234 = arith.addi %mul3A_34, %add3A_233 : i32
      %mul3A_235 = arith.constant 32 : i32
      %mul3A_236 = arith.muli %add3A_234, %mul3A_235 : i32
      %gather3A_237 = tpu.vector_load_idx %arg13[%select_n3A_225] : memref<16384xf32, #tpu.memory_space<vmem>>[vector<16xi32>], vector<16xf32>,
      %swap3A_238 = arith.index_cast %mul3A_236 : i32 to index
      %swap3A_239 = tpu.vector_load %arg22[%swap3A_238] {strides = array<i32>} : memref<8192xf32, #tpu.memory_space<vmem>>, vector<16xf32>,
      tpu.vector_store %arg22[%swap3A_238], %gather3A_237 {strides = array<i32>} : memref<8192xf32, #tpu.memory_space<vmem>>, vector<16xf32>,
      %gather3A_240 = tpu.vector_load_idx %arg13[%select_n3A_232] : memref<16384xf32, #tpu.memory_space<vmem>>[vector<16xi32>], vector<16xf32>,
      %add3A_241 = arith.constant 16 : i32
      %add3A_242 = arith.addi %mul3A_236, %add3A_241 : i32
      %swap3A_243 = arith.index_cast %add3A_242 : i32 to index
      %swap3A_244 = tpu.vector_load %arg22[%swap3A_243] {strides = array<i32>} : memref<8192xf32, #tpu.memory_space<vmem>>, vector<16xf32>,
      tpu.vector_store %arg22[%swap3A_243], %gather3A_240 {strides = array<i32>} : memref<8192xf32, #tpu.memory_space<vmem>>, vector<16xf32>,
      %gather3A_245 = tpu.vector_load_idx %arg14[%select_n3A_225] : memref<16384xf32, #tpu.memory_space<vmem>>[vector<16xi32>], vector<16xf32>,
      %swap3A_246 = arith.index_cast %mul3A_236 : i32 to index
      %swap3A_247 = tpu.vector_load %arg23[%swap3A_246] {strides = array<i32>} : memref<8192xf32, #tpu.memory_space<vmem>>, vector<16xf32>,
      tpu.vector_store %arg23[%swap3A_246], %gather3A_245 {strides = array<i32>} : memref<8192xf32, #tpu.memory_space<vmem>>, vector<16xf32>,
      %gather3A_248 = tpu.vector_load_idx %arg14[%select_n3A_232] : memref<16384xf32, #tpu.memory_space<vmem>>[vector<16xi32>], vector<16xf32>,
      %add3A_249 = arith.constant 16 : i32
      %add3A_250 = arith.addi %mul3A_236, %add3A_249 : i32
      %swap3A_251 = arith.index_cast %add3A_250 : i32 to index
      %swap3A_252 = tpu.vector_load %arg23[%swap3A_251] {strides = array<i32>} : memref<8192xf32, #tpu.memory_space<vmem>>, vector<16xf32>,
      tpu.vector_store %arg23[%swap3A_251], %gather3A_248 {strides = array<i32>} : memref<8192xf32, #tpu.memory_space<vmem>>, vector<16xf32>,
      %gather3A_253 = tpu.vector_load_idx %arg15[%select_n3A_225] : memref<16384xf32, #tpu.memory_space<vmem>>[vector<16xi32>], vector<16xf32>,
      %swap3A_254 = arith.index_cast %mul3A_236 : i32 to index
      %swap3A_255 = tpu.vector_load %arg24[%swap3A_254] {strides = array<i32>} : memref<8192xf32, #tpu.memory_space<vmem>>, vector<16xf32>,
      tpu.vector_store %arg24[%swap3A_254], %gather3A_253 {strides = array<i32>} : memref<8192xf32, #tpu.memory_space<vmem>>, vector<16xf32>,
      %gather3A_256 = tpu.vector_load_idx %arg15[%select_n3A_232] : memref<16384xf32, #tpu.memory_space<vmem>>[vector<16xi32>], vector<16xf32>,
      %add3A_257 = arith.constant 16 : i32
      %add3A_258 = arith.addi %mul3A_236, %add3A_257 : i32
      %swap3A_259 = arith.index_cast %add3A_258 : i32 to index
      %swap3A_260 = tpu.vector_load %arg24[%swap3A_259] {strides = array<i32>} : memref<8192xf32, #tpu.memory_space<vmem>>, vector<16xf32>,
      tpu.vector_store %arg24[%swap3A_259], %gather3A_256 {strides = array<i32>} : memref<8192xf32, #tpu.memory_space<vmem>>, vector<16xf32>,
      %slice3A_261 = vector.extract_strided_slice %while3A_110#1 {offsets = [3], sizes = [1], strides = [1]} : vector<16xi32> to vector<1xi32>
      %squeeze3A_262 = vector.extract %slice3A_261[0] : i32 from vector<1xi32>
      %get3A_263 = arith.constant 192 : index
      %get3A_264 = tpu.vector_load %arg21[%get3A_263] {strides = array<i32>} : memref<512xi32, #tpu.memory_space<vmem>>, vector<16xi32>,
      %get3A_265 = arith.constant 208 : index
      %get3A_266 = tpu.vector_load %arg21[%get3A_265] {strides = array<i32>} : memref<512xi32, #tpu.memory_space<vmem>>, vector<16xi32>,
      %gt3A_267 = arith.constant 0 : i32
      %gt3A_268 = arith.cmpi sgt, %squeeze3A_262, %gt3A_267 : i32
      %slice3A_269 = vector.extract_strided_slice %get3A_264 {offsets = [0], sizes = [1], strides = [1]} : vector<16xi32> to vector<1xi32>
      %squeeze3A_270 = vector.extract %slice3A_269[0] : i32 from vector<1xi32>
      %jit3A_271 = arith.constant 0 : i32
      %select_n3A_272 = arith.select %gt3A_268, %squeeze3A_270, %jit3A_271 : i32
      %lt3A_273 = vector.broadcast %squeeze3A_262 : i32 to vector<16xi32>
      %lt3A_274 = arith.cmpi slt, %iota3A, %lt3A_273 : vector<16xi32>
      %broadcast_in_dim3A_275 = vector.broadcast %select_n3A_272 : i32 to vector<16xi32>
      %select_n3A_276 = arith.select %lt3A_274, %get3A_264, %broadcast_in_dim3A_275 : vector<16xi1>, vector<16xi32>
      %add3A_277 = arith.constant 16 : i32
      %add3A_278 = vector.broadcast %add3A_277 : i32 to vector<16xi32>
      %add3A_279 = arith.addi %iota3A, %add3A_278 : vector<16xi32>
      %lt3A_280 = vector.broadcast %squeeze3A_262 : i32 to vector<16xi32>
      %lt3A_281 = arith.cmpi slt, %add3A_279, %lt3A_280 : vector<16xi32>
      %broadcast_in_dim3A_282 = vector.broadcast %select_n3A_272 : i32 to vector<16xi32>
      %select_n3A_283 = arith.select %lt3A_281, %get3A_266, %broadcast_in_dim3A_282 : vector<16xi1>, vector<16xi32>
      %add3A_284 = arith.constant 3 : i32
      %add3A_285 = arith.addi %mul3A_34, %add3A_284 : i32
      %mul3A_286 = arith.constant 32 : i32
      %mul3A_287 = arith.muli %add3A_285, %mul3A_286 : i32
      %gather3A_288 = tpu.vector_load_idx %arg13[%select_n3A_276] : memref<16384xf32, #tpu.memory_space<vmem>>[vector<16xi32>], vector<16xf32>,
      %swap3A_289 = arith.index_cast %mul3A_287 : i32 to index
      %swap3A_290 = tpu.vector_load %arg22[%swap3A_289] {strides = array<i32>} : memref<8192xf32, #tpu.memory_space<vmem>>, vector<16xf32>,
      tpu.vector_store %arg22[%swap3A_289], %gather3A_288 {strides = array<i32>} : memref<8192xf32, #tpu.memory_space<vmem>>, vector<16xf32>,
      %gather3A_291 = tpu.vector_load_idx %arg13[%select_n3A_283] : memref<16384xf32, #tpu.memory_space<vmem>>[vector<16xi32>], vector<16xf32>,
      %add3A_292 = arith.constant 16 : i32
      %add3A_293 = arith.addi %mul3A_287, %add3A_292 : i32
      %swap3A_294 = arith.index_cast %add3A_293 : i32 to index
      %swap3A_295 = tpu.vector_load %arg22[%swap3A_294] {strides = array<i32>} : memref<8192xf32, #tpu.memory_space<vmem>>, vector<16xf32>,
      tpu.vector_store %arg22[%swap3A_294], %gather3A_291 {strides = array<i32>} : memref<8192xf32, #tpu.memory_space<vmem>>, vector<16xf32>,
      %gather3A_296 = tpu.vector_load_idx %arg14[%select_n3A_276] : memref<16384xf32, #tpu.memory_space<vmem>>[vector<16xi32>], vector<16xf32>,
      %swap3A_297 = arith.index_cast %mul3A_287 : i32 to index
      %swap3A_298 = tpu.vector_load %arg23[%swap3A_297] {strides = array<i32>} : memref<8192xf32, #tpu.memory_space<vmem>>, vector<16xf32>,
      tpu.vector_store %arg23[%swap3A_297], %gather3A_296 {strides = array<i32>} : memref<8192xf32, #tpu.memory_space<vmem>>, vector<16xf32>,
      %gather3A_299 = tpu.vector_load_idx %arg14[%select_n3A_283] : memref<16384xf32, #tpu.memory_space<vmem>>[vector<16xi32>], vector<16xf32>,
      %add3A_300 = arith.constant 16 : i32
      %add3A_301 = arith.addi %mul3A_287, %add3A_300 : i32
      %swap3A_302 = arith.index_cast %add3A_301 : i32 to index
      %swap3A_303 = tpu.vector_load %arg23[%swap3A_302] {strides = array<i32>} : memref<8192xf32, #tpu.memory_space<vmem>>, vector<16xf32>,
      tpu.vector_store %arg23[%swap3A_302], %gather3A_299 {strides = array<i32>} : memref<8192xf32, #tpu.memory_space<vmem>>, vector<16xf32>,
      %gather3A_304 = tpu.vector_load_idx %arg15[%select_n3A_276] : memref<16384xf32, #tpu.memory_space<vmem>>[vector<16xi32>], vector<16xf32>,
      %swap3A_305 = arith.index_cast %mul3A_287 : i32 to index
      %swap3A_306 = tpu.vector_load %arg24[%swap3A_305] {strides = array<i32>} : memref<8192xf32, #tpu.memory_space<vmem>>, vector<16xf32>,
      tpu.vector_store %arg24[%swap3A_305], %gather3A_304 {strides = array<i32>} : memref<8192xf32, #tpu.memory_space<vmem>>, vector<16xf32>,
      %gather3A_307 = tpu.vector_load_idx %arg15[%select_n3A_283] : memref<16384xf32, #tpu.memory_space<vmem>>[vector<16xi32>], vector<16xf32>,
      %add3A_308 = arith.constant 16 : i32
      %add3A_309 = arith.addi %mul3A_287, %add3A_308 : i32
      %swap3A_310 = arith.index_cast %add3A_309 : i32 to index
      %swap3A_311 = tpu.vector_load %arg24[%swap3A_310] {strides = array<i32>} : memref<8192xf32, #tpu.memory_space<vmem>>, vector<16xf32>,
      tpu.vector_store %arg24[%swap3A_310], %gather3A_307 {strides = array<i32>} : memref<8192xf32, #tpu.memory_space<vmem>>, vector<16xf32>,
      %slice3A_312 = vector.extract_strided_slice %while3A_110#1 {offsets = [4], sizes = [1], strides = [1]} : vector<16xi32> to vector<1xi32>
      %squeeze3A_313 = vector.extract %slice3A_312[0] : i32 from vector<1xi32>
      %get3A_314 = arith.constant 256 : index
      %get3A_315 = tpu.vector_load %arg21[%get3A_314] {strides = array<i32>} : memref<512xi32, #tpu.memory_space<vmem>>, vector<16xi32>,
      %get3A_316 = arith.constant 272 : index
      %get3A_317 = tpu.vector_load %arg21[%get3A_316] {strides = array<i32>} : memref<512xi32, #tpu.memory_space<vmem>>, vector<16xi32>,
      %gt3A_318 = arith.constant 0 : i32
      %gt3A_319 = arith.cmpi sgt, %squeeze3A_313, %gt3A_318 : i32
      %slice3A_320 = vector.extract_strided_slice %get3A_315 {offsets = [0], sizes = [1], strides = [1]} : vector<16xi32> to vector<1xi32>
      %squeeze3A_321 = vector.extract %slice3A_320[0] : i32 from vector<1xi32>
      %jit3A_322 = arith.constant 0 : i32
      %select_n3A_323 = arith.select %gt3A_319, %squeeze3A_321, %jit3A_322 : i32
      %lt3A_324 = vector.broadcast %squeeze3A_313 : i32 to vector<16xi32>
      %lt3A_325 = arith.cmpi slt, %iota3A, %lt3A_324 : vector<16xi32>
      %broadcast_in_dim3A_326 = vector.broadcast %select_n3A_323 : i32 to vector<16xi32>
      %select_n3A_327 = arith.select %lt3A_325, %get3A_315, %broadcast_in_dim3A_326 : vector<16xi1>, vector<16xi32>
      %add3A_328 = arith.constant 16 : i32
      %add3A_329 = vector.broadcast %add3A_328 : i32 to vector<16xi32>
      %add3A_330 = arith.addi %iota3A, %add3A_329 : vector<16xi32>
      %lt3A_331 = vector.broadcast %squeeze3A_313 : i32 to vector<16xi32>
      %lt3A_332 = arith.cmpi slt, %add3A_330, %lt3A_331 : vector<16xi32>
      %broadcast_in_dim3A_333 = vector.broadcast %select_n3A_323 : i32 to vector<16xi32>
      %select_n3A_334 = arith.select %lt3A_332, %get3A_317, %broadcast_in_dim3A_333 : vector<16xi1>, vector<16xi32>
      %add3A_335 = arith.constant 4 : i32
      %add3A_336 = arith.addi %mul3A_34, %add3A_335 : i32
      %mul3A_337 = arith.constant 32 : i32
      %mul3A_338 = arith.muli %add3A_336, %mul3A_337 : i32
      %gather3A_339 = tpu.vector_load_idx %arg13[%select_n3A_327] : memref<16384xf32, #tpu.memory_space<vmem>>[vector<16xi32>], vector<16xf32>,
      %swap3A_340 = arith.index_cast %mul3A_338 : i32 to index
      %swap3A_341 = tpu.vector_load %arg22[%swap3A_340] {strides = array<i32>} : memref<8192xf32, #tpu.memory_space<vmem>>, vector<16xf32>,
      tpu.vector_store %arg22[%swap3A_340], %gather3A_339 {strides = array<i32>} : memref<8192xf32, #tpu.memory_space<vmem>>, vector<16xf32>,
      %gather3A_342 = tpu.vector_load_idx %arg13[%select_n3A_334] : memref<16384xf32, #tpu.memory_space<vmem>>[vector<16xi32>], vector<16xf32>,
      %add3A_343 = arith.constant 16 : i32
      %add3A_344 = arith.addi %mul3A_338, %add3A_343 : i32
      %swap3A_345 = arith.index_cast %add3A_344 : i32 to index
      %swap3A_346 = tpu.vector_load %arg22[%swap3A_345] {strides = array<i32>} : memref<8192xf32, #tpu.memory_space<vmem>>, vector<16xf32>,
      tpu.vector_store %arg22[%swap3A_345], %gather3A_342 {strides = array<i32>} : memref<8192xf32, #tpu.memory_space<vmem>>, vector<16xf32>,
      %gather3A_347 = tpu.vector_load_idx %arg14[%select_n3A_327] : memref<16384xf32, #tpu.memory_space<vmem>>[vector<16xi32>], vector<16xf32>,
      %swap3A_348 = arith.index_cast %mul3A_338 : i32 to index
      %swap3A_349 = tpu.vector_load %arg23[%swap3A_348] {strides = array<i32>} : memref<8192xf32, #tpu.memory_space<vmem>>, vector<16xf32>,
      tpu.vector_store %arg23[%swap3A_348], %gather3A_347 {strides = array<i32>} : memref<8192xf32, #tpu.memory_space<vmem>>, vector<16xf32>,
      %gather3A_350 = tpu.vector_load_idx %arg14[%select_n3A_334] : memref<16384xf32, #tpu.memory_space<vmem>>[vector<16xi32>], vector<16xf32>,
      %add3A_351 = arith.constant 16 : i32
      %add3A_352 = arith.addi %mul3A_338, %add3A_351 : i32
      %swap3A_353 = arith.index_cast %add3A_352 : i32 to index
      %swap3A_354 = tpu.vector_load %arg23[%swap3A_353] {strides = array<i32>} : memref<8192xf32, #tpu.memory_space<vmem>>, vector<16xf32>,
      tpu.vector_store %arg23[%swap3A_353], %gather3A_350 {strides = array<i32>} : memref<8192xf32, #tpu.memory_space<vmem>>, vector<16xf32>,
      %gather3A_355 = tpu.vector_load_idx %arg15[%select_n3A_327] : memref<16384xf32, #tpu.memory_space<vmem>>[vector<16xi32>], vector<16xf32>,
      %swap3A_356 = arith.index_cast %mul3A_338 : i32 to index
      %swap3A_357 = tpu.vector_load %arg24[%swap3A_356] {strides = array<i32>} : memref<8192xf32, #tpu.memory_space<vmem>>, vector<16xf32>,
      tpu.vector_store %arg24[%swap3A_356], %gather3A_355 {strides = array<i32>} : memref<8192xf32, #tpu.memory_space<vmem>>, vector<16xf32>,
      %gather3A_358 = tpu.vector_load_idx %arg15[%select_n3A_334] : memref<16384xf32, #tpu.memory_space<vmem>>[vector<16xi32>], vector<16xf32>,
      %add3A_359 = arith.constant 16 : i32
      %add3A_360 = arith.addi %mul3A_338, %add3A_359 : i32
      %swap3A_361 = arith.index_cast %add3A_360 : i32 to index
      %swap3A_362 = tpu.vector_load %arg24[%swap3A_361] {strides = array<i32>} : memref<8192xf32, #tpu.memory_space<vmem>>, vector<16xf32>,
      tpu.vector_store %arg24[%swap3A_361], %gather3A_358 {strides = array<i32>} : memref<8192xf32, #tpu.memory_space<vmem>>, vector<16xf32>,
      %slice3A_363 = vector.extract_strided_slice %while3A_110#1 {offsets = [5], sizes = [1], strides = [1]} : vector<16xi32> to vector<1xi32>
      %squeeze3A_364 = vector.extract %slice3A_363[0] : i32 from vector<1xi32>
      %get3A_365 = arith.constant 320 : index
      %get3A_366 = tpu.vector_load %arg21[%get3A_365] {strides = array<i32>} : memref<512xi32, #tpu.memory_space<vmem>>, vector<16xi32>,
      %get3A_367 = arith.constant 336 : index
      %get3A_368 = tpu.vector_load %arg21[%get3A_367] {strides = array<i32>} : memref<512xi32, #tpu.memory_space<vmem>>, vector<16xi32>,
      %gt3A_369 = arith.constant 0 : i32
      %gt3A_370 = arith.cmpi sgt, %squeeze3A_364, %gt3A_369 : i32
      %slice3A_371 = vector.extract_strided_slice %get3A_366 {offsets = [0], sizes = [1], strides = [1]} : vector<16xi32> to vector<1xi32>
      %squeeze3A_372 = vector.extract %slice3A_371[0] : i32 from vector<1xi32>
      %jit3A_373 = arith.constant 0 : i32
      %select_n3A_374 = arith.select %gt3A_370, %squeeze3A_372, %jit3A_373 : i32
      %lt3A_375 = vector.broadcast %squeeze3A_364 : i32 to vector<16xi32>
      %lt3A_376 = arith.cmpi slt, %iota3A, %lt3A_375 : vector<16xi32>
      %broadcast_in_dim3A_377 = vector.broadcast %select_n3A_374 : i32 to vector<16xi32>
      %select_n3A_378 = arith.select %lt3A_376, %get3A_366, %broadcast_in_dim3A_377 : vector<16xi1>, vector<16xi32>
      %add3A_379 = arith.constant 16 : i32
      %add3A_380 = vector.broadcast %add3A_379 : i32 to vector<16xi32>
      %add3A_381 = arith.addi %iota3A, %add3A_380 : vector<16xi32>
      %lt3A_382 = vector.broadcast %squeeze3A_364 : i32 to vector<16xi32>
      %lt3A_383 = arith.cmpi slt, %add3A_381, %lt3A_382 : vector<16xi32>
      %broadcast_in_dim3A_384 = vector.broadcast %select_n3A_374 : i32 to vector<16xi32>
      %select_n3A_385 = arith.select %lt3A_383, %get3A_368, %broadcast_in_dim3A_384 : vector<16xi1>, vector<16xi32>
      %add3A_386 = arith.constant 5 : i32
      %add3A_387 = arith.addi %mul3A_34, %add3A_386 : i32
      %mul3A_388 = arith.constant 32 : i32
      %mul3A_389 = arith.muli %add3A_387, %mul3A_388 : i32
      %gather3A_390 = tpu.vector_load_idx %arg13[%select_n3A_378] : memref<16384xf32, #tpu.memory_space<vmem>>[vector<16xi32>], vector<16xf32>,
      %swap3A_391 = arith.index_cast %mul3A_389 : i32 to index
      %swap3A_392 = tpu.vector_load %arg22[%swap3A_391] {strides = array<i32>} : memref<8192xf32, #tpu.memory_space<vmem>>, vector<16xf32>,
      tpu.vector_store %arg22[%swap3A_391], %gather3A_390 {strides = array<i32>} : memref<8192xf32, #tpu.memory_space<vmem>>, vector<16xf32>,
      %gather3A_393 = tpu.vector_load_idx %arg13[%select_n3A_385] : memref<16384xf32, #tpu.memory_space<vmem>>[vector<16xi32>], vector<16xf32>,
      %add3A_394 = arith.constant 16 : i32
      %add3A_395 = arith.addi %mul3A_389, %add3A_394 : i32
      %swap3A_396 = arith.index_cast %add3A_395 : i32 to index
      %swap3A_397 = tpu.vector_load %arg22[%swap3A_396] {strides = array<i32>} : memref<8192xf32, #tpu.memory_space<vmem>>, vector<16xf32>,
      tpu.vector_store %arg22[%swap3A_396], %gather3A_393 {strides = array<i32>} : memref<8192xf32, #tpu.memory_space<vmem>>, vector<16xf32>,
      %gather3A_398 = tpu.vector_load_idx %arg14[%select_n3A_378] : memref<16384xf32, #tpu.memory_space<vmem>>[vector<16xi32>], vector<16xf32>,
      %swap3A_399 = arith.index_cast %mul3A_389 : i32 to index
      %swap3A_400 = tpu.vector_load %arg23[%swap3A_399] {strides = array<i32>} : memref<8192xf32, #tpu.memory_space<vmem>>, vector<16xf32>,
      tpu.vector_store %arg23[%swap3A_399], %gather3A_398 {strides = array<i32>} : memref<8192xf32, #tpu.memory_space<vmem>>, vector<16xf32>,
      %gather3A_401 = tpu.vector_load_idx %arg14[%select_n3A_385] : memref<16384xf32, #tpu.memory_space<vmem>>[vector<16xi32>], vector<16xf32>,
      %add3A_402 = arith.constant 16 : i32
      %add3A_403 = arith.addi %mul3A_389, %add3A_402 : i32
      %swap3A_404 = arith.index_cast %add3A_403 : i32 to index
      %swap3A_405 = tpu.vector_load %arg23[%swap3A_404] {strides = array<i32>} : memref<8192xf32, #tpu.memory_space<vmem>>, vector<16xf32>,
      tpu.vector_store %arg23[%swap3A_404], %gather3A_401 {strides = array<i32>} : memref<8192xf32, #tpu.memory_space<vmem>>, vector<16xf32>,
      %gather3A_406 = tpu.vector_load_idx %arg15[%select_n3A_378] : memref<16384xf32, #tpu.memory_space<vmem>>[vector<16xi32>], vector<16xf32>,
      %swap3A_407 = arith.index_cast %mul3A_389 : i32 to index
      %swap3A_408 = tpu.vector_load %arg24[%swap3A_407] {strides = array<i32>} : memref<8192xf32, #tpu.memory_space<vmem>>, vector<16xf32>,
      tpu.vector_store %arg24[%swap3A_407], %gather3A_406 {strides = array<i32>} : memref<8192xf32, #tpu.memory_space<vmem>>, vector<16xf32>,
      %gather3A_409 = tpu.vector_load_idx %arg15[%select_n3A_385] : memref<16384xf32, #tpu.memory_space<vmem>>[vector<16xi32>], vector<16xf32>,
      %add3A_410 = arith.constant 16 : i32
      %add3A_411 = arith.addi %mul3A_389, %add3A_410 : i32
      %swap3A_412 = arith.index_cast %add3A_411 : i32 to index
      %swap3A_413 = tpu.vector_load %arg24[%swap3A_412] {strides = array<i32>} : memref<8192xf32, #tpu.memory_space<vmem>>, vector<16xf32>,
      tpu.vector_store %arg24[%swap3A_412], %gather3A_409 {strides = array<i32>} : memref<8192xf32, #tpu.memory_space<vmem>>, vector<16xf32>,
      %slice3A_414 = vector.extract_strided_slice %while3A_110#1 {offsets = [6], sizes = [1], strides = [1]} : vector<16xi32> to vector<1xi32>
      %squeeze3A_415 = vector.extract %slice3A_414[0] : i32 from vector<1xi32>
      %get3A_416 = arith.constant 384 : index
      %get3A_417 = tpu.vector_load %arg21[%get3A_416] {strides = array<i32>} : memref<512xi32, #tpu.memory_space<vmem>>, vector<16xi32>,
      %get3A_418 = arith.constant 400 : index
      %get3A_419 = tpu.vector_load %arg21[%get3A_418] {strides = array<i32>} : memref<512xi32, #tpu.memory_space<vmem>>, vector<16xi32>,
      %gt3A_420 = arith.constant 0 : i32
      %gt3A_421 = arith.cmpi sgt, %squeeze3A_415, %gt3A_420 : i32
      %slice3A_422 = vector.extract_strided_slice %get3A_417 {offsets = [0], sizes = [1], strides = [1]} : vector<16xi32> to vector<1xi32>
      %squeeze3A_423 = vector.extract %slice3A_422[0] : i32 from vector<1xi32>
      %jit3A_424 = arith.constant 0 : i32
      %select_n3A_425 = arith.select %gt3A_421, %squeeze3A_423, %jit3A_424 : i32
      %lt3A_426 = vector.broadcast %squeeze3A_415 : i32 to vector<16xi32>
      %lt3A_427 = arith.cmpi slt, %iota3A, %lt3A_426 : vector<16xi32>
      %broadcast_in_dim3A_428 = vector.broadcast %select_n3A_425 : i32 to vector<16xi32>
      %select_n3A_429 = arith.select %lt3A_427, %get3A_417, %broadcast_in_dim3A_428 : vector<16xi1>, vector<16xi32>
      %add3A_430 = arith.constant 16 : i32
      %add3A_431 = vector.broadcast %add3A_430 : i32 to vector<16xi32>
      %add3A_432 = arith.addi %iota3A, %add3A_431 : vector<16xi32>
      %lt3A_433 = vector.broadcast %squeeze3A_415 : i32 to vector<16xi32>
      %lt3A_434 = arith.cmpi slt, %add3A_432, %lt3A_433 : vector<16xi32>
      %broadcast_in_dim3A_435 = vector.broadcast %select_n3A_425 : i32 to vector<16xi32>
      %select_n3A_436 = arith.select %lt3A_434, %get3A_419, %broadcast_in_dim3A_435 : vector<16xi1>, vector<16xi32>
      %add3A_437 = arith.constant 6 : i32
      %add3A_438 = arith.addi %mul3A_34, %add3A_437 : i32
      %mul3A_439 = arith.constant 32 : i32
      %mul3A_440 = arith.muli %add3A_438, %mul3A_439 : i32
      %gather3A_441 = tpu.vector_load_idx %arg13[%select_n3A_429] : memref<16384xf32, #tpu.memory_space<vmem>>[vector<16xi32>], vector<16xf32>,
      %swap3A_442 = arith.index_cast %mul3A_440 : i32 to index
      %swap3A_443 = tpu.vector_load %arg22[%swap3A_442] {strides = array<i32>} : memref<8192xf32, #tpu.memory_space<vmem>>, vector<16xf32>,
      tpu.vector_store %arg22[%swap3A_442], %gather3A_441 {strides = array<i32>} : memref<8192xf32, #tpu.memory_space<vmem>>, vector<16xf32>,
      %gather3A_444 = tpu.vector_load_idx %arg13[%select_n3A_436] : memref<16384xf32, #tpu.memory_space<vmem>>[vector<16xi32>], vector<16xf32>,
      %add3A_445 = arith.constant 16 : i32
      %add3A_446 = arith.addi %mul3A_440, %add3A_445 : i32
      %swap3A_447 = arith.index_cast %add3A_446 : i32 to index
      %swap3A_448 = tpu.vector_load %arg22[%swap3A_447] {strides = array<i32>} : memref<8192xf32, #tpu.memory_space<vmem>>, vector<16xf32>,
      tpu.vector_store %arg22[%swap3A_447], %gather3A_444 {strides = array<i32>} : memref<8192xf32, #tpu.memory_space<vmem>>, vector<16xf32>,
      %gather3A_449 = tpu.vector_load_idx %arg14[%select_n3A_429] : memref<16384xf32, #tpu.memory_space<vmem>>[vector<16xi32>], vector<16xf32>,
      %swap3A_450 = arith.index_cast %mul3A_440 : i32 to index
      %swap3A_451 = tpu.vector_load %arg23[%swap3A_450] {strides = array<i32>} : memref<8192xf32, #tpu.memory_space<vmem>>, vector<16xf32>,
      tpu.vector_store %arg23[%swap3A_450], %gather3A_449 {strides = array<i32>} : memref<8192xf32, #tpu.memory_space<vmem>>, vector<16xf32>,
      %gather3A_452 = tpu.vector_load_idx %arg14[%select_n3A_436] : memref<16384xf32, #tpu.memory_space<vmem>>[vector<16xi32>], vector<16xf32>,
      %add3A_453 = arith.constant 16 : i32
      %add3A_454 = arith.addi %mul3A_440, %add3A_453 : i32
      %swap3A_455 = arith.index_cast %add3A_454 : i32 to index
      %swap3A_456 = tpu.vector_load %arg23[%swap3A_455] {strides = array<i32>} : memref<8192xf32, #tpu.memory_space<vmem>>, vector<16xf32>,
      tpu.vector_store %arg23[%swap3A_455], %gather3A_452 {strides = array<i32>} : memref<8192xf32, #tpu.memory_space<vmem>>, vector<16xf32>,
      %gather3A_457 = tpu.vector_load_idx %arg15[%select_n3A_429] : memref<16384xf32, #tpu.memory_space<vmem>>[vector<16xi32>], vector<16xf32>,
      %swap3A_458 = arith.index_cast %mul3A_440 : i32 to index
      %swap3A_459 = tpu.vector_load %arg24[%swap3A_458] {strides = array<i32>} : memref<8192xf32, #tpu.memory_space<vmem>>, vector<16xf32>,
      tpu.vector_store %arg24[%swap3A_458], %gather3A_457 {strides = array<i32>} : memref<8192xf32, #tpu.memory_space<vmem>>, vector<16xf32>,
      %gather3A_460 = tpu.vector_load_idx %arg15[%select_n3A_436] : memref<16384xf32, #tpu.memory_space<vmem>>[vector<16xi32>], vector<16xf32>,
      %add3A_461 = arith.constant 16 : i32
      %add3A_462 = arith.addi %mul3A_440, %add3A_461 : i32
      %swap3A_463 = arith.index_cast %add3A_462 : i32 to index
      %swap3A_464 = tpu.vector_load %arg24[%swap3A_463] {strides = array<i32>} : memref<8192xf32, #tpu.memory_space<vmem>>, vector<16xf32>,
      tpu.vector_store %arg24[%swap3A_463], %gather3A_460 {strides = array<i32>} : memref<8192xf32, #tpu.memory_space<vmem>>, vector<16xf32>,
      %slice3A_465 = vector.extract_strided_slice %while3A_110#1 {offsets = [7], sizes = [1], strides = [1]} : vector<16xi32> to vector<1xi32>
      %squeeze3A_466 = vector.extract %slice3A_465[0] : i32 from vector<1xi32>
      %get3A_467 = arith.constant 448 : index
      %get3A_468 = tpu.vector_load %arg21[%get3A_467] {strides = array<i32>} : memref<512xi32, #tpu.memory_space<vmem>>, vector<16xi32>,
      %get3A_469 = arith.constant 464 : index
      %get3A_470 = tpu.vector_load %arg21[%get3A_469] {strides = array<i32>} : memref<512xi32, #tpu.memory_space<vmem>>, vector<16xi32>,
      %gt3A_471 = arith.constant 0 : i32
      %gt3A_472 = arith.cmpi sgt, %squeeze3A_466, %gt3A_471 : i32
      %slice3A_473 = vector.extract_strided_slice %get3A_468 {offsets = [0], sizes = [1], strides = [1]} : vector<16xi32> to vector<1xi32>
      %squeeze3A_474 = vector.extract %slice3A_473[0] : i32 from vector<1xi32>
      %jit3A_475 = arith.constant 0 : i32
      %select_n3A_476 = arith.select %gt3A_472, %squeeze3A_474, %jit3A_475 : i32
      %lt3A_477 = vector.broadcast %squeeze3A_466 : i32 to vector<16xi32>
      %lt3A_478 = arith.cmpi slt, %iota3A, %lt3A_477 : vector<16xi32>
      %broadcast_in_dim3A_479 = vector.broadcast %select_n3A_476 : i32 to vector<16xi32>
      %select_n3A_480 = arith.select %lt3A_478, %get3A_468, %broadcast_in_dim3A_479 : vector<16xi1>, vector<16xi32>
      %add3A_481 = arith.constant 16 : i32
      %add3A_482 = vector.broadcast %add3A_481 : i32 to vector<16xi32>
      %add3A_483 = arith.addi %iota3A, %add3A_482 : vector<16xi32>
      %lt3A_484 = vector.broadcast %squeeze3A_466 : i32 to vector<16xi32>
      %lt3A_485 = arith.cmpi slt, %add3A_483, %lt3A_484 : vector<16xi32>
      %broadcast_in_dim3A_486 = vector.broadcast %select_n3A_476 : i32 to vector<16xi32>
      %select_n3A_487 = arith.select %lt3A_485, %get3A_470, %broadcast_in_dim3A_486 : vector<16xi1>, vector<16xi32>
      %add3A_488 = arith.constant 7 : i32
      %add3A_489 = arith.addi %mul3A_34, %add3A_488 : i32
      %mul3A_490 = arith.constant 32 : i32
      %mul3A_491 = arith.muli %add3A_489, %mul3A_490 : i32
      %gather3A_492 = tpu.vector_load_idx %arg13[%select_n3A_480] : memref<16384xf32, #tpu.memory_space<vmem>>[vector<16xi32>], vector<16xf32>,
      %swap3A_493 = arith.index_cast %mul3A_491 : i32 to index
      %swap3A_494 = tpu.vector_load %arg22[%swap3A_493] {strides = array<i32>} : memref<8192xf32, #tpu.memory_space<vmem>>, vector<16xf32>,
      tpu.vector_store %arg22[%swap3A_493], %gather3A_492 {strides = array<i32>} : memref<8192xf32, #tpu.memory_space<vmem>>, vector<16xf32>,
      %gather3A_495 = tpu.vector_load_idx %arg13[%select_n3A_487] : memref<16384xf32, #tpu.memory_space<vmem>>[vector<16xi32>], vector<16xf32>,
      %add3A_496 = arith.constant 16 : i32
      %add3A_497 = arith.addi %mul3A_491, %add3A_496 : i32
      %swap3A_498 = arith.index_cast %add3A_497 : i32 to index
      %swap3A_499 = tpu.vector_load %arg22[%swap3A_498] {strides = array<i32>} : memref<8192xf32, #tpu.memory_space<vmem>>, vector<16xf32>,
      tpu.vector_store %arg22[%swap3A_498], %gather3A_495 {strides = array<i32>} : memref<8192xf32, #tpu.memory_space<vmem>>, vector<16xf32>,
      %gather3A_500 = tpu.vector_load_idx %arg14[%select_n3A_480] : memref<16384xf32, #tpu.memory_space<vmem>>[vector<16xi32>], vector<16xf32>,
      %swap3A_501 = arith.index_cast %mul3A_491 : i32 to index
      %swap3A_502 = tpu.vector_load %arg23[%swap3A_501] {strides = array<i32>} : memref<8192xf32, #tpu.memory_space<vmem>>, vector<16xf32>,
      tpu.vector_store %arg23[%swap3A_501], %gather3A_500 {strides = array<i32>} : memref<8192xf32, #tpu.memory_space<vmem>>, vector<16xf32>,
      %gather3A_503 = tpu.vector_load_idx %arg14[%select_n3A_487] : memref<16384xf32, #tpu.memory_space<vmem>>[vector<16xi32>], vector<16xf32>,
      %add3A_504 = arith.constant 16 : i32
      %add3A_505 = arith.addi %mul3A_491, %add3A_504 : i32
      %swap3A_506 = arith.index_cast %add3A_505 : i32 to index
      %swap3A_507 = tpu.vector_load %arg23[%swap3A_506] {strides = array<i32>} : memref<8192xf32, #tpu.memory_space<vmem>>, vector<16xf32>,
      tpu.vector_store %arg23[%swap3A_506], %gather3A_503 {strides = array<i32>} : memref<8192xf32, #tpu.memory_space<vmem>>, vector<16xf32>,
      %gather3A_508 = tpu.vector_load_idx %arg15[%select_n3A_480] : memref<16384xf32, #tpu.memory_space<vmem>>[vector<16xi32>], vector<16xf32>,
      %swap3A_509 = arith.index_cast %mul3A_491 : i32 to index
      %swap3A_510 = tpu.vector_load %arg24[%swap3A_509] {strides = array<i32>} : memref<8192xf32, #tpu.memory_space<vmem>>, vector<16xf32>,
      tpu.vector_store %arg24[%swap3A_509], %gather3A_508 {strides = array<i32>} : memref<8192xf32, #tpu.memory_space<vmem>>, vector<16xf32>,
      %gather3A_511 = tpu.vector_load_idx %arg15[%select_n3A_487] : memref<16384xf32, #tpu.memory_space<vmem>>[vector<16xi32>], vector<16xf32>,
      %add3A_512 = arith.constant 16 : i32
      %add3A_513 = arith.addi %mul3A_491, %add3A_512 : i32
      %swap3A_514 = arith.index_cast %add3A_513 : i32 to index
      %swap3A_515 = tpu.vector_load %arg24[%swap3A_514] {strides = array<i32>} : memref<8192xf32, #tpu.memory_space<vmem>>, vector<16xf32>,
      tpu.vector_store %arg24[%swap3A_514], %gather3A_511 {strides = array<i32>} : memref<8192xf32, #tpu.memory_space<vmem>>, vector<16xf32>,
    }
    %scan3A_25 = arith.constant 32 : i32
    %mul3A_26 = arith.constant 32 : i32
    %mul3A_27 = arith.muli %mul3A_2, %mul3A_26 : i32
    "tpu.region"() ({
      %run_scoped3A = tpu.sem_alloc : memref<!tpu.dma_semaphore, #tpu.memory_space<semaphore_mem>>
      %dma_start3A = tpu.memref_slice %arg10[%mul3A_27] : memref<262144xf32, #tpu.memory_space<hbm>> -> memref<8192xf32, #tpu.memory_space<hbm>>
      %dma_start3A_32 = tpu.memref_slice %arg10[%mul3A_27] : memref<262144xf32, #tpu.memory_space<hbm>> -> memref<8192xf32, #tpu.memory_space<hbm>>
      tpu.enqueue_dma source(%arg22 : memref<8192xf32, #tpu.memory_space<vmem>>) target(%dma_start3A_32 : memref<8192xf32, #tpu.memory_space<hbm>>) target_semaphore(%run_scoped3A : memref<!tpu.dma_semaphore, #tpu.memory_space<semaphore_mem>>)
      %dma_wait3A = tpu.memref_slice %arg10[%mul3A_27] : memref<262144xf32, #tpu.memory_space<hbm>> -> memref<8192xf32, #tpu.memory_space<hbm>>
      %dma_wait3A_33 = tpu.memref_slice %arg10[%mul3A_27] : memref<262144xf32, #tpu.memory_space<hbm>> -> memref<8192xf32, #tpu.memory_space<hbm>>
      tpu.wait_dma2 semaphore(%run_scoped3A : memref<!tpu.dma_semaphore, #tpu.memory_space<semaphore_mem>>) src(%arg22 : memref<8192xf32, #tpu.memory_space<vmem>>) dst(%dma_wait3A_33 : memref<8192xf32, #tpu.memory_space<hbm>>)
      tpu.yield
    }) : () -> ()
    %mul3A_28 = arith.constant 32 : i32
    %mul3A_29 = arith.muli %mul3A_2, %mul3A_28 : i32
    "tpu.region"() ({
      %run_scoped3A = tpu.sem_alloc : memref<!tpu.dma_semaphore, #tpu.memory_space<semaphore_mem>>
      %dma_start3A = tpu.memref_slice %arg11[%mul3A_29] : memref<262144xf32, #tpu.memory_space<hbm>> -> memref<8192xf32, #tpu.memory_space<hbm>>
      %dma_start3A_32 = tpu.memref_slice %arg11[%mul3A_29] : memref<262144xf32, #tpu.memory_space<hbm>> -> memref<8192xf32, #tpu.memory_space<hbm>>
      tpu.enqueue_dma source(%arg23 : memref<8192xf32, #tpu.memory_space<vmem>>) target(%dma_start3A_32 : memref<8192xf32, #tpu.memory_space<hbm>>) target_semaphore(%run_scoped3A : memref<!tpu.dma_semaphore, #tpu.memory_space<semaphore_mem>>)
      %dma_wait3A = tpu.memref_slice %arg11[%mul3A_29] : memref<262144xf32, #tpu.memory_space<hbm>> -> memref<8192xf32, #tpu.memory_space<hbm>>
      %dma_wait3A_33 = tpu.memref_slice %arg11[%mul3A_29] : memref<262144xf32, #tpu.memory_space<hbm>> -> memref<8192xf32, #tpu.memory_space<hbm>>
      tpu.wait_dma2 semaphore(%run_scoped3A : memref<!tpu.dma_semaphore, #tpu.memory_space<semaphore_mem>>) src(%arg23 : memref<8192xf32, #tpu.memory_space<vmem>>) dst(%dma_wait3A_33 : memref<8192xf32, #tpu.memory_space<hbm>>)
      tpu.yield
    }) : () -> ()
    %mul3A_30 = arith.constant 32 : i32
    %mul3A_31 = arith.muli %mul3A_2, %mul3A_30 : i32
    "tpu.region"() ({
      %run_scoped3A = tpu.sem_alloc : memref<!tpu.dma_semaphore, #tpu.memory_space<semaphore_mem>>
      %dma_start3A = tpu.memref_slice %arg12[%mul3A_31] : memref<262144xf32, #tpu.memory_space<hbm>> -> memref<8192xf32, #tpu.memory_space<hbm>>
      %dma_start3A_32 = tpu.memref_slice %arg12[%mul3A_31] : memref<262144xf32, #tpu.memory_space<hbm>> -> memref<8192xf32, #tpu.memory_space<hbm>>
      tpu.enqueue_dma source(%arg24 : memref<8192xf32, #tpu.memory_space<vmem>>) target(%dma_start3A_32 : memref<8192xf32, #tpu.memory_space<hbm>>) target_semaphore(%run_scoped3A : memref<!tpu.dma_semaphore, #tpu.memory_space<semaphore_mem>>)
      %dma_wait3A = tpu.memref_slice %arg12[%mul3A_31] : memref<262144xf32, #tpu.memory_space<hbm>> -> memref<8192xf32, #tpu.memory_space<hbm>>
      %dma_wait3A_33 = tpu.memref_slice %arg12[%mul3A_31] : memref<262144xf32, #tpu.memory_space<hbm>> -> memref<8192xf32, #tpu.memory_space<hbm>>
      tpu.wait_dma2 semaphore(%run_scoped3A : memref<!tpu.dma_semaphore, #tpu.memory_space<semaphore_mem>>) src(%arg24 : memref<8192xf32, #tpu.memory_space<vmem>>) dst(%dma_wait3A_33 : memref<8192xf32, #tpu.memory_space<hbm>>)
      tpu.yield
    }) : () -> ()
    return
  }
}

module attributes {stable_mosaic.version = 14 : i64} {
  func.func @_rri_kernel(%arg0: i32, %arg1: i32, %arg2: memref<1x33x128xf32, #tpu.memory_space<vmem>>, %arg3: memref<1x33x128xf32, #tpu.memory_space<vmem>>, %arg4: memref<1x33x128xf32, #tpu.memory_space<vmem>>, %arg5: memref<1x33x32x128xf32, #tpu.memory_space<vmem>>) attributes {dimension_semantics = [#tpu.dimension_semantics<arbitrary>, #tpu.dimension_semantics<arbitrary>], iteration_bounds = array<i64: 2, 32>, scalar_prefetch = 0 : i64, scratch_operands = 0 : i64, tpu.core_type = #tpu.core_type<tc>, window_params = [{transform_indices = @transform_0, window_bounds = array<i64: 1, 33, 128>}, {transform_indices = @transform_1, window_bounds = array<i64: 1, 33, 128>}, {transform_indices = @transform_2, window_bounds = array<i64: 1, 33, 128>}, {transform_indices = @transform_3, window_bounds = array<i64: 1, 33, 32, 128>}]} {
    %get3A = arith.constant 0 : index
    %get3A_0 = arith.constant 0 : index
    %get3A_1 = arith.constant 0 : index
    %get3A_2 = vector.load %arg2[%get3A, %get3A_0, %get3A_1] : memref<1x33x128xf32, #tpu.memory_space<vmem>>, vector<1x32x128xf32>
    %get3A_3 = vector.shape_cast %get3A_2 : vector<1x32x128xf32> to vector<32x128xf32>
    %get3A_4 = arith.constant 0 : index
    %get3A_5 = arith.constant 0 : index
    %get3A_6 = arith.constant 0 : index
    %get3A_7 = vector.load %arg3[%get3A_4, %get3A_5, %get3A_6] : memref<1x33x128xf32, #tpu.memory_space<vmem>>, vector<1x32x128xf32>
    %get3A_8 = vector.shape_cast %get3A_7 : vector<1x32x128xf32> to vector<32x128xf32>
    %get3A_9 = arith.constant 0 : index
    %get3A_10 = arith.constant 0 : index
    %get3A_11 = arith.constant 0 : index
    %get3A_12 = vector.load %arg4[%get3A_9, %get3A_10, %get3A_11] : memref<1x33x128xf32, #tpu.memory_space<vmem>>, vector<1x32x128xf32>
    %get3A_13 = vector.shape_cast %get3A_12 : vector<1x32x128xf32> to vector<32x128xf32>
    %get3A_14 = arith.constant 0 : index
    %get3A_15 = arith.constant 32 : index
    %get3A_16 = arith.constant 0 : index
    %get3A_17 = vector.load %arg2[%get3A_14, %get3A_15, %get3A_16] : memref<1x33x128xf32, #tpu.memory_space<vmem>>, vector<1x1x128xf32>
    %get3A_18 = vector.shape_cast %get3A_17 : vector<1x1x128xf32> to vector<1x128xf32>
    %get3A_19 = arith.constant 0 : index
    %get3A_20 = arith.constant 32 : index
    %get3A_21 = arith.constant 0 : index
    %get3A_22 = vector.load %arg3[%get3A_19, %get3A_20, %get3A_21] : memref<1x33x128xf32, #tpu.memory_space<vmem>>, vector<1x1x128xf32>
    %get3A_23 = vector.shape_cast %get3A_22 : vector<1x1x128xf32> to vector<1x128xf32>
    %get3A_24 = arith.constant 0 : index
    %get3A_25 = arith.constant 32 : index
    %get3A_26 = arith.constant 0 : index
    %get3A_27 = vector.load %arg4[%get3A_24, %get3A_25, %get3A_26] : memref<1x33x128xf32, #tpu.memory_space<vmem>>, vector<1x1x128xf32>
    %get3A_28 = vector.shape_cast %get3A_27 : vector<1x1x128xf32> to vector<1x128xf32>
    %broadcast_in_dim3A = vector.shape_cast %get3A_3 : vector<32x128xf32> to vector<32x1x128xf32>
    %broadcast_in_dim3A_29 = vector.shape_cast %get3A_8 : vector<32x128xf32> to vector<32x1x128xf32>
    %broadcast_in_dim3A_30 = vector.shape_cast %get3A_13 : vector<32x128xf32> to vector<32x1x128xf32>
    %broadcast_in_dim3A_31 = vector.shape_cast %get3A_3 : vector<32x128xf32> to vector<1x32x128xf32>
    %sub3A = vector.broadcast %broadcast_in_dim3A : vector<32x1x128xf32> to vector<32x32x128xf32>
    %sub3A_32 = vector.broadcast %broadcast_in_dim3A_31 : vector<1x32x128xf32> to vector<32x32x128xf32>
    %sub3A_33 = arith.subf %sub3A, %sub3A_32 : vector<32x32x128xf32>
    %broadcast_in_dim3A_34 = vector.shape_cast %get3A_8 : vector<32x128xf32> to vector<1x32x128xf32>
    %sub3A_35 = vector.broadcast %broadcast_in_dim3A_29 : vector<32x1x128xf32> to vector<32x32x128xf32>
    %sub3A_36 = vector.broadcast %broadcast_in_dim3A_34 : vector<1x32x128xf32> to vector<32x32x128xf32>
    %sub3A_37 = arith.subf %sub3A_35, %sub3A_36 : vector<32x32x128xf32>
    %broadcast_in_dim3A_38 = vector.shape_cast %get3A_13 : vector<32x128xf32> to vector<1x32x128xf32>
    %sub3A_39 = vector.broadcast %broadcast_in_dim3A_30 : vector<32x1x128xf32> to vector<32x32x128xf32>
    %sub3A_40 = vector.broadcast %broadcast_in_dim3A_38 : vector<1x32x128xf32> to vector<32x32x128xf32>
    %sub3A_41 = arith.subf %sub3A_39, %sub3A_40 : vector<32x32x128xf32>
    %mul3A = arith.mulf %sub3A_33, %sub3A_33 : vector<32x32x128xf32>
    %mul3A_42 = arith.mulf %sub3A_37, %sub3A_37 : vector<32x32x128xf32>
    %add3A = arith.addf %mul3A, %mul3A_42 : vector<32x32x128xf32>
    %mul3A_43 = arith.mulf %sub3A_41, %sub3A_41 : vector<32x32x128xf32>
    %add3A_44 = arith.addf %add3A, %mul3A_43 : vector<32x32x128xf32>
    %sqrt3A = math.sqrt %add3A_44 : vector<32x32x128xf32>
    %reduce_sum3A = arith.constant dense<0.000000e+00> : vector<32x128xf32>
    %reduce_sum3A_45 = vector.multi_reduction <add>, %sqrt3A, %reduce_sum3A [1] : vector<32x32x128xf32> to vector<32x128xf32>
    %mul3A_46 = arith.constant 3.125000e-02 : f32
    %mul3A_47 = vector.broadcast %mul3A_46 : f32 to vector<32x128xf32>
    %mul3A_48 = arith.mulf %reduce_sum3A_45, %mul3A_47 : vector<32x128xf32>
    %reduce_max3A = arith.constant dense<0xFF800000> : vector<128xf32>
    %reduce_max3A_49 = vector.multi_reduction <maximumf>, %mul3A_48, %reduce_max3A [0] : vector<32x128xf32> to vector<128xf32>
    %broadcast_in_dim3A_50 = vector.shape_cast %reduce_max3A_49 : vector<128xf32> to vector<1x128xf32>
    %iota3A = tpu.iota {dimensions = array<i32: 0>} : vector<32x128xi32>
    %eq3A = vector.broadcast %broadcast_in_dim3A_50 : vector<1x128xf32> to vector<32x128xf32>
    %eq3A_51 = arith.cmpf oeq, %mul3A_48, %eq3A : vector<32x128xf32>
    %jit3A = arith.constant 32 : i32
    %broadcast_in_dim3A_52 = vector.broadcast %jit3A : i32 to vector<32x128xi32>
    %select_n3A = arith.select %eq3A_51, %iota3A, %broadcast_in_dim3A_52 : vector<32x128xi1>, vector<32x128xi32>
    %reduce_min3A = arith.constant dense<2147483647> : vector<128xi32>
    %reduce_min3A_53 = vector.multi_reduction <minsi>, %select_n3A, %reduce_min3A [0] : vector<32x128xi32> to vector<128xi32>
    %broadcast_in_dim3A_54 = vector.shape_cast %reduce_min3A_53 : vector<128xi32> to vector<1x128xi32>
    %eq3A_55 = vector.broadcast %broadcast_in_dim3A_54 : vector<1x128xi32> to vector<32x128xi32>
    %eq3A_56 = arith.cmpi eq, %iota3A, %eq3A_55 : vector<32x128xi32>
    %broadcast_in_dim3A_57 = arith.constant 0.000000e+00 : f32
    %broadcast_in_dim3A_58 = vector.broadcast %broadcast_in_dim3A_57 : f32 to vector<32x128xf32>
    %select_n3A_59 = arith.select %eq3A_56, %get3A_3, %broadcast_in_dim3A_58 : vector<32x128xi1>, vector<32x128xf32>
    %reduce_sum3A_60 = arith.constant dense<0.000000e+00> : vector<128xf32>
    %reduce_sum3A_61 = vector.multi_reduction <add>, %select_n3A_59, %reduce_sum3A_60 [0] : vector<32x128xf32> to vector<128xf32>
    %broadcast_in_dim3A_62 = vector.shape_cast %reduce_sum3A_61 : vector<128xf32> to vector<1x128xf32>
    %select_n3A_63 = arith.select %eq3A_56, %get3A_8, %broadcast_in_dim3A_58 : vector<32x128xi1>, vector<32x128xf32>
    %reduce_sum3A_64 = arith.constant dense<0.000000e+00> : vector<128xf32>
    %reduce_sum3A_65 = vector.multi_reduction <add>, %select_n3A_63, %reduce_sum3A_64 [0] : vector<32x128xf32> to vector<128xf32>
    %broadcast_in_dim3A_66 = vector.shape_cast %reduce_sum3A_65 : vector<128xf32> to vector<1x128xf32>
    %select_n3A_67 = arith.select %eq3A_56, %get3A_13, %broadcast_in_dim3A_58 : vector<32x128xi1>, vector<32x128xf32>
    %reduce_sum3A_68 = arith.constant dense<0.000000e+00> : vector<128xf32>
    %reduce_sum3A_69 = vector.multi_reduction <add>, %select_n3A_67, %reduce_sum3A_68 [0] : vector<32x128xf32> to vector<128xf32>
    %broadcast_in_dim3A_70 = vector.shape_cast %reduce_sum3A_69 : vector<128xf32> to vector<1x128xf32>
    %mul3A_71 = vector.broadcast %get3A_23 : vector<1x128xf32> to vector<32x128xf32>
    %mul3A_72 = arith.mulf %mul3A_71, %get3A_13 : vector<32x128xf32>
    %mul3A_73 = vector.broadcast %get3A_28 : vector<1x128xf32> to vector<32x128xf32>
    %mul3A_74 = arith.mulf %mul3A_73, %get3A_8 : vector<32x128xf32>
    %sub3A_75 = arith.subf %mul3A_72, %mul3A_74 : vector<32x128xf32>
    %mul3A_76 = vector.broadcast %get3A_28 : vector<1x128xf32> to vector<32x128xf32>
    %mul3A_77 = arith.mulf %mul3A_76, %get3A_3 : vector<32x128xf32>
    %mul3A_78 = vector.broadcast %get3A_18 : vector<1x128xf32> to vector<32x128xf32>
    %mul3A_79 = arith.mulf %mul3A_78, %get3A_13 : vector<32x128xf32>
    %sub3A_80 = arith.subf %mul3A_77, %mul3A_79 : vector<32x128xf32>
    %mul3A_81 = vector.broadcast %get3A_18 : vector<1x128xf32> to vector<32x128xf32>
    %mul3A_82 = arith.mulf %mul3A_81, %get3A_8 : vector<32x128xf32>
    %mul3A_83 = vector.broadcast %get3A_23 : vector<1x128xf32> to vector<32x128xf32>
    %mul3A_84 = arith.mulf %mul3A_83, %get3A_3 : vector<32x128xf32>
    %sub3A_85 = arith.subf %mul3A_82, %mul3A_84 : vector<32x128xf32>
    %mul3A_86 = vector.broadcast %get3A_28 : vector<1x128xf32> to vector<32x128xf32>
    %mul3A_87 = arith.mulf %sub3A_80, %mul3A_86 : vector<32x128xf32>
    %mul3A_88 = vector.broadcast %get3A_23 : vector<1x128xf32> to vector<32x128xf32>
    %mul3A_89 = arith.mulf %sub3A_85, %mul3A_88 : vector<32x128xf32>
    %sub3A_90 = arith.subf %mul3A_87, %mul3A_89 : vector<32x128xf32>
    %mul3A_91 = vector.broadcast %get3A_18 : vector<1x128xf32> to vector<32x128xf32>
    %mul3A_92 = arith.mulf %sub3A_85, %mul3A_91 : vector<32x128xf32>
    %mul3A_93 = vector.broadcast %get3A_28 : vector<1x128xf32> to vector<32x128xf32>
    %mul3A_94 = arith.mulf %sub3A_75, %mul3A_93 : vector<32x128xf32>
    %sub3A_95 = arith.subf %mul3A_92, %mul3A_94 : vector<32x128xf32>
    %mul3A_96 = vector.broadcast %get3A_23 : vector<1x128xf32> to vector<32x128xf32>
    %mul3A_97 = arith.mulf %sub3A_75, %mul3A_96 : vector<32x128xf32>
    %mul3A_98 = vector.broadcast %get3A_18 : vector<1x128xf32> to vector<32x128xf32>
    %mul3A_99 = arith.mulf %sub3A_80, %mul3A_98 : vector<32x128xf32>
    %sub3A_100 = arith.subf %mul3A_97, %mul3A_99 : vector<32x128xf32>
    %mul3A_101 = arith.mulf %sub3A_90, %sub3A_90 : vector<32x128xf32>
    %mul3A_102 = arith.mulf %sub3A_95, %sub3A_95 : vector<32x128xf32>
    %add3A_103 = arith.addf %mul3A_101, %mul3A_102 : vector<32x128xf32>
    %mul3A_104 = arith.mulf %sub3A_100, %sub3A_100 : vector<32x128xf32>
    %add3A_105 = arith.addf %add3A_103, %mul3A_104 : vector<32x128xf32>
    %sqrt3A_106 = math.sqrt %add3A_105 : vector<32x128xf32>
    %div3A = arith.divf %sub3A_90, %sqrt3A_106 : vector<32x128xf32>
    %div3A_107 = arith.divf %sub3A_95, %sqrt3A_106 : vector<32x128xf32>
    %div3A_108 = arith.divf %sub3A_100, %sqrt3A_106 : vector<32x128xf32>
    %mul3A_109 = arith.mulf %get3A_23, %broadcast_in_dim3A_70 : vector<1x128xf32>
    %mul3A_110 = arith.mulf %get3A_28, %broadcast_in_dim3A_66 : vector<1x128xf32>
    %sub3A_111 = arith.subf %mul3A_109, %mul3A_110 : vector<1x128xf32>
    %mul3A_112 = arith.mulf %get3A_28, %broadcast_in_dim3A_62 : vector<1x128xf32>
    %mul3A_113 = arith.mulf %get3A_18, %broadcast_in_dim3A_70 : vector<1x128xf32>
    %sub3A_114 = arith.subf %mul3A_112, %mul3A_113 : vector<1x128xf32>
    %mul3A_115 = arith.mulf %get3A_18, %broadcast_in_dim3A_66 : vector<1x128xf32>
    %mul3A_116 = arith.mulf %get3A_23, %broadcast_in_dim3A_62 : vector<1x128xf32>
    %sub3A_117 = arith.subf %mul3A_115, %mul3A_116 : vector<1x128xf32>
    %mul3A_118 = arith.mulf %sub3A_114, %get3A_28 : vector<1x128xf32>
    %mul3A_119 = arith.mulf %sub3A_117, %get3A_23 : vector<1x128xf32>
    %sub3A_120 = arith.subf %mul3A_118, %mul3A_119 : vector<1x128xf32>
    %mul3A_121 = arith.mulf %sub3A_117, %get3A_18 : vector<1x128xf32>
    %mul3A_122 = arith.mulf %sub3A_111, %get3A_28 : vector<1x128xf32>
    %sub3A_123 = arith.subf %mul3A_121, %mul3A_122 : vector<1x128xf32>
    %mul3A_124 = arith.mulf %sub3A_111, %get3A_23 : vector<1x128xf32>
    %mul3A_125 = arith.mulf %sub3A_114, %get3A_18 : vector<1x128xf32>
    %sub3A_126 = arith.subf %mul3A_124, %mul3A_125 : vector<1x128xf32>
    %mul3A_127 = arith.mulf %sub3A_120, %sub3A_120 : vector<1x128xf32>
    %mul3A_128 = arith.mulf %sub3A_123, %sub3A_123 : vector<1x128xf32>
    %add3A_129 = arith.addf %mul3A_127, %mul3A_128 : vector<1x128xf32>
    %mul3A_130 = arith.mulf %sub3A_126, %sub3A_126 : vector<1x128xf32>
    %add3A_131 = arith.addf %add3A_129, %mul3A_130 : vector<1x128xf32>
    %sqrt3A_132 = math.sqrt %add3A_131 : vector<1x128xf32>
    %div3A_133 = arith.divf %sub3A_120, %sqrt3A_132 : vector<1x128xf32>
    %div3A_134 = arith.divf %sub3A_123, %sqrt3A_132 : vector<1x128xf32>
    %div3A_135 = arith.divf %sub3A_126, %sqrt3A_132 : vector<1x128xf32>
    %mul3A_136 = vector.broadcast %div3A_135 : vector<1x128xf32> to vector<32x128xf32>
    %mul3A_137 = arith.mulf %div3A_107, %mul3A_136 : vector<32x128xf32>
    %mul3A_138 = vector.broadcast %div3A_134 : vector<1x128xf32> to vector<32x128xf32>
    %mul3A_139 = arith.mulf %div3A_108, %mul3A_138 : vector<32x128xf32>
    %sub3A_140 = arith.subf %mul3A_137, %mul3A_139 : vector<32x128xf32>
    %mul3A_141 = vector.broadcast %div3A_133 : vector<1x128xf32> to vector<32x128xf32>
    %mul3A_142 = arith.mulf %div3A_108, %mul3A_141 : vector<32x128xf32>
    %mul3A_143 = vector.broadcast %div3A_135 : vector<1x128xf32> to vector<32x128xf32>
    %mul3A_144 = arith.mulf %div3A, %mul3A_143 : vector<32x128xf32>
    %sub3A_145 = arith.subf %mul3A_142, %mul3A_144 : vector<32x128xf32>
    %mul3A_146 = vector.broadcast %div3A_134 : vector<1x128xf32> to vector<32x128xf32>
    %mul3A_147 = arith.mulf %div3A, %mul3A_146 : vector<32x128xf32>
    %mul3A_148 = vector.broadcast %div3A_133 : vector<1x128xf32> to vector<32x128xf32>
    %mul3A_149 = arith.mulf %div3A_107, %mul3A_148 : vector<32x128xf32>
    %sub3A_150 = arith.subf %mul3A_147, %mul3A_149 : vector<32x128xf32>
    %mul3A_151 = arith.mulf %get3A_18, %get3A_18 : vector<1x128xf32>
    %mul3A_152 = arith.mulf %get3A_23, %get3A_23 : vector<1x128xf32>
    %add3A_153 = arith.addf %mul3A_151, %mul3A_152 : vector<1x128xf32>
    %mul3A_154 = arith.mulf %get3A_28, %get3A_28 : vector<1x128xf32>
    %add3A_155 = arith.addf %add3A_153, %mul3A_154 : vector<1x128xf32>
    %sqrt3A_156 = math.sqrt %add3A_155 : vector<1x128xf32>
    %add3A_157 = arith.constant 9.99999993E-9 : f32
    %add3A_158 = vector.broadcast %add3A_157 : f32 to vector<1x128xf32>
    %add3A_159 = arith.addf %sqrt3A_156, %add3A_158 : vector<1x128xf32>
    %div3A_160 = arith.constant 1.000000e+00 : f32
    %div3A_161 = vector.broadcast %div3A_160 : f32 to vector<1x128xf32>
    %div3A_162 = arith.divf %div3A_161, %add3A_159 : vector<1x128xf32>
    %mul3A_163 = arith.mulf %get3A_18, %div3A_162 : vector<1x128xf32>
    %mul3A_164 = arith.mulf %get3A_23, %div3A_162 : vector<1x128xf32>
    %mul3A_165 = arith.mulf %get3A_28, %div3A_162 : vector<1x128xf32>
    %mul3A_166 = vector.broadcast %mul3A_163 : vector<1x128xf32> to vector<32x128xf32>
    %mul3A_167 = arith.mulf %sub3A_140, %mul3A_166 : vector<32x128xf32>
    %mul3A_168 = vector.broadcast %mul3A_164 : vector<1x128xf32> to vector<32x128xf32>
    %mul3A_169 = arith.mulf %sub3A_145, %mul3A_168 : vector<32x128xf32>
    %add3A_170 = arith.addf %mul3A_167, %mul3A_169 : vector<32x128xf32>
    %mul3A_171 = vector.broadcast %mul3A_165 : vector<1x128xf32> to vector<32x128xf32>
    %mul3A_172 = arith.mulf %sub3A_150, %mul3A_171 : vector<32x128xf32>
    %add3A_173 = arith.addf %add3A_170, %mul3A_172 : vector<32x128xf32>
    %slice3A = vector.extract_strided_slice %sqrt3A {offsets = [0, 0, 0], sizes = [1, 32, 128], strides = [1, 1, 1]} : vector<32x32x128xf32> to vector<1x32x128xf32>
    %squeeze3A = vector.shape_cast %slice3A : vector<1x32x128xf32> to vector<32x128xf32>
    %slice3A_174 = vector.extract_strided_slice %sqrt3A {offsets = [1, 0, 0], sizes = [1, 32, 128], strides = [1, 1, 1]} : vector<32x32x128xf32> to vector<1x32x128xf32>
    %squeeze3A_175 = vector.shape_cast %slice3A_174 : vector<1x32x128xf32> to vector<32x128xf32>
    %slice3A_176 = vector.extract_strided_slice %sqrt3A {offsets = [2, 0, 0], sizes = [1, 32, 128], strides = [1, 1, 1]} : vector<32x32x128xf32> to vector<1x32x128xf32>
    %squeeze3A_177 = vector.shape_cast %slice3A_176 : vector<1x32x128xf32> to vector<32x128xf32>
    %slice3A_178 = vector.extract_strided_slice %sqrt3A {offsets = [3, 0, 0], sizes = [1, 32, 128], strides = [1, 1, 1]} : vector<32x32x128xf32> to vector<1x32x128xf32>
    %squeeze3A_179 = vector.shape_cast %slice3A_178 : vector<1x32x128xf32> to vector<32x128xf32>
    %slice3A_180 = vector.extract_strided_slice %sqrt3A {offsets = [4, 0, 0], sizes = [1, 32, 128], strides = [1, 1, 1]} : vector<32x32x128xf32> to vector<1x32x128xf32>
    %squeeze3A_181 = vector.shape_cast %slice3A_180 : vector<1x32x128xf32> to vector<32x128xf32>
    %slice3A_182 = vector.extract_strided_slice %sqrt3A {offsets = [5, 0, 0], sizes = [1, 32, 128], strides = [1, 1, 1]} : vector<32x32x128xf32> to vector<1x32x128xf32>
    %squeeze3A_183 = vector.shape_cast %slice3A_182 : vector<1x32x128xf32> to vector<32x128xf32>
    %slice3A_184 = vector.extract_strided_slice %sqrt3A {offsets = [6, 0, 0], sizes = [1, 32, 128], strides = [1, 1, 1]} : vector<32x32x128xf32> to vector<1x32x128xf32>
    %squeeze3A_185 = vector.shape_cast %slice3A_184 : vector<1x32x128xf32> to vector<32x128xf32>
    %slice3A_186 = vector.extract_strided_slice %sqrt3A {offsets = [7, 0, 0], sizes = [1, 32, 128], strides = [1, 1, 1]} : vector<32x32x128xf32> to vector<1x32x128xf32>
    %squeeze3A_187 = vector.shape_cast %slice3A_186 : vector<1x32x128xf32> to vector<32x128xf32>
    %slice3A_188 = vector.extract_strided_slice %sqrt3A {offsets = [8, 0, 0], sizes = [1, 32, 128], strides = [1, 1, 1]} : vector<32x32x128xf32> to vector<1x32x128xf32>
    %squeeze3A_189 = vector.shape_cast %slice3A_188 : vector<1x32x128xf32> to vector<32x128xf32>
    %slice3A_190 = vector.extract_strided_slice %sqrt3A {offsets = [9, 0, 0], sizes = [1, 32, 128], strides = [1, 1, 1]} : vector<32x32x128xf32> to vector<1x32x128xf32>
    %squeeze3A_191 = vector.shape_cast %slice3A_190 : vector<1x32x128xf32> to vector<32x128xf32>
    %slice3A_192 = vector.extract_strided_slice %sqrt3A {offsets = [10, 0, 0], sizes = [1, 32, 128], strides = [1, 1, 1]} : vector<32x32x128xf32> to vector<1x32x128xf32>
    %squeeze3A_193 = vector.shape_cast %slice3A_192 : vector<1x32x128xf32> to vector<32x128xf32>
    %slice3A_194 = vector.extract_strided_slice %sqrt3A {offsets = [11, 0, 0], sizes = [1, 32, 128], strides = [1, 1, 1]} : vector<32x32x128xf32> to vector<1x32x128xf32>
    %squeeze3A_195 = vector.shape_cast %slice3A_194 : vector<1x32x128xf32> to vector<32x128xf32>
    %slice3A_196 = vector.extract_strided_slice %sqrt3A {offsets = [12, 0, 0], sizes = [1, 32, 128], strides = [1, 1, 1]} : vector<32x32x128xf32> to vector<1x32x128xf32>
    %squeeze3A_197 = vector.shape_cast %slice3A_196 : vector<1x32x128xf32> to vector<32x128xf32>
    %slice3A_198 = vector.extract_strided_slice %sqrt3A {offsets = [13, 0, 0], sizes = [1, 32, 128], strides = [1, 1, 1]} : vector<32x32x128xf32> to vector<1x32x128xf32>
    %squeeze3A_199 = vector.shape_cast %slice3A_198 : vector<1x32x128xf32> to vector<32x128xf32>
    %slice3A_200 = vector.extract_strided_slice %sqrt3A {offsets = [14, 0, 0], sizes = [1, 32, 128], strides = [1, 1, 1]} : vector<32x32x128xf32> to vector<1x32x128xf32>
    %squeeze3A_201 = vector.shape_cast %slice3A_200 : vector<1x32x128xf32> to vector<32x128xf32>
    %slice3A_202 = vector.extract_strided_slice %sqrt3A {offsets = [15, 0, 0], sizes = [1, 32, 128], strides = [1, 1, 1]} : vector<32x32x128xf32> to vector<1x32x128xf32>
    %squeeze3A_203 = vector.shape_cast %slice3A_202 : vector<1x32x128xf32> to vector<32x128xf32>
    %slice3A_204 = vector.extract_strided_slice %sqrt3A {offsets = [16, 0, 0], sizes = [1, 32, 128], strides = [1, 1, 1]} : vector<32x32x128xf32> to vector<1x32x128xf32>
    %squeeze3A_205 = vector.shape_cast %slice3A_204 : vector<1x32x128xf32> to vector<32x128xf32>
    %slice3A_206 = vector.extract_strided_slice %sqrt3A {offsets = [17, 0, 0], sizes = [1, 32, 128], strides = [1, 1, 1]} : vector<32x32x128xf32> to vector<1x32x128xf32>
    %squeeze3A_207 = vector.shape_cast %slice3A_206 : vector<1x32x128xf32> to vector<32x128xf32>
    %slice3A_208 = vector.extract_strided_slice %sqrt3A {offsets = [18, 0, 0], sizes = [1, 32, 128], strides = [1, 1, 1]} : vector<32x32x128xf32> to vector<1x32x128xf32>
    %squeeze3A_209 = vector.shape_cast %slice3A_208 : vector<1x32x128xf32> to vector<32x128xf32>
    %slice3A_210 = vector.extract_strided_slice %sqrt3A {offsets = [19, 0, 0], sizes = [1, 32, 128], strides = [1, 1, 1]} : vector<32x32x128xf32> to vector<1x32x128xf32>
    %squeeze3A_211 = vector.shape_cast %slice3A_210 : vector<1x32x128xf32> to vector<32x128xf32>
    %slice3A_212 = vector.extract_strided_slice %sqrt3A {offsets = [20, 0, 0], sizes = [1, 32, 128], strides = [1, 1, 1]} : vector<32x32x128xf32> to vector<1x32x128xf32>
    %squeeze3A_213 = vector.shape_cast %slice3A_212 : vector<1x32x128xf32> to vector<32x128xf32>
    %slice3A_214 = vector.extract_strided_slice %sqrt3A {offsets = [21, 0, 0], sizes = [1, 32, 128], strides = [1, 1, 1]} : vector<32x32x128xf32> to vector<1x32x128xf32>
    %squeeze3A_215 = vector.shape_cast %slice3A_214 : vector<1x32x128xf32> to vector<32x128xf32>
    %slice3A_216 = vector.extract_strided_slice %sqrt3A {offsets = [22, 0, 0], sizes = [1, 32, 128], strides = [1, 1, 1]} : vector<32x32x128xf32> to vector<1x32x128xf32>
    %squeeze3A_217 = vector.shape_cast %slice3A_216 : vector<1x32x128xf32> to vector<32x128xf32>
    %slice3A_218 = vector.extract_strided_slice %sqrt3A {offsets = [23, 0, 0], sizes = [1, 32, 128], strides = [1, 1, 1]} : vector<32x32x128xf32> to vector<1x32x128xf32>
    %squeeze3A_219 = vector.shape_cast %slice3A_218 : vector<1x32x128xf32> to vector<32x128xf32>
    %slice3A_220 = vector.extract_strided_slice %sqrt3A {offsets = [24, 0, 0], sizes = [1, 32, 128], strides = [1, 1, 1]} : vector<32x32x128xf32> to vector<1x32x128xf32>
    %squeeze3A_221 = vector.shape_cast %slice3A_220 : vector<1x32x128xf32> to vector<32x128xf32>
    %slice3A_222 = vector.extract_strided_slice %sqrt3A {offsets = [25, 0, 0], sizes = [1, 32, 128], strides = [1, 1, 1]} : vector<32x32x128xf32> to vector<1x32x128xf32>
    %squeeze3A_223 = vector.shape_cast %slice3A_222 : vector<1x32x128xf32> to vector<32x128xf32>
    %slice3A_224 = vector.extract_strided_slice %sqrt3A {offsets = [26, 0, 0], sizes = [1, 32, 128], strides = [1, 1, 1]} : vector<32x32x128xf32> to vector<1x32x128xf32>
    %squeeze3A_225 = vector.shape_cast %slice3A_224 : vector<1x32x128xf32> to vector<32x128xf32>
    %slice3A_226 = vector.extract_strided_slice %sqrt3A {offsets = [27, 0, 0], sizes = [1, 32, 128], strides = [1, 1, 1]} : vector<32x32x128xf32> to vector<1x32x128xf32>
    %squeeze3A_227 = vector.shape_cast %slice3A_226 : vector<1x32x128xf32> to vector<32x128xf32>
    %slice3A_228 = vector.extract_strided_slice %sqrt3A {offsets = [28, 0, 0], sizes = [1, 32, 128], strides = [1, 1, 1]} : vector<32x32x128xf32> to vector<1x32x128xf32>
    %squeeze3A_229 = vector.shape_cast %slice3A_228 : vector<1x32x128xf32> to vector<32x128xf32>
    %slice3A_230 = vector.extract_strided_slice %sqrt3A {offsets = [29, 0, 0], sizes = [1, 32, 128], strides = [1, 1, 1]} : vector<32x32x128xf32> to vector<1x32x128xf32>
    %squeeze3A_231 = vector.shape_cast %slice3A_230 : vector<1x32x128xf32> to vector<32x128xf32>
    %slice3A_232 = vector.extract_strided_slice %sqrt3A {offsets = [30, 0, 0], sizes = [1, 32, 128], strides = [1, 1, 1]} : vector<32x32x128xf32> to vector<1x32x128xf32>
    %squeeze3A_233 = vector.shape_cast %slice3A_232 : vector<1x32x128xf32> to vector<32x128xf32>
    %slice3A_234 = vector.extract_strided_slice %sqrt3A {offsets = [31, 0, 0], sizes = [1, 32, 128], strides = [1, 1, 1]} : vector<32x32x128xf32> to vector<1x32x128xf32>
    %squeeze3A_235 = vector.shape_cast %slice3A_234 : vector<1x32x128xf32> to vector<32x128xf32>
    %min3A = arith.minimumf %squeeze3A, %squeeze3A_175 : vector<32x128xf32>
    %max3A = arith.maximumf %squeeze3A, %squeeze3A_175 : vector<32x128xf32>
    %min3A_236 = arith.minimumf %squeeze3A_177, %squeeze3A_179 : vector<32x128xf32>
    %max3A_237 = arith.maximumf %squeeze3A_177, %squeeze3A_179 : vector<32x128xf32>
    %min3A_238 = arith.minimumf %squeeze3A_181, %squeeze3A_183 : vector<32x128xf32>
    %max3A_239 = arith.maximumf %squeeze3A_181, %squeeze3A_183 : vector<32x128xf32>
    %min3A_240 = arith.minimumf %squeeze3A_185, %squeeze3A_187 : vector<32x128xf32>
    %max3A_241 = arith.maximumf %squeeze3A_185, %squeeze3A_187 : vector<32x128xf32>
    %min3A_242 = arith.minimumf %squeeze3A_189, %squeeze3A_191 : vector<32x128xf32>
    %max3A_243 = arith.maximumf %squeeze3A_189, %squeeze3A_191 : vector<32x128xf32>
    %min3A_244 = arith.minimumf %squeeze3A_193, %squeeze3A_195 : vector<32x128xf32>
    %max3A_245 = arith.maximumf %squeeze3A_193, %squeeze3A_195 : vector<32x128xf32>
    %min3A_246 = arith.minimumf %squeeze3A_197, %squeeze3A_199 : vector<32x128xf32>
    %max3A_247 = arith.maximumf %squeeze3A_197, %squeeze3A_199 : vector<32x128xf32>
    %min3A_248 = arith.minimumf %squeeze3A_201, %squeeze3A_203 : vector<32x128xf32>
    %max3A_249 = arith.maximumf %squeeze3A_201, %squeeze3A_203 : vector<32x128xf32>
    %min3A_250 = arith.minimumf %squeeze3A_205, %squeeze3A_207 : vector<32x128xf32>
    %max3A_251 = arith.maximumf %squeeze3A_205, %squeeze3A_207 : vector<32x128xf32>
    %min3A_252 = arith.minimumf %squeeze3A_209, %squeeze3A_211 : vector<32x128xf32>
    %max3A_253 = arith.maximumf %squeeze3A_209, %squeeze3A_211 : vector<32x128xf32>
    %min3A_254 = arith.minimumf %squeeze3A_213, %squeeze3A_215 : vector<32x128xf32>
    %max3A_255 = arith.maximumf %squeeze3A_213, %squeeze3A_215 : vector<32x128xf32>
    %min3A_256 = arith.minimumf %squeeze3A_217, %squeeze3A_219 : vector<32x128xf32>
    %max3A_257 = arith.maximumf %squeeze3A_217, %squeeze3A_219 : vector<32x128xf32>
    %min3A_258 = arith.minimumf %squeeze3A_221, %squeeze3A_223 : vector<32x128xf32>
    %max3A_259 = arith.maximumf %squeeze3A_221, %squeeze3A_223 : vector<32x128xf32>
    %min3A_260 = arith.minimumf %squeeze3A_225, %squeeze3A_227 : vector<32x128xf32>
    %max3A_261 = arith.maximumf %squeeze3A_225, %squeeze3A_227 : vector<32x128xf32>
    %min3A_262 = arith.minimumf %squeeze3A_229, %squeeze3A_231 : vector<32x128xf32>
    %max3A_263 = arith.maximumf %squeeze3A_229, %squeeze3A_231 : vector<32x128xf32>
    %min3A_264 = arith.minimumf %squeeze3A_233, %squeeze3A_235 : vector<32x128xf32>
    %max3A_265 = arith.maximumf %squeeze3A_233, %squeeze3A_235 : vector<32x128xf32>
    %min3A_266 = arith.minimumf %min3A, %max3A_237 : vector<32x128xf32>
    %max3A_267 = arith.maximumf %min3A, %max3A_237 : vector<32x128xf32>
    %min3A_268 = arith.minimumf %max3A, %min3A_236 : vector<32x128xf32>
    %max3A_269 = arith.maximumf %max3A, %min3A_236 : vector<32x128xf32>
    %min3A_270 = arith.minimumf %min3A_238, %max3A_241 : vector<32x128xf32>
    %max3A_271 = arith.maximumf %min3A_238, %max3A_241 : vector<32x128xf32>
    %min3A_272 = arith.minimumf %max3A_239, %min3A_240 : vector<32x128xf32>
    %max3A_273 = arith.maximumf %max3A_239, %min3A_240 : vector<32x128xf32>
    %min3A_274 = arith.minimumf %min3A_242, %max3A_245 : vector<32x128xf32>
    %max3A_275 = arith.maximumf %min3A_242, %max3A_245 : vector<32x128xf32>
    %min3A_276 = arith.minimumf %max3A_243, %min3A_244 : vector<32x128xf32>
    %max3A_277 = arith.maximumf %max3A_243, %min3A_244 : vector<32x128xf32>
    %min3A_278 = arith.minimumf %min3A_246, %max3A_249 : vector<32x128xf32>
    %max3A_279 = arith.maximumf %min3A_246, %max3A_249 : vector<32x128xf32>
    %min3A_280 = arith.minimumf %max3A_247, %min3A_248 : vector<32x128xf32>
    %max3A_281 = arith.maximumf %max3A_247, %min3A_248 : vector<32x128xf32>
    %min3A_282 = arith.minimumf %min3A_250, %max3A_253 : vector<32x128xf32>
    %max3A_283 = arith.maximumf %min3A_250, %max3A_253 : vector<32x128xf32>
    %min3A_284 = arith.minimumf %max3A_251, %min3A_252 : vector<32x128xf32>
    %max3A_285 = arith.maximumf %max3A_251, %min3A_252 : vector<32x128xf32>
    %min3A_286 = arith.minimumf %min3A_254, %max3A_257 : vector<32x128xf32>
    %max3A_287 = arith.maximumf %min3A_254, %max3A_257 : vector<32x128xf32>
    %min3A_288 = arith.minimumf %max3A_255, %min3A_256 : vector<32x128xf32>
    %max3A_289 = arith.maximumf %max3A_255, %min3A_256 : vector<32x128xf32>
    %min3A_290 = arith.minimumf %min3A_258, %max3A_261 : vector<32x128xf32>
    %max3A_291 = arith.maximumf %min3A_258, %max3A_261 : vector<32x128xf32>
    %min3A_292 = arith.minimumf %max3A_259, %min3A_260 : vector<32x128xf32>
    %max3A_293 = arith.maximumf %max3A_259, %min3A_260 : vector<32x128xf32>
    %min3A_294 = arith.minimumf %min3A_262, %max3A_265 : vector<32x128xf32>
    %max3A_295 = arith.maximumf %min3A_262, %max3A_265 : vector<32x128xf32>
    %min3A_296 = arith.minimumf %max3A_263, %min3A_264 : vector<32x128xf32>
    %max3A_297 = arith.maximumf %max3A_263, %min3A_264 : vector<32x128xf32>
    %min3A_298 = arith.minimumf %min3A_266, %min3A_268 : vector<32x128xf32>
    %max3A_299 = arith.maximumf %min3A_266, %min3A_268 : vector<32x128xf32>
    %min3A_300 = arith.minimumf %max3A_267, %max3A_269 : vector<32x128xf32>
    %max3A_301 = arith.maximumf %max3A_267, %max3A_269 : vector<32x128xf32>
    %min3A_302 = arith.minimumf %max3A_271, %max3A_273 : vector<32x128xf32>
    %max3A_303 = arith.maximumf %max3A_271, %max3A_273 : vector<32x128xf32>
    %min3A_304 = arith.minimumf %min3A_270, %min3A_272 : vector<32x128xf32>
    %max3A_305 = arith.maximumf %min3A_270, %min3A_272 : vector<32x128xf32>
    %min3A_306 = arith.minimumf %min3A_274, %min3A_276 : vector<32x128xf32>
    %max3A_307 = arith.maximumf %min3A_274, %min3A_276 : vector<32x128xf32>
    %min3A_308 = arith.minimumf %max3A_275, %max3A_277 : vector<32x128xf32>
    %max3A_309 = arith.maximumf %max3A_275, %max3A_277 : vector<32x128xf32>
    %min3A_310 = arith.minimumf %max3A_279, %max3A_281 : vector<32x128xf32>
    %max3A_311 = arith.maximumf %max3A_279, %max3A_281 : vector<32x128xf32>
    %min3A_312 = arith.minimumf %min3A_278, %min3A_280 : vector<32x128xf32>
    %max3A_313 = arith.maximumf %min3A_278, %min3A_280 : vector<32x128xf32>
    %min3A_314 = arith.minimumf %min3A_282, %min3A_284 : vector<32x128xf32>
    %max3A_315 = arith.maximumf %min3A_282, %min3A_284 : vector<32x128xf32>
    %min3A_316 = arith.minimumf %max3A_283, %max3A_285 : vector<32x128xf32>
    %max3A_317 = arith.maximumf %max3A_283, %max3A_285 : vector<32x128xf32>
    %min3A_318 = arith.minimumf %max3A_287, %max3A_289 : vector<32x128xf32>
    %max3A_319 = arith.maximumf %max3A_287, %max3A_289 : vector<32x128xf32>
    %min3A_320 = arith.minimumf %min3A_286, %min3A_288 : vector<32x128xf32>
    %max3A_321 = arith.maximumf %min3A_286, %min3A_288 : vector<32x128xf32>
    %min3A_322 = arith.minimumf %min3A_290, %min3A_292 : vector<32x128xf32>
    %max3A_323 = arith.maximumf %min3A_290, %min3A_292 : vector<32x128xf32>
    %min3A_324 = arith.minimumf %max3A_291, %max3A_293 : vector<32x128xf32>
    %max3A_325 = arith.maximumf %max3A_291, %max3A_293 : vector<32x128xf32>
    %min3A_326 = arith.minimumf %max3A_295, %max3A_297 : vector<32x128xf32>
    %max3A_327 = arith.maximumf %max3A_295, %max3A_297 : vector<32x128xf32>
    %min3A_328 = arith.minimumf %min3A_294, %min3A_296 : vector<32x128xf32>
    %max3A_329 = arith.maximumf %min3A_294, %min3A_296 : vector<32x128xf32>
    %min3A_330 = arith.minimumf %min3A_298, %max3A_303 : vector<32x128xf32>
    %max3A_331 = arith.maximumf %min3A_298, %max3A_303 : vector<32x128xf32>
    %min3A_332 = arith.minimumf %max3A_299, %min3A_302 : vector<32x128xf32>
    %max3A_333 = arith.maximumf %max3A_299, %min3A_302 : vector<32x128xf32>
    %min3A_334 = arith.minimumf %min3A_300, %max3A_305 : vector<32x128xf32>
    %max3A_335 = arith.maximumf %min3A_300, %max3A_305 : vector<32x128xf32>
    %min3A_336 = arith.minimumf %max3A_301, %min3A_304 : vector<32x128xf32>
    %max3A_337 = arith.maximumf %max3A_301, %min3A_304 : vector<32x128xf32>
    %min3A_338 = arith.minimumf %min3A_306, %max3A_311 : vector<32x128xf32>
    %max3A_339 = arith.maximumf %min3A_306, %max3A_311 : vector<32x128xf32>
    %min3A_340 = arith.minimumf %max3A_307, %min3A_310 : vector<32x128xf32>
    %max3A_341 = arith.maximumf %max3A_307, %min3A_310 : vector<32x128xf32>
    %min3A_342 = arith.minimumf %min3A_308, %max3A_313 : vector<32x128xf32>
    %max3A_343 = arith.maximumf %min3A_308, %max3A_313 : vector<32x128xf32>
    %min3A_344 = arith.minimumf %max3A_309, %min3A_312 : vector<32x128xf32>
    %max3A_345 = arith.maximumf %max3A_309, %min3A_312 : vector<32x128xf32>
    %min3A_346 = arith.minimumf %min3A_314, %max3A_319 : vector<32x128xf32>
    %max3A_347 = arith.maximumf %min3A_314, %max3A_319 : vector<32x128xf32>
    %min3A_348 = arith.minimumf %max3A_315, %min3A_318 : vector<32x128xf32>
    %max3A_349 = arith.maximumf %max3A_315, %min3A_318 : vector<32x128xf32>
    %min3A_350 = arith.minimumf %min3A_316, %max3A_321 : vector<32x128xf32>
    %max3A_351 = arith.maximumf %min3A_316, %max3A_321 : vector<32x128xf32>
    %min3A_352 = arith.minimumf %max3A_317, %min3A_320 : vector<32x128xf32>
    %max3A_353 = arith.maximumf %max3A_317, %min3A_320 : vector<32x128xf32>
    %min3A_354 = arith.minimumf %min3A_322, %max3A_327 : vector<32x128xf32>
    %max3A_355 = arith.maximumf %min3A_322, %max3A_327 : vector<32x128xf32>
    %min3A_356 = arith.minimumf %max3A_323, %min3A_326 : vector<32x128xf32>
    %max3A_357 = arith.maximumf %max3A_323, %min3A_326 : vector<32x128xf32>
    %min3A_358 = arith.minimumf %min3A_324, %max3A_329 : vector<32x128xf32>
    %max3A_359 = arith.maximumf %min3A_324, %max3A_329 : vector<32x128xf32>
    %min3A_360 = arith.minimumf %max3A_325, %min3A_328 : vector<32x128xf32>
    %max3A_361 = arith.maximumf %max3A_325, %min3A_328 : vector<32x128xf32>
    %min3A_362 = arith.minimumf %min3A_330, %min3A_334 : vector<32x128xf32>
    %max3A_363 = arith.maximumf %min3A_330, %min3A_334 : vector<32x128xf32>
    %min3A_364 = arith.minimumf %min3A_332, %min3A_336 : vector<32x128xf32>
    %max3A_365 = arith.maximumf %min3A_332, %min3A_336 : vector<32x128xf32>
    %min3A_366 = arith.minimumf %max3A_331, %max3A_335 : vector<32x128xf32>
    %max3A_367 = arith.maximumf %max3A_331, %max3A_335 : vector<32x128xf32>
    %min3A_368 = arith.minimumf %max3A_333, %max3A_337 : vector<32x128xf32>
    %max3A_369 = arith.maximumf %max3A_333, %max3A_337 : vector<32x128xf32>
    %min3A_370 = arith.minimumf %max3A_339, %max3A_343 : vector<32x128xf32>
    %max3A_371 = arith.maximumf %max3A_339, %max3A_343 : vector<32x128xf32>
    %min3A_372 = arith.minimumf %max3A_341, %max3A_345 : vector<32x128xf32>
    %max3A_373 = arith.maximumf %max3A_341, %max3A_345 : vector<32x128xf32>
    %min3A_374 = arith.minimumf %min3A_338, %min3A_342 : vector<32x128xf32>
    %max3A_375 = arith.maximumf %min3A_338, %min3A_342 : vector<32x128xf32>
    %min3A_376 = arith.minimumf %min3A_340, %min3A_344 : vector<32x128xf32>
    %max3A_377 = arith.maximumf %min3A_340, %min3A_344 : vector<32x128xf32>
    %min3A_378 = arith.minimumf %min3A_346, %min3A_350 : vector<32x128xf32>
    %max3A_379 = arith.maximumf %min3A_346, %min3A_350 : vector<32x128xf32>
    %min3A_380 = arith.minimumf %min3A_348, %min3A_352 : vector<32x128xf32>
    %max3A_381 = arith.maximumf %min3A_348, %min3A_352 : vector<32x128xf32>
    %min3A_382 = arith.minimumf %max3A_347, %max3A_351 : vector<32x128xf32>
    %max3A_383 = arith.maximumf %max3A_347, %max3A_351 : vector<32x128xf32>
    %min3A_384 = arith.minimumf %max3A_349, %max3A_353 : vector<32x128xf32>
    %max3A_385 = arith.maximumf %max3A_349, %max3A_353 : vector<32x128xf32>
    %min3A_386 = arith.minimumf %max3A_355, %max3A_359 : vector<32x128xf32>
    %max3A_387 = arith.maximumf %max3A_355, %max3A_359 : vector<32x128xf32>
    %min3A_388 = arith.minimumf %max3A_357, %max3A_361 : vector<32x128xf32>
    %max3A_389 = arith.maximumf %max3A_357, %max3A_361 : vector<32x128xf32>
    %min3A_390 = arith.minimumf %min3A_354, %min3A_358 : vector<32x128xf32>
    %max3A_391 = arith.maximumf %min3A_354, %min3A_358 : vector<32x128xf32>
    %min3A_392 = arith.minimumf %min3A_356, %min3A_360 : vector<32x128xf32>
    %max3A_393 = arith.maximumf %min3A_356, %min3A_360 : vector<32x128xf32>
    %min3A_394 = arith.minimumf %min3A_362, %min3A_364 : vector<32x128xf32>
    %max3A_395 = arith.maximumf %min3A_362, %min3A_364 : vector<32x128xf32>
    %min3A_396 = arith.minimumf %max3A_363, %max3A_365 : vector<32x128xf32>
    %max3A_397 = arith.maximumf %max3A_363, %max3A_365 : vector<32x128xf32>
    %min3A_398 = arith.minimumf %min3A_366, %min3A_368 : vector<32x128xf32>
    %max3A_399 = arith.maximumf %min3A_366, %min3A_368 : vector<32x128xf32>
    %min3A_400 = arith.minimumf %max3A_367, %max3A_369 : vector<32x128xf32>
    %max3A_401 = arith.maximumf %max3A_367, %max3A_369 : vector<32x128xf32>
    %min3A_402 = arith.minimumf %max3A_371, %max3A_373 : vector<32x128xf32>
    %max3A_403 = arith.maximumf %max3A_371, %max3A_373 : vector<32x128xf32>
    %min3A_404 = arith.minimumf %min3A_370, %min3A_372 : vector<32x128xf32>
    %max3A_405 = arith.maximumf %min3A_370, %min3A_372 : vector<32x128xf32>
    %min3A_406 = arith.minimumf %max3A_375, %max3A_377 : vector<32x128xf32>
    %max3A_407 = arith.maximumf %max3A_375, %max3A_377 : vector<32x128xf32>
    %min3A_408 = arith.minimumf %min3A_374, %min3A_376 : vector<32x128xf32>
    %max3A_409 = arith.maximumf %min3A_374, %min3A_376 : vector<32x128xf32>
    %min3A_410 = arith.minimumf %min3A_378, %min3A_380 : vector<32x128xf32>
    %max3A_411 = arith.maximumf %min3A_378, %min3A_380 : vector<32x128xf32>
    %min3A_412 = arith.minimumf %max3A_379, %max3A_381 : vector<32x128xf32>
    %max3A_413 = arith.maximumf %max3A_379, %max3A_381 : vector<32x128xf32>
    %min3A_414 = arith.minimumf %min3A_382, %min3A_384 : vector<32x128xf32>
    %max3A_415 = arith.maximumf %min3A_382, %min3A_384 : vector<32x128xf32>
    %min3A_416 = arith.minimumf %max3A_383, %max3A_385 : vector<32x128xf32>
    %max3A_417 = arith.maximumf %max3A_383, %max3A_385 : vector<32x128xf32>
    %min3A_418 = arith.minimumf %max3A_387, %max3A_389 : vector<32x128xf32>
    %max3A_419 = arith.maximumf %max3A_387, %max3A_389 : vector<32x128xf32>
    %min3A_420 = arith.minimumf %min3A_386, %min3A_388 : vector<32x128xf32>
    %max3A_421 = arith.maximumf %min3A_386, %min3A_388 : vector<32x128xf32>
    %min3A_422 = arith.minimumf %max3A_391, %max3A_393 : vector<32x128xf32>
    %max3A_423 = arith.maximumf %max3A_391, %max3A_393 : vector<32x128xf32>
    %min3A_424 = arith.minimumf %min3A_390, %min3A_392 : vector<32x128xf32>
    %max3A_425 = arith.maximumf %min3A_390, %min3A_392 : vector<32x128xf32>
    %min3A_426 = arith.minimumf %min3A_394, %max3A_403 : vector<32x128xf32>
    %max3A_427 = arith.maximumf %min3A_394, %max3A_403 : vector<32x128xf32>
    %min3A_428 = arith.minimumf %max3A_395, %min3A_402 : vector<32x128xf32>
    %max3A_429 = arith.maximumf %max3A_395, %min3A_402 : vector<32x128xf32>
    %min3A_430 = arith.minimumf %min3A_396, %max3A_405 : vector<32x128xf32>
    %max3A_431 = arith.maximumf %min3A_396, %max3A_405 : vector<32x128xf32>
    %min3A_432 = arith.minimumf %max3A_397, %min3A_404 : vector<32x128xf32>
    %max3A_433 = arith.maximumf %max3A_397, %min3A_404 : vector<32x128xf32>
    %min3A_434 = arith.minimumf %min3A_398, %max3A_407 : vector<32x128xf32>
    %max3A_435 = arith.maximumf %min3A_398, %max3A_407 : vector<32x128xf32>
    %min3A_436 = arith.minimumf %max3A_399, %min3A_406 : vector<32x128xf32>
    %max3A_437 = arith.maximumf %max3A_399, %min3A_406 : vector<32x128xf32>
    %min3A_438 = arith.minimumf %min3A_400, %max3A_409 : vector<32x128xf32>
    %max3A_439 = arith.maximumf %min3A_400, %max3A_409 : vector<32x128xf32>
    %min3A_440 = arith.minimumf %max3A_401, %min3A_408 : vector<32x128xf32>
    %max3A_441 = arith.maximumf %max3A_401, %min3A_408 : vector<32x128xf32>
    %min3A_442 = arith.minimumf %min3A_410, %max3A_419 : vector<32x128xf32>
    %max3A_443 = arith.maximumf %min3A_410, %max3A_419 : vector<32x128xf32>
    %min3A_444 = arith.minimumf %max3A_411, %min3A_418 : vector<32x128xf32>
    %max3A_445 = arith.maximumf %max3A_411, %min3A_418 : vector<32x128xf32>
    %min3A_446 = arith.minimumf %min3A_412, %max3A_421 : vector<32x128xf32>
    %max3A_447 = arith.maximumf %min3A_412, %max3A_421 : vector<32x128xf32>
    %min3A_448 = arith.minimumf %max3A_413, %min3A_420 : vector<32x128xf32>
    %max3A_449 = arith.maximumf %max3A_413, %min3A_420 : vector<32x128xf32>
    %min3A_450 = arith.minimumf %min3A_414, %max3A_423 : vector<32x128xf32>
    %max3A_451 = arith.maximumf %min3A_414, %max3A_423 : vector<32x128xf32>
    %min3A_452 = arith.minimumf %max3A_415, %min3A_422 : vector<32x128xf32>
    %max3A_453 = arith.maximumf %max3A_415, %min3A_422 : vector<32x128xf32>
    %min3A_454 = arith.minimumf %min3A_416, %max3A_425 : vector<32x128xf32>
    %max3A_455 = arith.maximumf %min3A_416, %max3A_425 : vector<32x128xf32>
    %min3A_456 = arith.minimumf %max3A_417, %min3A_424 : vector<32x128xf32>
    %max3A_457 = arith.maximumf %max3A_417, %min3A_424 : vector<32x128xf32>
    %min3A_458 = arith.minimumf %min3A_426, %min3A_434 : vector<32x128xf32>
    %max3A_459 = arith.maximumf %min3A_426, %min3A_434 : vector<32x128xf32>
    %min3A_460 = arith.minimumf %min3A_428, %min3A_436 : vector<32x128xf32>
    %max3A_461 = arith.maximumf %min3A_428, %min3A_436 : vector<32x128xf32>
    %min3A_462 = arith.minimumf %min3A_430, %min3A_438 : vector<32x128xf32>
    %max3A_463 = arith.maximumf %min3A_430, %min3A_438 : vector<32x128xf32>
    %min3A_464 = arith.minimumf %min3A_432, %min3A_440 : vector<32x128xf32>
    %max3A_465 = arith.maximumf %min3A_432, %min3A_440 : vector<32x128xf32>
    %min3A_466 = arith.minimumf %max3A_427, %max3A_435 : vector<32x128xf32>
    %max3A_467 = arith.maximumf %max3A_427, %max3A_435 : vector<32x128xf32>
    %min3A_468 = arith.minimumf %max3A_429, %max3A_437 : vector<32x128xf32>
    %max3A_469 = arith.maximumf %max3A_429, %max3A_437 : vector<32x128xf32>
    %min3A_470 = arith.minimumf %max3A_431, %max3A_439 : vector<32x128xf32>
    %max3A_471 = arith.maximumf %max3A_431, %max3A_439 : vector<32x128xf32>
    %min3A_472 = arith.minimumf %max3A_433, %max3A_441 : vector<32x128xf32>
    %max3A_473 = arith.maximumf %max3A_433, %max3A_441 : vector<32x128xf32>
    %min3A_474 = arith.minimumf %max3A_443, %max3A_451 : vector<32x128xf32>
    %max3A_475 = arith.maximumf %max3A_443, %max3A_451 : vector<32x128xf32>
    %min3A_476 = arith.minimumf %max3A_445, %max3A_453 : vector<32x128xf32>
    %max3A_477 = arith.maximumf %max3A_445, %max3A_453 : vector<32x128xf32>
    %min3A_478 = arith.minimumf %max3A_447, %max3A_455 : vector<32x128xf32>
    %max3A_479 = arith.maximumf %max3A_447, %max3A_455 : vector<32x128xf32>
    %min3A_480 = arith.minimumf %max3A_449, %max3A_457 : vector<32x128xf32>
    %max3A_481 = arith.maximumf %max3A_449, %max3A_457 : vector<32x128xf32>
    %min3A_482 = arith.minimumf %min3A_442, %min3A_450 : vector<32x128xf32>
    %max3A_483 = arith.maximumf %min3A_442, %min3A_450 : vector<32x128xf32>
    %min3A_484 = arith.minimumf %min3A_444, %min3A_452 : vector<32x128xf32>
    %max3A_485 = arith.maximumf %min3A_444, %min3A_452 : vector<32x128xf32>
    %min3A_486 = arith.minimumf %min3A_446, %min3A_454 : vector<32x128xf32>
    %max3A_487 = arith.maximumf %min3A_446, %min3A_454 : vector<32x128xf32>
    %min3A_488 = arith.minimumf %min3A_448, %min3A_456 : vector<32x128xf32>
    %max3A_489 = arith.maximumf %min3A_448, %min3A_456 : vector<32x128xf32>
    %min3A_490 = arith.minimumf %min3A_458, %min3A_462 : vector<32x128xf32>
    %max3A_491 = arith.maximumf %min3A_458, %min3A_462 : vector<32x128xf32>
    %min3A_492 = arith.minimumf %min3A_460, %min3A_464 : vector<32x128xf32>
    %max3A_493 = arith.maximumf %min3A_460, %min3A_464 : vector<32x128xf32>
    %min3A_494 = arith.minimumf %max3A_459, %max3A_463 : vector<32x128xf32>
    %max3A_495 = arith.maximumf %max3A_459, %max3A_463 : vector<32x128xf32>
    %min3A_496 = arith.minimumf %max3A_461, %max3A_465 : vector<32x128xf32>
    %max3A_497 = arith.maximumf %max3A_461, %max3A_465 : vector<32x128xf32>
    %min3A_498 = arith.minimumf %min3A_466, %min3A_470 : vector<32x128xf32>
    %max3A_499 = arith.maximumf %min3A_466, %min3A_470 : vector<32x128xf32>
    %min3A_500 = arith.minimumf %min3A_468, %min3A_472 : vector<32x128xf32>
    %max3A_501 = arith.maximumf %min3A_468, %min3A_472 : vector<32x128xf32>
    %min3A_502 = arith.minimumf %max3A_467, %max3A_471 : vector<32x128xf32>
    %max3A_503 = arith.maximumf %max3A_467, %max3A_471 : vector<32x128xf32>
    %min3A_504 = arith.minimumf %max3A_469, %max3A_473 : vector<32x128xf32>
    %max3A_505 = arith.maximumf %max3A_469, %max3A_473 : vector<32x128xf32>
    %min3A_506 = arith.minimumf %max3A_475, %max3A_479 : vector<32x128xf32>
    %max3A_507 = arith.maximumf %max3A_475, %max3A_479 : vector<32x128xf32>
    %min3A_508 = arith.minimumf %max3A_477, %max3A_481 : vector<32x128xf32>
    %max3A_509 = arith.maximumf %max3A_477, %max3A_481 : vector<32x128xf32>
    %min3A_510 = arith.minimumf %min3A_474, %min3A_478 : vector<32x128xf32>
    %max3A_511 = arith.maximumf %min3A_474, %min3A_478 : vector<32x128xf32>
    %min3A_512 = arith.minimumf %min3A_476, %min3A_480 : vector<32x128xf32>
    %max3A_513 = arith.maximumf %min3A_476, %min3A_480 : vector<32x128xf32>
    %min3A_514 = arith.minimumf %max3A_483, %max3A_487 : vector<32x128xf32>
    %max3A_515 = arith.maximumf %max3A_483, %max3A_487 : vector<32x128xf32>
    %min3A_516 = arith.minimumf %max3A_485, %max3A_489 : vector<32x128xf32>
    %max3A_517 = arith.maximumf %max3A_485, %max3A_489 : vector<32x128xf32>
    %min3A_518 = arith.minimumf %min3A_482, %min3A_486 : vector<32x128xf32>
    %max3A_519 = arith.maximumf %min3A_482, %min3A_486 : vector<32x128xf32>
    %min3A_520 = arith.minimumf %min3A_484, %min3A_488 : vector<32x128xf32>
    %max3A_521 = arith.maximumf %min3A_484, %min3A_488 : vector<32x128xf32>
    %min3A_522 = arith.minimumf %min3A_490, %min3A_492 : vector<32x128xf32>
    %max3A_523 = arith.maximumf %min3A_490, %min3A_492 : vector<32x128xf32>
    %min3A_524 = arith.minimumf %max3A_491, %max3A_493 : vector<32x128xf32>
    %max3A_525 = arith.maximumf %max3A_491, %max3A_493 : vector<32x128xf32>
    %min3A_526 = arith.minimumf %min3A_494, %min3A_496 : vector<32x128xf32>
    %max3A_527 = arith.maximumf %min3A_494, %min3A_496 : vector<32x128xf32>
    %min3A_528 = arith.minimumf %max3A_495, %max3A_497 : vector<32x128xf32>
    %max3A_529 = arith.maximumf %max3A_495, %max3A_497 : vector<32x128xf32>
    %min3A_530 = arith.minimumf %min3A_498, %min3A_500 : vector<32x128xf32>
    %max3A_531 = arith.maximumf %min3A_498, %min3A_500 : vector<32x128xf32>
    %min3A_532 = arith.minimumf %max3A_499, %max3A_501 : vector<32x128xf32>
    %max3A_533 = arith.maximumf %max3A_499, %max3A_501 : vector<32x128xf32>
    %min3A_534 = arith.minimumf %min3A_502, %min3A_504 : vector<32x128xf32>
    %max3A_535 = arith.maximumf %min3A_502, %min3A_504 : vector<32x128xf32>
    %min3A_536 = arith.minimumf %max3A_503, %max3A_505 : vector<32x128xf32>
    %max3A_537 = arith.maximumf %max3A_503, %max3A_505 : vector<32x128xf32>
    %min3A_538 = arith.minimumf %max3A_507, %max3A_509 : vector<32x128xf32>
    %max3A_539 = arith.maximumf %max3A_507, %max3A_509 : vector<32x128xf32>
    %min3A_540 = arith.minimumf %min3A_506, %min3A_508 : vector<32x128xf32>
    %max3A_541 = arith.maximumf %min3A_506, %min3A_508 : vector<32x128xf32>
    %min3A_542 = arith.minimumf %max3A_511, %max3A_513 : vector<32x128xf32>
    %max3A_543 = arith.maximumf %max3A_511, %max3A_513 : vector<32x128xf32>
    %min3A_544 = arith.minimumf %min3A_510, %min3A_512 : vector<32x128xf32>
    %max3A_545 = arith.maximumf %min3A_510, %min3A_512 : vector<32x128xf32>
    %min3A_546 = arith.minimumf %max3A_515, %max3A_517 : vector<32x128xf32>
    %max3A_547 = arith.maximumf %max3A_515, %max3A_517 : vector<32x128xf32>
    %min3A_548 = arith.minimumf %min3A_514, %min3A_516 : vector<32x128xf32>
    %max3A_549 = arith.maximumf %min3A_514, %min3A_516 : vector<32x128xf32>
    %min3A_550 = arith.minimumf %max3A_519, %max3A_521 : vector<32x128xf32>
    %max3A_551 = arith.maximumf %max3A_519, %max3A_521 : vector<32x128xf32>
    %min3A_552 = arith.minimumf %min3A_518, %min3A_520 : vector<32x128xf32>
    %max3A_553 = arith.maximumf %min3A_518, %min3A_520 : vector<32x128xf32>
    %min3A_554 = arith.minimumf %min3A_522, %max3A_539 : vector<32x128xf32>
    %max3A_555 = arith.maximumf %min3A_522, %max3A_539 : vector<32x128xf32>
    %min3A_556 = arith.minimumf %max3A_523, %min3A_538 : vector<32x128xf32>
    %max3A_557 = arith.maximumf %max3A_523, %min3A_538 : vector<32x128xf32>
    %min3A_558 = arith.minimumf %min3A_524, %max3A_541 : vector<32x128xf32>
    %max3A_559 = arith.maximumf %min3A_524, %max3A_541 : vector<32x128xf32>
    %min3A_560 = arith.minimumf %max3A_525, %min3A_540 : vector<32x128xf32>
    %max3A_561 = arith.maximumf %max3A_525, %min3A_540 : vector<32x128xf32>
    %min3A_562 = arith.minimumf %min3A_526, %max3A_543 : vector<32x128xf32>
    %max3A_563 = arith.maximumf %min3A_526, %max3A_543 : vector<32x128xf32>
    %min3A_564 = arith.minimumf %max3A_527, %min3A_542 : vector<32x128xf32>
    %max3A_565 = arith.maximumf %max3A_527, %min3A_542 : vector<32x128xf32>
    %min3A_566 = arith.minimumf %min3A_528, %max3A_545 : vector<32x128xf32>
    %max3A_567 = arith.maximumf %min3A_528, %max3A_545 : vector<32x128xf32>
    %min3A_568 = arith.minimumf %max3A_529, %min3A_544 : vector<32x128xf32>
    %max3A_569 = arith.maximumf %max3A_529, %min3A_544 : vector<32x128xf32>
    %min3A_570 = arith.minimumf %min3A_530, %max3A_547 : vector<32x128xf32>
    %max3A_571 = arith.maximumf %min3A_530, %max3A_547 : vector<32x128xf32>
    %min3A_572 = arith.minimumf %max3A_531, %min3A_546 : vector<32x128xf32>
    %max3A_573 = arith.maximumf %max3A_531, %min3A_546 : vector<32x128xf32>
    %min3A_574 = arith.minimumf %min3A_532, %max3A_549 : vector<32x128xf32>
    %max3A_575 = arith.maximumf %min3A_532, %max3A_549 : vector<32x128xf32>
    %min3A_576 = arith.minimumf %max3A_533, %min3A_548 : vector<32x128xf32>
    %max3A_577 = arith.maximumf %max3A_533, %min3A_548 : vector<32x128xf32>
    %min3A_578 = arith.minimumf %min3A_534, %max3A_551 : vector<32x128xf32>
    %max3A_579 = arith.maximumf %min3A_534, %max3A_551 : vector<32x128xf32>
    %min3A_580 = arith.minimumf %max3A_535, %min3A_550 : vector<32x128xf32>
    %max3A_581 = arith.maximumf %max3A_535, %min3A_550 : vector<32x128xf32>
    %min3A_582 = arith.minimumf %min3A_536, %max3A_553 : vector<32x128xf32>
    %max3A_583 = arith.maximumf %min3A_536, %max3A_553 : vector<32x128xf32>
    %min3A_584 = arith.minimumf %max3A_537, %min3A_552 : vector<32x128xf32>
    %max3A_585 = arith.maximumf %max3A_537, %min3A_552 : vector<32x128xf32>
    %min3A_586 = arith.minimumf %min3A_554, %min3A_570 : vector<32x128xf32>
    %max3A_587 = arith.maximumf %min3A_554, %min3A_570 : vector<32x128xf32>
    %min3A_588 = arith.minimumf %min3A_556, %min3A_572 : vector<32x128xf32>
    %max3A_589 = arith.maximumf %min3A_556, %min3A_572 : vector<32x128xf32>
    %min3A_590 = arith.minimumf %min3A_558, %min3A_574 : vector<32x128xf32>
    %max3A_591 = arith.maximumf %min3A_558, %min3A_574 : vector<32x128xf32>
    %min3A_592 = arith.minimumf %min3A_560, %min3A_576 : vector<32x128xf32>
    %max3A_593 = arith.maximumf %min3A_560, %min3A_576 : vector<32x128xf32>
    %min3A_594 = arith.minimumf %min3A_562, %min3A_578 : vector<32x128xf32>
    %max3A_595 = arith.maximumf %min3A_562, %min3A_578 : vector<32x128xf32>
    %min3A_596 = arith.minimumf %min3A_564, %min3A_580 : vector<32x128xf32>
    %max3A_597 = arith.maximumf %min3A_564, %min3A_580 : vector<32x128xf32>
    %min3A_598 = arith.minimumf %min3A_566, %min3A_582 : vector<32x128xf32>
    %max3A_599 = arith.maximumf %min3A_566, %min3A_582 : vector<32x128xf32>
    %min3A_600 = arith.minimumf %min3A_568, %min3A_584 : vector<32x128xf32>
    %max3A_601 = arith.maximumf %min3A_568, %min3A_584 : vector<32x128xf32>
    %min3A_602 = arith.minimumf %max3A_555, %max3A_571 : vector<32x128xf32>
    %max3A_603 = arith.maximumf %max3A_555, %max3A_571 : vector<32x128xf32>
    %min3A_604 = arith.minimumf %max3A_557, %max3A_573 : vector<32x128xf32>
    %max3A_605 = arith.maximumf %max3A_557, %max3A_573 : vector<32x128xf32>
    %min3A_606 = arith.minimumf %max3A_559, %max3A_575 : vector<32x128xf32>
    %max3A_607 = arith.maximumf %max3A_559, %max3A_575 : vector<32x128xf32>
    %min3A_608 = arith.minimumf %max3A_561, %max3A_577 : vector<32x128xf32>
    %max3A_609 = arith.maximumf %max3A_561, %max3A_577 : vector<32x128xf32>
    %min3A_610 = arith.minimumf %max3A_563, %max3A_579 : vector<32x128xf32>
    %max3A_611 = arith.maximumf %max3A_563, %max3A_579 : vector<32x128xf32>
    %min3A_612 = arith.minimumf %max3A_565, %max3A_581 : vector<32x128xf32>
    %max3A_613 = arith.maximumf %max3A_565, %max3A_581 : vector<32x128xf32>
    %min3A_614 = arith.minimumf %max3A_567, %max3A_583 : vector<32x128xf32>
    %max3A_615 = arith.maximumf %max3A_567, %max3A_583 : vector<32x128xf32>
    %min3A_616 = arith.minimumf %max3A_569, %max3A_585 : vector<32x128xf32>
    %max3A_617 = arith.maximumf %max3A_569, %max3A_585 : vector<32x128xf32>
    %min3A_618 = arith.minimumf %min3A_586, %min3A_594 : vector<32x128xf32>
    %max3A_619 = arith.maximumf %min3A_586, %min3A_594 : vector<32x128xf32>
    %min3A_620 = arith.minimumf %min3A_588, %min3A_596 : vector<32x128xf32>
    %max3A_621 = arith.maximumf %min3A_588, %min3A_596 : vector<32x128xf32>
    %min3A_622 = arith.minimumf %min3A_590, %min3A_598 : vector<32x128xf32>
    %max3A_623 = arith.maximumf %min3A_590, %min3A_598 : vector<32x128xf32>
    %min3A_624 = arith.minimumf %min3A_592, %min3A_600 : vector<32x128xf32>
    %max3A_625 = arith.maximumf %min3A_592, %min3A_600 : vector<32x128xf32>
    %min3A_626 = arith.minimumf %max3A_587, %max3A_595 : vector<32x128xf32>
    %max3A_627 = arith.maximumf %max3A_587, %max3A_595 : vector<32x128xf32>
    %min3A_628 = arith.minimumf %max3A_589, %max3A_597 : vector<32x128xf32>
    %max3A_629 = arith.maximumf %max3A_589, %max3A_597 : vector<32x128xf32>
    %min3A_630 = arith.minimumf %max3A_591, %max3A_599 : vector<32x128xf32>
    %max3A_631 = arith.maximumf %max3A_591, %max3A_599 : vector<32x128xf32>
    %min3A_632 = arith.minimumf %max3A_593, %max3A_601 : vector<32x128xf32>
    %max3A_633 = arith.maximumf %max3A_593, %max3A_601 : vector<32x128xf32>
    %min3A_634 = arith.minimumf %min3A_602, %min3A_610 : vector<32x128xf32>
    %max3A_635 = arith.maximumf %min3A_602, %min3A_610 : vector<32x128xf32>
    %min3A_636 = arith.minimumf %min3A_604, %min3A_612 : vector<32x128xf32>
    %max3A_637 = arith.maximumf %min3A_604, %min3A_612 : vector<32x128xf32>
    %min3A_638 = arith.minimumf %min3A_606, %min3A_614 : vector<32x128xf32>
    %max3A_639 = arith.maximumf %min3A_606, %min3A_614 : vector<32x128xf32>
    %min3A_640 = arith.minimumf %min3A_608, %min3A_616 : vector<32x128xf32>
    %max3A_641 = arith.maximumf %min3A_608, %min3A_616 : vector<32x128xf32>
    %min3A_642 = arith.minimumf %max3A_603, %max3A_611 : vector<32x128xf32>
    %max3A_643 = arith.maximumf %max3A_603, %max3A_611 : vector<32x128xf32>
    %min3A_644 = arith.minimumf %max3A_605, %max3A_613 : vector<32x128xf32>
    %max3A_645 = arith.maximumf %max3A_605, %max3A_613 : vector<32x128xf32>
    %min3A_646 = arith.minimumf %max3A_607, %max3A_615 : vector<32x128xf32>
    %max3A_647 = arith.maximumf %max3A_607, %max3A_615 : vector<32x128xf32>
    %min3A_648 = arith.minimumf %max3A_609, %max3A_617 : vector<32x128xf32>
    %max3A_649 = arith.maximumf %max3A_609, %max3A_617 : vector<32x128xf32>
    %min3A_650 = arith.minimumf %min3A_618, %min3A_622 : vector<32x128xf32>
    %max3A_651 = arith.maximumf %min3A_618, %min3A_622 : vector<32x128xf32>
    %min3A_652 = arith.minimumf %min3A_620, %min3A_624 : vector<32x128xf32>
    %max3A_653 = arith.maximumf %min3A_620, %min3A_624 : vector<32x128xf32>
    %min3A_654 = arith.minimumf %max3A_619, %max3A_623 : vector<32x128xf32>
    %max3A_655 = arith.maximumf %max3A_619, %max3A_623 : vector<32x128xf32>
    %min3A_656 = arith.minimumf %max3A_621, %max3A_625 : vector<32x128xf32>
    %max3A_657 = arith.maximumf %max3A_621, %max3A_625 : vector<32x128xf32>
    %min3A_658 = arith.minimumf %min3A_626, %min3A_630 : vector<32x128xf32>
    %max3A_659 = arith.maximumf %min3A_626, %min3A_630 : vector<32x128xf32>
    %min3A_660 = arith.minimumf %min3A_628, %min3A_632 : vector<32x128xf32>
    %max3A_661 = arith.maximumf %min3A_628, %min3A_632 : vector<32x128xf32>
    %min3A_662 = arith.minimumf %max3A_627, %max3A_631 : vector<32x128xf32>
    %max3A_663 = arith.maximumf %max3A_627, %max3A_631 : vector<32x128xf32>
    %min3A_664 = arith.minimumf %max3A_629, %max3A_633 : vector<32x128xf32>
    %max3A_665 = arith.maximumf %max3A_629, %max3A_633 : vector<32x128xf32>
    %min3A_666 = arith.minimumf %min3A_634, %min3A_638 : vector<32x128xf32>
    %max3A_667 = arith.maximumf %min3A_634, %min3A_638 : vector<32x128xf32>
    %min3A_668 = arith.minimumf %min3A_636, %min3A_640 : vector<32x128xf32>
    %max3A_669 = arith.maximumf %min3A_636, %min3A_640 : vector<32x128xf32>
    %min3A_670 = arith.minimumf %max3A_635, %max3A_639 : vector<32x128xf32>
    %max3A_671 = arith.maximumf %max3A_635, %max3A_639 : vector<32x128xf32>
    %min3A_672 = arith.minimumf %max3A_637, %max3A_641 : vector<32x128xf32>
    %max3A_673 = arith.maximumf %max3A_637, %max3A_641 : vector<32x128xf32>
    %min3A_674 = arith.minimumf %min3A_642, %min3A_646 : vector<32x128xf32>
    %max3A_675 = arith.maximumf %min3A_642, %min3A_646 : vector<32x128xf32>
    %min3A_676 = arith.minimumf %min3A_644, %min3A_648 : vector<32x128xf32>
    %max3A_677 = arith.maximumf %min3A_644, %min3A_648 : vector<32x128xf32>
    %min3A_678 = arith.minimumf %max3A_643, %max3A_647 : vector<32x128xf32>
    %max3A_679 = arith.maximumf %max3A_643, %max3A_647 : vector<32x128xf32>
    %min3A_680 = arith.minimumf %max3A_645, %max3A_649 : vector<32x128xf32>
    %max3A_681 = arith.maximumf %max3A_645, %max3A_649 : vector<32x128xf32>
    %min3A_682 = arith.minimumf %min3A_650, %min3A_652 : vector<32x128xf32>
    %max3A_683 = arith.maximumf %min3A_650, %min3A_652 : vector<32x128xf32>
    %min3A_684 = arith.minimumf %max3A_651, %max3A_653 : vector<32x128xf32>
    %max3A_685 = arith.maximumf %max3A_651, %max3A_653 : vector<32x128xf32>
    %min3A_686 = arith.minimumf %min3A_654, %min3A_656 : vector<32x128xf32>
    %max3A_687 = arith.maximumf %min3A_654, %min3A_656 : vector<32x128xf32>
    %min3A_688 = arith.minimumf %max3A_655, %max3A_657 : vector<32x128xf32>
    %max3A_689 = arith.maximumf %max3A_655, %max3A_657 : vector<32x128xf32>
    %min3A_690 = arith.minimumf %min3A_658, %min3A_660 : vector<32x128xf32>
    %max3A_691 = arith.maximumf %min3A_658, %min3A_660 : vector<32x128xf32>
    %min3A_692 = arith.minimumf %max3A_659, %max3A_661 : vector<32x128xf32>
    %max3A_693 = arith.maximumf %max3A_659, %max3A_661 : vector<32x128xf32>
    %min3A_694 = arith.minimumf %min3A_662, %min3A_664 : vector<32x128xf32>
    %max3A_695 = arith.maximumf %min3A_662, %min3A_664 : vector<32x128xf32>
    %min3A_696 = arith.minimumf %max3A_663, %max3A_665 : vector<32x128xf32>
    %max3A_697 = arith.maximumf %max3A_663, %max3A_665 : vector<32x128xf32>
    %min3A_698 = arith.minimumf %min3A_666, %min3A_668 : vector<32x128xf32>
    %max3A_699 = arith.maximumf %min3A_666, %min3A_668 : vector<32x128xf32>
    %min3A_700 = arith.minimumf %max3A_667, %max3A_669 : vector<32x128xf32>
    %max3A_701 = arith.maximumf %max3A_667, %max3A_669 : vector<32x128xf32>
    %min3A_702 = arith.minimumf %min3A_670, %min3A_672 : vector<32x128xf32>
    %max3A_703 = arith.maximumf %min3A_670, %min3A_672 : vector<32x128xf32>
    %min3A_704 = arith.minimumf %max3A_671, %max3A_673 : vector<32x128xf32>
    %max3A_705 = arith.maximumf %max3A_671, %max3A_673 : vector<32x128xf32>
    %min3A_706 = arith.minimumf %min3A_674, %min3A_676 : vector<32x128xf32>
    %max3A_707 = arith.maximumf %min3A_674, %min3A_676 : vector<32x128xf32>
    %min3A_708 = arith.minimumf %max3A_675, %max3A_677 : vector<32x128xf32>
    %max3A_709 = arith.maximumf %max3A_675, %max3A_677 : vector<32x128xf32>
    %min3A_710 = arith.minimumf %min3A_678, %min3A_680 : vector<32x128xf32>
    %max3A_711 = arith.maximumf %min3A_678, %min3A_680 : vector<32x128xf32>
    %min3A_712 = arith.minimumf %max3A_679, %max3A_681 : vector<32x128xf32>
    %max3A_713 = arith.maximumf %max3A_679, %max3A_681 : vector<32x128xf32>
    %mul3A_714 = arith.mulf %min3A_682, %add3A_173 : vector<32x128xf32>
    %mul3A_715 = arith.mulf %max3A_683, %add3A_173 : vector<32x128xf32>
    %mul3A_716 = arith.mulf %min3A_684, %add3A_173 : vector<32x128xf32>
    %mul3A_717 = arith.mulf %max3A_685, %add3A_173 : vector<32x128xf32>
    %mul3A_718 = arith.mulf %min3A_686, %add3A_173 : vector<32x128xf32>
    %mul3A_719 = arith.mulf %max3A_687, %add3A_173 : vector<32x128xf32>
    %mul3A_720 = arith.mulf %min3A_688, %add3A_173 : vector<32x128xf32>
    %mul3A_721 = arith.mulf %max3A_689, %add3A_173 : vector<32x128xf32>
    %mul3A_722 = arith.mulf %min3A_690, %add3A_173 : vector<32x128xf32>
    %mul3A_723 = arith.mulf %max3A_691, %add3A_173 : vector<32x128xf32>
    %mul3A_724 = arith.mulf %min3A_692, %add3A_173 : vector<32x128xf32>
    %mul3A_725 = arith.mulf %max3A_693, %add3A_173 : vector<32x128xf32>
    %mul3A_726 = arith.mulf %min3A_694, %add3A_173 : vector<32x128xf32>
    %mul3A_727 = arith.mulf %max3A_695, %add3A_173 : vector<32x128xf32>
    %mul3A_728 = arith.mulf %min3A_696, %add3A_173 : vector<32x128xf32>
    %mul3A_729 = arith.mulf %max3A_697, %add3A_173 : vector<32x128xf32>
    %mul3A_730 = arith.mulf %min3A_698, %add3A_173 : vector<32x128xf32>
    %mul3A_731 = arith.mulf %max3A_699, %add3A_173 : vector<32x128xf32>
    %mul3A_732 = arith.mulf %min3A_700, %add3A_173 : vector<32x128xf32>
    %mul3A_733 = arith.mulf %max3A_701, %add3A_173 : vector<32x128xf32>
    %mul3A_734 = arith.mulf %min3A_702, %add3A_173 : vector<32x128xf32>
    %mul3A_735 = arith.mulf %max3A_703, %add3A_173 : vector<32x128xf32>
    %mul3A_736 = arith.mulf %min3A_704, %add3A_173 : vector<32x128xf32>
    %mul3A_737 = arith.mulf %max3A_705, %add3A_173 : vector<32x128xf32>
    %mul3A_738 = arith.mulf %min3A_706, %add3A_173 : vector<32x128xf32>
    %mul3A_739 = arith.mulf %max3A_707, %add3A_173 : vector<32x128xf32>
    %mul3A_740 = arith.mulf %min3A_708, %add3A_173 : vector<32x128xf32>
    %mul3A_741 = arith.mulf %max3A_709, %add3A_173 : vector<32x128xf32>
    %mul3A_742 = arith.mulf %min3A_710, %add3A_173 : vector<32x128xf32>
    %mul3A_743 = arith.mulf %max3A_711, %add3A_173 : vector<32x128xf32>
    %mul3A_744 = arith.mulf %min3A_712, %add3A_173 : vector<32x128xf32>
    %mul3A_745 = arith.mulf %max3A_713, %add3A_173 : vector<32x128xf32>
    %mul3A_746 = arith.mulf %get3A_3, %get3A_3 : vector<32x128xf32>
    %mul3A_747 = arith.mulf %get3A_8, %get3A_8 : vector<32x128xf32>
    %add3A_748 = arith.addf %mul3A_746, %mul3A_747 : vector<32x128xf32>
    %mul3A_749 = arith.mulf %get3A_13, %get3A_13 : vector<32x128xf32>
    %add3A_750 = arith.addf %add3A_748, %mul3A_749 : vector<32x128xf32>
    %sqrt3A_751 = math.sqrt %add3A_750 : vector<32x128xf32>
    %stack3A = vector.shape_cast %mul3A_714 : vector<32x128xf32> to vector<1x32x128xf32>
    %stack3A_752 = vector.shape_cast %mul3A_715 : vector<32x128xf32> to vector<1x32x128xf32>
    %stack3A_753 = vector.shape_cast %mul3A_716 : vector<32x128xf32> to vector<1x32x128xf32>
    %stack3A_754 = vector.shape_cast %mul3A_717 : vector<32x128xf32> to vector<1x32x128xf32>
    %stack3A_755 = vector.shape_cast %mul3A_718 : vector<32x128xf32> to vector<1x32x128xf32>
    %stack3A_756 = vector.shape_cast %mul3A_719 : vector<32x128xf32> to vector<1x32x128xf32>
    %stack3A_757 = vector.shape_cast %mul3A_720 : vector<32x128xf32> to vector<1x32x128xf32>
    %stack3A_758 = vector.shape_cast %mul3A_721 : vector<32x128xf32> to vector<1x32x128xf32>
    %stack3A_759 = vector.shape_cast %mul3A_722 : vector<32x128xf32> to vector<1x32x128xf32>
    %stack3A_760 = vector.shape_cast %mul3A_723 : vector<32x128xf32> to vector<1x32x128xf32>
    %stack3A_761 = vector.shape_cast %mul3A_724 : vector<32x128xf32> to vector<1x32x128xf32>
    %stack3A_762 = vector.shape_cast %mul3A_725 : vector<32x128xf32> to vector<1x32x128xf32>
    %stack3A_763 = vector.shape_cast %mul3A_726 : vector<32x128xf32> to vector<1x32x128xf32>
    %stack3A_764 = vector.shape_cast %mul3A_727 : vector<32x128xf32> to vector<1x32x128xf32>
    %stack3A_765 = vector.shape_cast %mul3A_728 : vector<32x128xf32> to vector<1x32x128xf32>
    %stack3A_766 = vector.shape_cast %mul3A_729 : vector<32x128xf32> to vector<1x32x128xf32>
    %stack3A_767 = vector.shape_cast %mul3A_730 : vector<32x128xf32> to vector<1x32x128xf32>
    %stack3A_768 = vector.shape_cast %mul3A_731 : vector<32x128xf32> to vector<1x32x128xf32>
    %stack3A_769 = vector.shape_cast %mul3A_732 : vector<32x128xf32> to vector<1x32x128xf32>
    %stack3A_770 = vector.shape_cast %mul3A_733 : vector<32x128xf32> to vector<1x32x128xf32>
    %stack3A_771 = vector.shape_cast %mul3A_734 : vector<32x128xf32> to vector<1x32x128xf32>
    %stack3A_772 = vector.shape_cast %mul3A_735 : vector<32x128xf32> to vector<1x32x128xf32>
    %stack3A_773 = vector.shape_cast %mul3A_736 : vector<32x128xf32> to vector<1x32x128xf32>
    %stack3A_774 = vector.shape_cast %mul3A_737 : vector<32x128xf32> to vector<1x32x128xf32>
    %stack3A_775 = vector.shape_cast %mul3A_738 : vector<32x128xf32> to vector<1x32x128xf32>
    %stack3A_776 = vector.shape_cast %mul3A_739 : vector<32x128xf32> to vector<1x32x128xf32>
    %stack3A_777 = vector.shape_cast %mul3A_740 : vector<32x128xf32> to vector<1x32x128xf32>
    %stack3A_778 = vector.shape_cast %mul3A_741 : vector<32x128xf32> to vector<1x32x128xf32>
    %stack3A_779 = vector.shape_cast %mul3A_742 : vector<32x128xf32> to vector<1x32x128xf32>
    %stack3A_780 = vector.shape_cast %mul3A_743 : vector<32x128xf32> to vector<1x32x128xf32>
    %stack3A_781 = vector.shape_cast %mul3A_744 : vector<32x128xf32> to vector<1x32x128xf32>
    %stack3A_782 = vector.shape_cast %mul3A_745 : vector<32x128xf32> to vector<1x32x128xf32>
    %stack3A_783 = vector.shape_cast %sqrt3A_751 : vector<32x128xf32> to vector<1x32x128xf32>
    %stack3A_784 = tpu.concatenate %stack3A, %stack3A_752, %stack3A_753, %stack3A_754, %stack3A_755, %stack3A_756, %stack3A_757, %stack3A_758, %stack3A_759, %stack3A_760, %stack3A_761, %stack3A_762, %stack3A_763, %stack3A_764, %stack3A_765, %stack3A_766, %stack3A_767, %stack3A_768, %stack3A_769, %stack3A_770, %stack3A_771, %stack3A_772, %stack3A_773, %stack3A_774, %stack3A_775, %stack3A_776, %stack3A_777, %stack3A_778, %stack3A_779, %stack3A_780, %stack3A_781, %stack3A_782, %stack3A_783 in 0 : vector<1x32x128xf32>, vector<1x32x128xf32>, vector<1x32x128xf32>, vector<1x32x128xf32>, vector<1x32x128xf32>, vector<1x32x128xf32>, vector<1x32x128xf32>, vector<1x32x128xf32>, vector<1x32x128xf32>, vector<1x32x128xf32>, vector<1x32x128xf32>, vector<1x32x128xf32>, vector<1x32x128xf32>, vector<1x32x128xf32>, vector<1x32x128xf32>, vector<1x32x128xf32>, vector<1x32x128xf32>, vector<1x32x128xf32>, vector<1x32x128xf32>, vector<1x32x128xf32>, vector<1x32x128xf32>, vector<1x32x128xf32>, vector<1x32x128xf32>, vector<1x32x128xf32>, vector<1x32x128xf32>, vector<1x32x128xf32>, vector<1x32x128xf32>, vector<1x32x128xf32>, vector<1x32x128xf32>, vector<1x32x128xf32>, vector<1x32x128xf32>, vector<1x32x128xf32>, vector<1x32x128xf32> -> vector<33x32x128xf32>
    %swap3A = arith.constant 0 : index
    %swap3A_785 = arith.constant 0 : index
    %swap3A_786 = arith.constant 0 : index
    %swap3A_787 = arith.constant 0 : index
    %swap3A_788 = vector.load %arg5[%swap3A, %swap3A_785, %swap3A_786, %swap3A_787] : memref<1x33x32x128xf32, #tpu.memory_space<vmem>>, vector<1x33x32x128xf32>
    %swap3A_789 = vector.shape_cast %swap3A_788 : vector<1x33x32x128xf32> to vector<33x32x128xf32>
    %swap3A_790 = vector.shape_cast %stack3A_784 : vector<33x32x128xf32> to vector<1x33x32x128xf32>
    tpu.vector_store %arg5[%swap3A, %swap3A_785, %swap3A_786, %swap3A_787], %swap3A_790 {strides = array<i32>} : memref<1x33x32x128xf32, #tpu.memory_space<vmem>>, vector<1x33x32x128xf32>,
    return
  }
  func.func @transform_0(%arg0: i32, %arg1: i32) -> (i32, i32, i32) {
    %c0_i32 = arith.constant 0 : i32
    %c0_i32_0 = arith.constant 0 : i32
    return %arg0, %c0_i32, %arg1 : i32, i32, i32
  }
  func.func @transform_1(%arg0: i32, %arg1: i32) -> (i32, i32, i32) {
    %c0_i32 = arith.constant 0 : i32
    %c0_i32_0 = arith.constant 0 : i32
    return %arg0, %c0_i32, %arg1 : i32, i32, i32
  }
  func.func @transform_2(%arg0: i32, %arg1: i32) -> (i32, i32, i32) {
    %c0_i32 = arith.constant 0 : i32
    %c0_i32_0 = arith.constant 0 : i32
    return %arg0, %c0_i32, %arg1 : i32, i32, i32
  }
  func.func @transform_3(%arg0: i32, %arg1: i32) -> (i32, i32, i32, i32) {
    %c0_i32 = arith.constant 0 : i32
    %c0_i32_0 = arith.constant 0 : i32
    %c0_i32_1 = arith.constant 0 : i32
    return %arg0, %c0_i32, %c0_i32_0, %arg1 : i32, i32, i32, i32
  }
}

</mosaic_0001>

<sc_bundles>
// kernel: kernel.4.cloned.1.call-start
scs
__scs_entry_jumppad:
0x0: {  	(pc) =	sbr.rel $0x88, $3  }
0x1: {  	(tag) =	ssettag $0x0;
	lr =	simm.s32 $0x1  }
0x2: {  	[smem:$0x3F9F] =	sst lr;
	_ =	strace $0xD0000000  }
0x3: {  	_ = 	snop  }
0x4: {  	_ = 	snop  }
0x5: {  	_ = 	snop  }
0x6: {  	_ = 	snop  }
0x7: {  	_ = 	snop  }
__scs_overlays_trampoline_lowered:
0x8: {  	[smem:$0x3FAE] =	sst s0  }
0x9: {  	[smem:$0x3FAF] =	sst s1  }
0xa: {  	[smem:$0x3FB0] =	sst s2  }
0xb: {  	[smem:$0x3FB1] =	sst s3  }
0xc: {  	[smem:$0x3FB2] =	sst s4  }
0xd: {  	[smem:$0x3FB3] =	sst s5  }
0xe: {  	[smem:$0x3FB4] =	sst s6  }
0xf: {  	[smem:$0x3FB5] =	sst s7  }
0x10: {  	[smem:$0x3FB6] =	sst s8  }
0x11: {  	[smem:$0x3FB7] =	sst s9;
	s0 =	simm.s32 @!p0 $0x0  }
0x12: {  	s1 =	sld [smem:$0x3F9D];
	s0 =	simm.s32 @p0 $0x1  }
0x13: {  	[smem:$0x3FB8] =	sst s0;
	s0 =	simm.s32 @!p1 $0x0  }
0x14: {  	s2 =	sld [smem:$0x3F9C];
	s0 =	simm.s32 @p1 $0x1  }
0x15: {  	[smem:$0x3FB9] =	sst s0;
	s0 =	simm.s32 @!p2 $0x0  }
0x16: {  	s3 =	sld [smem:$0x3FDB];
	s0 =	simm.s32 @p2 $0x1  }
0x17: {  	s4 =	simm.s32 $0x1BF5;
	[smem:$0x3FBB] =	sst s0  }
0x18: {  	s0 =	sld [smem:$0x3F9E];
	_ =	swait.ge [sflag:s4], $0x0  }
0x19: {  	s7 =	sld [smem:$0x3F9F]  }
0x1a: {  	s8 =	sadd.s32 $0xFFFFE003, lr  }
0x1b: {  	s9 =	sadd.s32 $0xFFFFFEF7, lr;
	s5 =	simm.s32 $0xFFFFFFFF;
	p2 =	slt.u32 s8, $0xFFFFF086  }
0x1c: {  	p1 =	slt.u32 s9, $0xF7A;
	s5 =	simm.s32 @!p2 $0x0  }
0x1d: {  	s5 =	simm.s32 @p1 $0x1;
	p0 =	seq.s32 s7, s2  }
0x1e: {  	s7 =	smul.u32 @!p0 $0xF7A, s2;
	p2 =	seq.s32 @!p0 s5, $0x0  }
0x1f: {  	s9 =	smul.u32 $0xF7A, s1;
	s8 =	simm.s32 @!p0 $0x1BF5;
	p2 =	por !p2, p0  }
0x20: {  	[sflag:s8] =	ssyncset.s32 @!p0 $0xFFFFF086;
	s6 =	sadd.s32 @!p0 s3, s7;
	s7 =	simm.s32 @!p0 $0x108  }
0x21: {  	s3 =	sadd.s32 s3, s9;
	s6 =	sadd.s32 @!p0 $0x88, s6;
	s7 =	simm.s32 @p2 $0x1082  }
0x22: {  	[simem:s7], [sflag:s8] =	dma.local @!p0 [hbm:s6], $0xF7A  }
0x23: {  	s9 =	sor.u32 $0xD0000000, s2;
	s6 =	simm.s32 $0x108;
	_ =	swait.ge @!p0 [sflag:s8], $0x0  }
0x24: {  	s3 =	sadd.s32 $0x88, s3;
	s6 =	simm.s32 @!p1 $0x1082;
	[sflag:s4] =	ssyncset.s32 $0xFFFFF086  }
0x25: {  	[simem:s6], [sflag:s4] =	dma.local [hbm:s3], $0xF7A  }
0x26: {  	[smem:$0x3F9F] =	sst s1;
	(tag) =	ssettag s2;
	_ =	strace s9  }
0x27: {  	s1 =	sld [smem:$0x3FAF]  }
0x28: {  	s2 =	sld [smem:$0x3FB0]  }
0x29: {  	s4 =	sld [smem:$0x3FB2]  }
0x2a: {  	p0 =	seq.s32 s5, $0x0;
	s5 =	sld [smem:$0x3FB3]  }
0x2b: {  	s6 =	sld [smem:$0x3FB4]  }
0x2c: {  	s7 =	sld [smem:$0x3FB5]  }
0x2d: {  	s3 =	simm.s32 $0x108;
	s8 =	sld [smem:$0x3FB6]  }
0x2e: {  	s3 =	simm.s32 @!p0 $0x1082;
	s9 =	sld [smem:$0x3FB7]  }
0x2f: {  	lr =	sadd.s32 s0, s3;
	s0 =	sld [smem:$0x3FAE]  }
0x30: {  	s3 =	sld [smem:$0x3FB1]  }
0x31: {  	[smem:$0x3FBA] =	sst s10  }
0x32: {  	s10 =	sld [smem:$0x3FB8];
	_ =	sdelay $0x3  }
0x33: {  	p0 =	seq.s32 s10, $0x1;
	s10 =	sld [smem:$0x3FBA];
	_ =	sdelay $0x3  }
0x34: {  	[smem:$0x3FBA] =	sst s10  }
0x35: {  	s10 =	sld [smem:$0x3FB9];
	_ =	sdelay $0x3  }
0x36: {  	p1 =	seq.s32 s10, $0x1;
	s10 =	sld [smem:$0x3FBA];
	_ =	sdelay $0x3  }
0x37: {  	[smem:$0x3FBA] =	sst s10  }
0x38: {  	s10 =	sld [smem:$0x3FBB]  }
0x39: {  	_ = 	snop;
	(pc) =	sbr.ind lr, $3  }
0x3a: {  	_ = 	snop  }
0x3b: {  	_ = 	snop  }
0x3c: {  	p2 =	seq.s32 s10, $0x1;
	s10 =	sld [smem:$0x3FBA]  }
0x3d: {  	_ =	shalt  }
0x3e: {  	_ =	shalt  }
0x3f: {  	_ =	shalt  }
0x40: {  	_ =	shalt  }
0x41: {  	_ =	shalt  }
0x42: {  	_ =	shalt  }
0x43: {  	_ =	shalt  }
0x44: {  	_ =	shalt  }
0x45: {  	_ =	shalt  }
0x46: {  	_ =	shalt  }
0x47: {  	_ =	shalt  }
0x48: {  	_ =	shalt  }
0x49: {  	_ =	shalt  }
0x4a: {  	_ =	shalt  }
0x4b: {  	_ =	shalt  }
0x4c: {  	_ =	shalt  }
0x4d: {  	_ =	shalt  }
0x4e: {  	_ =	shalt  }
0x4f: {  	_ =	shalt  }
0x50: {  	_ =	shalt  }
0x51: {  	_ =	shalt  }
0x52: {  	_ =	shalt  }
0x53: {  	_ =	shalt  }
0x54: {  	_ =	shalt  }
0x55: {  	_ =	shalt  }
0x56: {  	_ =	shalt  }
0x57: {  	_ =	shalt  }
0x58: {  	_ =	shalt  }
0x59: {  	_ =	shalt  }
0x5a: {  	_ =	shalt  }
0x5b: {  	_ =	shalt  }
0x5c: {  	_ =	shalt  }
0x5d: {  	_ =	shalt  }
0x5e: {  	_ =	shalt  }
0x5f: {  	_ =	shalt  }
0x60: {  	_ =	shalt  }
0x61: {  	_ =	shalt  }
0x62: {  	_ =	shalt  }
0x63: {  	_ =	shalt  }
0x64: {  	_ =	shalt  }
0x65: {  	_ =	shalt  }
0x66: {  	_ =	shalt  }
0x67: {  	_ =	shalt  }
0x68: {  	_ =	shalt  }
0x69: {  	_ =	shalt  }
0x6a: {  	_ =	shalt  }
0x6b: {  	_ =	shalt  }
0x6c: {  	_ =	shalt  }
0x6d: {  	_ =	shalt  }
0x6e: {  	_ =	shalt  }
0x6f: {  	_ =	shalt  }
0x70: {  	_ =	shalt  }
0x71: {  	_ =	shalt  }
0x72: {  	_ =	shalt  }
0x73: {  	_ =	shalt  }
0x74: {  	_ =	shalt  }
0x75: {  	_ =	shalt  }
0x76: {  	_ =	shalt  }
0x77: {  	_ =	shalt  }
0x78: {  	_ =	shalt  }
0x79: {  	_ =	shalt  }
0x7a: {  	_ =	shalt  }
0x7b: {  	_ =	shalt  }
0x7c: {  	_ =	shalt  }
0x7d: {  	_ =	shalt  }
0x7e: {  	_ =	shalt  }
0x7f: {  	_ =	shalt  }
0x80: {  	_ =	shalt  }
0x81: {  	_ =	shalt  }
0x82: {  	_ =	shalt  }
0x83: {  	_ =	shalt  }
0x84: {  	_ =	shalt  }
0x85: {  	_ =	shalt  }
0x86: {  	_ =	shalt  }
0x87: {  	_ =	shalt  }
.Lfunc_end0:
.L_simem_size_0:
called_computation_lowered:
.L_overlay_start_0:
0x88: {  	s2 =	sld [smem:$0x3FD9]  }
0x89: {  	s3 =	sld [smem:$0x3FFE];
	_ =	sdelay $0x1  }
0x8a: {  	s1 =	srdreg.scid  }
0x8b: {  	s0 =	sand.u32 $0x1, s1  }
0x8c: {  	s17 =	sshll.u32 s0, $0xA;
	s2 =	sadd.s32 s3, s2  }
0x8d: {  	s2 =	sadd.s32 s2, s17  }
0x8e: {  	[smem:$0x3FC6] =	sst s2  }
0x8f: {  	_ = 	snop  }
0x90: {  	s2 =	sld [smem:$0x3FD0];
	(tm) =	ssettm $0x1  }
0x91: {  	s18 =	sld [smem:$0x3FFB];
	_ =	sdelay $0x3  }
0x92: {  	_ =	strace s18  }
0x93: {  	s3 =	sld [smem:$0x3FFC];
	_ =	sdelay $0x3  }
0x94: {  	_ =	strace s3  }
0x95: {  	s3 =	sld [smem:$0x3FFD];
	_ =	sdelay $0x3  }
0x96: {  	_ =	strace s3  }
0x97: {  	_ =	strace $0x8FFFFFFF  }
0x98: {  	s19 =	sld [smem:$0x3FDB];
	_ =	sdelay $0x1  }
0x99: {  	s4 =	simm.s32 $_scs_section_size  }
0x9a: {  	s5 =	simm.s32 $_size__tile_overlayer_lowered;
	s6 =	simm.s32 $_tile_overlayer_lowered  }
0x9b: {  	s22 =	simm.s32 $0x1BFF;
	s21 =	sshll.u32 s6, $0x1;
	s3 =	sadd.s32 s4, s19  }
0x9c: {  	s7 =	simm.s32 $0x0;
	s20 =	sshll.u32 s5, $0x1;
	s5 =	sadd.s32 s21, s3  }
0x9d: {  	[timem:s7], [sflag:s22] =	dma.local [hbm:s5], s20  }
0x9e: {  	_ =	swait.ge [sflag:s22], s20  }
0x9f: {  	s4 =	ssub.s32 $0x0, s20;
	[sflag:s22] =	ssyncset.done $0x0  }
0xa0: {  	[sflag:s22] =	ssyncadd.s32 s4;
	_ =	sdelay $0x1  }
0xa1: {  	s23 =	simm.s32 $0x1B8B  }
0xa2: {  	_ =	swait.ge [sflag:s23], $0x1  }
0xa3: {  	[sflag:s23] =	ssyncset.done $0x0  }
0xa4: {  	s25 =	simm.s32 $0x1B8E;
	s24 =	sld [smem:$0x3FFE];
	[sflag:s23] =	ssyncadd.s32 $0xFFFFFFFF  }
0xa5: {  	s26 =	simm.s32 $execute0_lowered;
	[smem:$0x3FD2] =	sst s25  }
0xa6: {  	s5 =	sshll.u32 s26, $0x1;
	_ =	strace $0x80000046;
	[dreg:$0x1] =	wrdreg $0xFFFFFFFF  }
0xa7: {  	s28 =	simm.s32 $_size_execute0_lowered;
	s3 =	sadd.s32 s3, s5;
	[dreg:$0x0] =	wrdreg $0x0  }
0xa8: {  	s5 =	sshll.u32 s28, $0x1;
	[dreg:$0x2] =	wrdreg s3  }
0xa9: {  	[dreg:$0x3] =	wrdreg s5  }
0xaa: {  	[dreg:$0x4] =	wrdreg $0xC0  }
0xab: {  	_ =	task [dreg:s7], $0x5FFFF  }
0xac: {  	[dreg:$0x1] =	wrdreg $0xFFFFFFFF  }
0xad: {  	[dreg:$0x0] =	wrdreg $0x60  }
0xae: {  	[dreg:$0x2] =	wrdreg s24  }
0xaf: {  	[dreg:$0x3] =	wrdreg s2  }
0xb0: {  	[dreg:$0x4] =	wrdreg $0x9  }
0xb1: {  	_ =	task.clear_ibuf [dreg:s7], $0x5FFFF;
	_ =	strace $0x90000046  }
0xb2: {  	s29 =	simm.s32 $0x9;
	_ =	strace $0x80000048  }
0xb3: {  	_ =	swait.ge [sflag:s29], $0x1  }
0xb4: {  	[sflag:s29] =	ssyncadd.s32 $0xFFFFFFFF  }
0xb5: {  	_ =	strace $0x90000048  }
0xb6: {  	_ =	sfence  }
0xb7: {  	s30 =	sld [smem:$0x0];
	_ =	sdelay $0x2  }
0xb8: {  	s31 =	sshll.u32 s1, $0xD;
	s1 =	sshrl.u32 s1, $0x2  }
0xb9: {  	s3 =	sand.u32 $0x4000, s31;
	s1 =	sadd.s32 s1, s30  }
0xba: {  	s0 =	sor.u32 s3, s0;
	s1 =	sshll.u32 s1, $0x11  }
0xbb: {  	s0 =	sor.u32 s1, s0  }
0xbc: {  	s0 =	sadd.s32 $0x8F2B, s0  }
0xbd: {  	[sflag:s0] =	ssyncadd.remote.s32 $0x1  }
0xbe: {  	_ =	sfence.sel $0xFFFF  }
0xbf: {  	[dreg:$0x0] =	wrdreg $0xFFFFFFFF;
	(pc) =	sbr.abs _section_cstart, $3  }
0xc0: {  	[dreg:$0x1] =	wrdreg $0xFFFFFFFF  }
0xc1: {  	_ =	task.clear_ibuf [dreg:s7], $0x2FFFF;
	_ =	strace $0x9FFFFFFF  }
0xc2: {  	(tm) =	ssettm $0x7FFFFFFF  }
0xc3: {  	_ =	shalt  }
tec
execute0_lowered:
.L_overlay_start_1:
0x0: {  	(tag) =	ssettag $0x1  }
0x1: {  	s0 =	rddreg [dreg:$0x0]  }
0x2: {  	s1 =	rddreg [dreg:$0x1];
	s2 =	simm.s32 $0x0;
	s5 =	stileid.u32  }
0x3: {  	s4 =	srdreg.scid;
	s15 =	simm.s32 $0x1;
	s16 =	simm.s32 $0x4000  }
0x4: {  	s17 =	simm.s32 $0x8000;
	s23 =	simm.s32 $0x10800;
	s24 =	simm.s32 $0x12800  }
0x5: {  	s25 =	simm.s32 $0x14800;
	s26 =	simm.s32 $0x0;
	[smem:$0x7FF] =	sst s2  }
0x6: {  	s3 =	sshll.u32 s5, $0x8;
	s4 =	sand.u32 $0x1, s4;
	s5 =	sshll.u32 s5, $0x1  }
0x7: {  	_ =	strace $0x80000047;
	s3 =	sand.u32 $0x800, s3;
	s30 =	sor.u32 s4, s5  }
0x8: {  	s4 =	ssub.s32 $0x2, s4;
	s6 =	sadd.s32 s3, s0;
	s5 =	sshll.u32 s30, $0x5  }
0x9: {  	s11 =	sshll.u32 s30, $0xA;
	s31 =	sshrl.u32 s4, $0x1;
	s10 =	sadd.s32 s5, s0  }
.Ltmp0:
0xa: {  	v0 =	vlaneseq.u32;
	vm0 =	vmmov $0xff;
	s0 =	sadd.s32 s11, s0;
	s14 =	ssub.s32 s4, s31;
	(pc) =	sbr.rel .LBB2_1-.Ltmp0, $4  }
0xb: {  	v1 =	vimm.s32 $0x0;
	vm1 =	vmmov $0x1;
	vm2 =	vcmask $0x320;
	s3 =	sadd.s32 $0x4E00, s6;
	s4 =	sadd.s32 $0x3E00, s6;
	s5 =	sadd.s32 $0x2E00, s6  }
0xc: {  	vm3 =	vcmask $0x720;
	vm5 =	vcmask $0xB20;
	vm14 =	vcmask $0xF20;
	s6 =	sadd.s32 $0x1200, s6;
	s11 =	sadd.s32 s1, s11;
	s7 =	sadd.s32 $0x2A00, s10  }
0xd: {  	vm8 =	vcmask $0x1720;
	v2 =	vshrl.u32 v0, $0x3;
	v1 =	vsel vm0, $0xFFFFFFFF, v1;
	s8 =	sadd.s32 $0x2600, s10;
	s9 =	sadd.s32 $0x2200, s10;
	s10 =	sadd.s32 $0xE00, s10  }
0xe: {  	v3 =	vor.u32 $0x10, v0;
	[tilespmem:$0x1FFF0] =	vst v1;
	v1 =	vmpcnt.ones.xlane vm0;
	v2 =	vmul.u32 $0x20, v2;
	s12 =	sadd.s32 $0x5E00, s0;
	s13 =	sadd.s32 $0xDE00, s0;
	s14 =	smax.u32 s14, $0x1  }
.LBB2_7:
0xf: {  	[hbm4b:s11+s2] =	stream.linear.scatter [tilespmem:s23], [sflag:$0x1], $0x2000, $0x38;
	[tilespmem:$0x16800] =	vst v63  }
0x10: {  	_ =	swait.ge [sflag:s15], $0x2000  }
0x11: {  	[sflag:s15] =	ssyncset.done $0x0  }
0x12: {  	[sflag:s15] =	ssyncadd.s32 $0xFFFFE000  }
0x13: {  	[hbm4b:s12+s2] =	stream.linear.scatter [tilespmem:s24], [sflag:$0x1], $0x2000, $0x38;
	[tilespmem:$0x16800] =	vst v63  }
0x14: {  	s26 =	sadd.s32 $0x1, s26;
	_ =	swait.ge [sflag:s15], $0x2000  }
0x15: {  	p0 =	sne.s32 s26, s14;
	[sflag:s15] =	ssyncset.done $0x0  }
.Ltmp1:
0x16: {  	[sflag:s15] =	ssyncadd.s32 $0xFFFFE000;
	(pc) =	sbr.rel @!p0 .LBB2_8-.Ltmp1, $4  }
0x17: {  	[hbm4b:s13+s2] =	stream.linear.scatter [tilespmem:s25], [sflag:$0x1], $0x2000, $0x38;
	[tilespmem:$0x16800] =	vst v63  }
0x18: {  	_ =	swait.ge [sflag:s15], $0x2000  }
0x19: {  	[sflag:s15] =	ssyncset.done $0x0  }
0x1a: {  	[sflag:s15] =	ssyncadd.s32 $0xFFFFE000  }
.LBB2_1:
0x1b: {  	[tilespmem:s2], [sflag:$0x1] =	stream.linear.gather [hbm4b:s3+s2], $0x4000, $0x38;
	[tilespmem:$0x16800] =	vst v63  }
0x1c: {  	_ =	swait.ge [sflag:s15], $0x4000  }
0x1d: {  	[sflag:s15] =	ssyncset.done $0x0  }
0x1e: {  	[sflag:s15] =	ssyncadd.s32 $0xFFFFC000  }
0x1f: {  	[tilespmem:s16], [sflag:$0x1] =	stream.linear.gather [hbm4b:s4+s2], $0x4000, $0x38;
	[tilespmem:$0x16800] =	vst v63  }
0x20: {  	_ =	swait.ge [sflag:s15], $0x4000  }
0x21: {  	[sflag:s15] =	ssyncset.done $0x0  }
0x22: {  	[sflag:s15] =	ssyncadd.s32 $0xFFFFC000  }
0x23: {  	[tilespmem:s17], [sflag:$0x1] =	stream.linear.gather [hbm4b:s5+s2], $0x4000, $0x38;
	[tilespmem:$0x16800] =	vst v63  }
0x24: {  	_ =	swait.ge [sflag:s15], $0x4000  }
0x25: {  	[sflag:s15] =	ssyncset.done $0x0  }
0x26: {  	s0 =	simm.s32 $0xC000;
	[sflag:s15] =	ssyncadd.s32 $0xFFFFC000  }
0x27: {  	[tilespmem:s0], [sflag:$0x1] =	stream.linear.gather [hbm4b:s6+s2], $0x4000, $0x38;
	[tilespmem:$0x16800] =	vst v63  }
0x28: {  	_ =	swait.ge [sflag:s15], $0x4000  }
0x29: {  	[sflag:s15] =	ssyncset.done $0x0  }
0x2a: {  	s21 =	simm.s32 $0x10000;
	[sflag:s15] =	ssyncadd.s32 $0xFFFFC000  }
0x2b: {  	[tilespmem:s21], [sflag:$0x1] =	stream.linear.gather [hbm4b:s7+s2], $0x100, $0x38;
	[tilespmem:$0x16800] =	vst v63  }
0x2c: {  	_ =	swait.ge [sflag:s15], $0x100  }
0x2d: {  	[sflag:s15] =	ssyncset.done $0x0  }
0x2e: {  	s22 =	simm.s32 $0x10180;
	[sflag:s15] =	ssyncadd.s32 $0xFFFFFF00  }
0x2f: {  	[tilespmem:s22], [sflag:$0x1] =	stream.linear.gather [hbm4b:s8+s2], $0x100, $0x38;
	[tilespmem:$0x16800] =	vst v63  }
0x30: {  	_ =	swait.ge [sflag:s15], $0x100  }
0x31: {  	[sflag:s15] =	ssyncset.done $0x0  }
0x32: {  	s29 =	simm.s32 $0x10300;
	[sflag:s15] =	ssyncadd.s32 $0xFFFFFF00  }
0x33: {  	[tilespmem:s29], [sflag:$0x1] =	stream.linear.gather [hbm4b:s9+s2], $0x100, $0x38;
	[tilespmem:$0x16800] =	vst v63  }
0x34: {  	_ =	swait.ge [sflag:s15], $0x100  }
0x35: {  	[sflag:s15] =	ssyncset.done $0x0  }
0x36: {  	s30 =	simm.s32 $0x10480;
	[sflag:s15] =	ssyncadd.s32 $0xFFFFFF00  }
0x37: {  	[tilespmem:s30], [sflag:$0x1] =	stream.linear.gather [hbm4b:s10+s2], $0x100, $0x38;
	[tilespmem:$0x16800] =	vst v63  }
0x38: {  	_ =	swait.ge [sflag:s15], $0x100  }
0x39: {  	(v2sf) =	vpush v1, $0x0;
	_ =	sdelay $0xb  }
.Ltmp2:
0x3a: {  	_ = 	snop;
	(pc) =	sbr.rel .LBB2_2-.Ltmp2, $3  }
0x3b: {  	_ =	sdelay $0x1  }
0x3c: {  	[sflag:s15] =	ssyncset.done $0x0;
	s31 =	spop (v2sf)  }
0x3d: {  	s28 =	simm.s32 $0x0;
	[sflag:s15] =	ssyncadd.s32 $0xFFFFFF00;
	p0 =	slt.s32 s31, $0x1  }
.LBB2_6:
0x3e: {  	v5 =	vld [tilespmem:$0x10600];
	_ =	sdelay $0x3  }
0x3f: {  	(v2sf) =	vpush v4, $0x0  }
0x40: {  	(v2sf) =	vpush v5, $0x0;
	_ =	sdelay $0xd  }
0x41: {  	v6 =	vbroadcast v4, $0x0;
	s0 =	spop (v2sf)  }
0x42: {  	p1 =	sgt.s32 s0, $0x0;
	s0 =	spop (v2sf)  }
0x43: {  	vm0 =	vgt.s32 v6, v0;
	s0 =	simm.s32 @!p1 $0x0  }
0x44: {  	v5 =	vnsel vm0, s0, v5  }
0x45: {  	v7 =	vld [tilespmem:$0x10610];
	_ =	sdelay $0x3  }
0x46: {  	vm0 =	vgt.s32 v6, v3;
	v45 =	vld.idx.msk [tilespmem:v5+s2+$0x0], $0xffff  }
0x47: {  	v7 =	vnsel vm0, s0, v7;
	_ =	sdelay $0x2  }
0x48: {  	s29 =	sshll.u32 s28, $0x8  }
0x49: {  	[tilespmem:s29+$0x10800] =	vst v45  }
0x4a: {  	v6 =	vld.idx.msk [tilespmem:v7+s2+$0x0], $0xffff;
	_ =	sdelay $0x4  }
0x4b: {  	[tilespmem:s29+$0x10810] =	vst v6  }
0x4c: {  	v6 =	vld.idx.msk [tilespmem:v5+s16+$0x0], $0xffff;
	_ =	sdelay $0x4  }
0x4d: {  	[tilespmem:s29+$0x12800] =	vst v6  }
0x4e: {  	v6 =	vld.idx.msk [tilespmem:v7+s16+$0x0], $0xffff;
	_ =	sdelay $0x4  }
0x4f: {  	[tilespmem:s29+$0x12810] =	vst v6  }
0x50: {  	v5 =	vld.idx.msk [tilespmem:v5+s17+$0x0], $0xffff;
	_ =	sdelay $0x4  }
0x51: {  	[tilespmem:s29+$0x14800] =	vst v5  }
0x52: {  	v5 =	vld.idx.msk [tilespmem:v7+s17+$0x0], $0xffff;
	_ =	sdelay $0x4  }
0x53: {  	[tilespmem:s29+$0x14810] =	vst v5  }
0x54: {  	v5 =	vld [tilespmem:$0x10640];
	_ =	sdelay $0x3  }
0x55: {  	(v2sf) =	vpush v4, $0x1  }
0x56: {  	(v2sf) =	vpush v5, $0x0;
	_ =	sdelay $0xd  }
0x57: {  	v46 =	vbroadcast v4, $0x1;
	s18 =	spop (v2sf)  }
0x58: {  	p1 =	sgt.s32 s18, $0x0;
	s0 =	spop (v2sf)  }
0x59: {  	vm0 =	vgt.s32 v46, v0;
	s0 =	simm.s32 @!p1 $0x0  }
0x5a: {  	v5 =	vnsel vm0, s0, v5  }
0x5b: {  	v47 =	vld [tilespmem:$0x10650];
	_ =	sdelay $0x3  }
0x5c: {  	vm0 =	vgt.s32 v46, v3;
	v48 =	vld.idx.msk [tilespmem:v5+s2+$0x0], $0xffff  }
0x5d: {  	v7 =	vnsel vm0, s0, v47;
	_ =	sdelay $0x3  }
0x5e: {  	[tilespmem:s29+$0x10820] =	vst v48  }
0x5f: {  	v6 =	vld.idx.msk [tilespmem:v7+s2+$0x0], $0xffff;
	_ =	sdelay $0x4  }
0x60: {  	[tilespmem:s29+$0x10830] =	vst v6  }
0x61: {  	v6 =	vld.idx.msk [tilespmem:v5+s16+$0x0], $0xffff;
	_ =	sdelay $0x4  }
0x62: {  	[tilespmem:s29+$0x12820] =	vst v6  }
0x63: {  	v6 =	vld.idx.msk [tilespmem:v7+s16+$0x0], $0xffff;
	_ =	sdelay $0x4  }
0x64: {  	[tilespmem:s29+$0x12830] =	vst v6  }
0x65: {  	v5 =	vld.idx.msk [tilespmem:v5+s17+$0x0], $0xffff;
	_ =	sdelay $0x4  }
0x66: {  	[tilespmem:s29+$0x14820] =	vst v5  }
0x67: {  	v5 =	vld.idx.msk [tilespmem:v7+s17+$0x0], $0xffff;
	_ =	sdelay $0x4  }
0x68: {  	[tilespmem:s29+$0x14830] =	vst v5  }
0x69: {  	v5 =	vld [tilespmem:$0x10680];
	_ =	sdelay $0x3  }
0x6a: {  	(v2sf) =	vpush v4, $0x2  }
0x6b: {  	(v2sf) =	vpush v5, $0x0;
	_ =	sdelay $0xd  }
0x6c: {  	v49 =	vbroadcast v4, $0x2;
	s19 =	spop (v2sf)  }
0x6d: {  	p1 =	sgt.s32 s19, $0x0;
	s0 =	spop (v2sf)  }
0x6e: {  	vm0 =	vgt.s32 v49, v0;
	s0 =	simm.s32 @!p1 $0x0  }
0x6f: {  	v5 =	vnsel vm0, s0, v5  }
0x70: {  	v50 =	vld [tilespmem:$0x10690];
	_ =	sdelay $0x3  }
0x71: {  	vm0 =	vgt.s32 v49, v3;
	v51 =	vld.idx.msk [tilespmem:v5+s2+$0x0], $0xffff  }
0x72: {  	v7 =	vnsel vm0, s0, v50;
	_ =	sdelay $0x3  }
0x73: {  	[tilespmem:s29+$0x10840] =	vst v51  }
0x74: {  	v6 =	vld.idx.msk [tilespmem:v7+s2+$0x0], $0xffff;
	_ =	sdelay $0x4  }
0x75: {  	[tilespmem:s29+$0x10850] =	vst v6  }
0x76: {  	v6 =	vld.idx.msk [tilespmem:v5+s16+$0x0], $0xffff;
	_ =	sdelay $0x4  }
0x77: {  	[tilespmem:s29+$0x12840] =	vst v6  }
0x78: {  	v6 =	vld.idx.msk [tilespmem:v7+s16+$0x0], $0xffff;
	_ =	sdelay $0x4  }
0x79: {  	[tilespmem:s29+$0x12850] =	vst v6  }
0x7a: {  	v5 =	vld.idx.msk [tilespmem:v5+s17+$0x0], $0xffff;
	_ =	sdelay $0x4  }
0x7b: {  	[tilespmem:s29+$0x14840] =	vst v5  }
0x7c: {  	v5 =	vld.idx.msk [tilespmem:v7+s17+$0x0], $0xffff;
	_ =	sdelay $0x4  }
0x7d: {  	[tilespmem:s29+$0x14850] =	vst v5  }
0x7e: {  	v5 =	vld [tilespmem:$0x106C0];
	_ =	sdelay $0x3  }
0x7f: {  	(v2sf) =	vpush v4, $0x3  }
0x80: {  	(v2sf) =	vpush v5, $0x0;
	_ =	sdelay $0xd  }
0x81: {  	v52 =	vbroadcast v4, $0x3;
	s20 =	spop (v2sf)  }
0x82: {  	p1 =	sgt.s32 s20, $0x0;
	s0 =	spop (v2sf)  }
0x83: {  	vm0 =	vgt.s32 v52, v0;
	s0 =	simm.s32 @!p1 $0x0  }
0x84: {  	v5 =	vnsel vm0, s0, v5  }
0x85: {  	v53 =	vld [tilespmem:$0x106D0];
	_ =	sdelay $0x3  }
0x86: {  	vm0 =	vgt.s32 v52, v3;
	v54 =	vld.idx.msk [tilespmem:v5+s2+$0x0], $0xffff  }
0x87: {  	v7 =	vnsel vm0, s0, v53;
	_ =	sdelay $0x3  }
0x88: {  	[tilespmem:s29+$0x10860] =	vst v54  }
0x89: {  	v6 =	vld.idx.msk [tilespmem:v7+s2+$0x0], $0xffff;
	_ =	sdelay $0x4  }
0x8a: {  	[tilespmem:s29+$0x10870] =	vst v6  }
0x8b: {  	v6 =	vld.idx.msk [tilespmem:v5+s16+$0x0], $0xffff;
	_ =	sdelay $0x4  }
0x8c: {  	[tilespmem:s29+$0x12860] =	vst v6  }
0x8d: {  	v6 =	vld.idx.msk [tilespmem:v7+s16+$0x0], $0xffff;
	_ =	sdelay $0x4  }
0x8e: {  	[tilespmem:s29+$0x12870] =	vst v6  }
0x8f: {  	v5 =	vld.idx.msk [tilespmem:v5+s17+$0x0], $0xffff;
	_ =	sdelay $0x4  }
0x90: {  	[tilespmem:s29+$0x14860] =	vst v5  }
0x91: {  	v5 =	vld.idx.msk [tilespmem:v7+s17+$0x0], $0xffff;
	_ =	sdelay $0x4  }
0x92: {  	[tilespmem:s29+$0x14870] =	vst v5  }
0x93: {  	v5 =	vld [tilespmem:$0x10700];
	_ =	sdelay $0x3  }
0x94: {  	(v2sf) =	vpush v4, $0x4  }
0x95: {  	(v2sf) =	vpush v5, $0x0;
	_ =	sdelay $0xd  }
0x96: {  	v55 =	vbroadcast v4, $0x4;
	s21 =	spop (v2sf)  }
0x97: {  	p1 =	sgt.s32 s21, $0x0;
	s0 =	spop (v2sf)  }
0x98: {  	vm0 =	vgt.s32 v55, v0;
	s0 =	simm.s32 @!p1 $0x0  }
0x99: {  	v5 =	vnsel vm0, s0, v5  }
0x9a: {  	v56 =	vld [tilespmem:$0x10710];
	_ =	sdelay $0x3  }
0x9b: {  	vm0 =	vgt.s32 v55, v3;
	v57 =	vld.idx.msk [tilespmem:v5+s2+$0x0], $0xffff  }
0x9c: {  	v7 =	vnsel vm0, s0, v56;
	_ =	sdelay $0x3  }
0x9d: {  	[tilespmem:s29+$0x10880] =	vst v57  }
0x9e: {  	v6 =	vld.idx.msk [tilespmem:v7+s2+$0x0], $0xffff;
	_ =	sdelay $0x4  }
0x9f: {  	[tilespmem:s29+$0x10890] =	vst v6  }
0xa0: {  	v6 =	vld.idx.msk [tilespmem:v5+s16+$0x0], $0xffff;
	_ =	sdelay $0x4  }
0xa1: {  	[tilespmem:s29+$0x12880] =	vst v6  }
0xa2: {  	v6 =	vld.idx.msk [tilespmem:v7+s16+$0x0], $0xffff;
	_ =	sdelay $0x4  }
0xa3: {  	[tilespmem:s29+$0x12890] =	vst v6  }
0xa4: {  	v5 =	vld.idx.msk [tilespmem:v5+s17+$0x0], $0xffff;
	_ =	sdelay $0x4  }
0xa5: {  	[tilespmem:s29+$0x14880] =	vst v5  }
0xa6: {  	v5 =	vld.idx.msk [tilespmem:v7+s17+$0x0], $0xffff;
	_ =	sdelay $0x4  }
0xa7: {  	[tilespmem:s29+$0x14890] =	vst v5  }
0xa8: {  	v5 =	vld [tilespmem:$0x10740];
	_ =	sdelay $0x3  }
0xa9: {  	(v2sf) =	vpush v4, $0x5  }
0xaa: {  	(v2sf) =	vpush v5, $0x0;
	_ =	sdelay $0xd  }
0xab: {  	v58 =	vbroadcast v4, $0x5;
	s22 =	spop (v2sf)  }
0xac: {  	p1 =	sgt.s32 s22, $0x0;
	s0 =	spop (v2sf)  }
0xad: {  	vm0 =	vgt.s32 v58, v0;
	s0 =	simm.s32 @!p1 $0x0  }
0xae: {  	v5 =	vnsel vm0, s0, v5  }
0xaf: {  	v59 =	vld [tilespmem:$0x10750];
	_ =	sdelay $0x3  }
0xb0: {  	vm0 =	vgt.s32 v58, v3;
	v60 =	vld.idx.msk [tilespmem:v5+s2+$0x0], $0xffff  }
0xb1: {  	v7 =	vnsel vm0, s0, v59;
	_ =	sdelay $0x3  }
0xb2: {  	[tilespmem:s29+$0x108A0] =	vst v60  }
0xb3: {  	v6 =	vld.idx.msk [tilespmem:v7+s2+$0x0], $0xffff;
	_ =	sdelay $0x4  }
0xb4: {  	[tilespmem:s29+$0x108B0] =	vst v6  }
0xb5: {  	v6 =	vld.idx.msk [tilespmem:v5+s16+$0x0], $0xffff;
	_ =	sdelay $0x4  }
0xb6: {  	[tilespmem:s29+$0x128A0] =	vst v6  }
0xb7: {  	v6 =	vld.idx.msk [tilespmem:v7+s16+$0x0], $0xffff;
	_ =	sdelay $0x4  }
0xb8: {  	[tilespmem:s29+$0x128B0] =	vst v6  }
0xb9: {  	v5 =	vld.idx.msk [tilespmem:v5+s17+$0x0], $0xffff;
	_ =	sdelay $0x4  }
0xba: {  	[tilespmem:s29+$0x148A0] =	vst v5  }
0xbb: {  	v5 =	vld.idx.msk [tilespmem:v7+s17+$0x0], $0xffff;
	_ =	sdelay $0x4  }
0xbc: {  	[tilespmem:s29+$0x148B0] =	vst v5  }
0xbd: {  	v5 =	vld [tilespmem:$0x10780];
	_ =	sdelay $0x3  }
0xbe: {  	(v2sf) =	vpush v4, $0x6  }
0xbf: {  	(v2sf) =	vpush v5, $0x0;
	_ =	sdelay $0xd  }
0xc0: {  	v61 =	vbroadcast v4, $0x6;
	s30 =	spop (v2sf)  }
0xc1: {  	p1 =	sgt.s32 s30, $0x0;
	s0 =	spop (v2sf)  }
0xc2: {  	vm0 =	vgt.s32 v61, v0;
	s0 =	simm.s32 @!p1 $0x0  }
0xc3: {  	v5 =	vnsel vm0, s0, v5  }
0xc4: {  	v62 =	vld [tilespmem:$0x10790];
	_ =	sdelay $0x3  }
0xc5: {  	vm0 =	vgt.s32 v61, v3;
	v63 =	vld.idx.msk [tilespmem:v5+s2+$0x0], $0xffff  }
0xc6: {  	v7 =	vnsel vm0, s0, v62;
	_ =	sdelay $0x3  }
0xc7: {  	[tilespmem:s29+$0x108C0] =	vst v63  }
0xc8: {  	v6 =	vld.idx.msk [tilespmem:v7+s2+$0x0], $0xffff;
	_ =	sdelay $0x4  }
0xc9: {  	[tilespmem:s29+$0x108D0] =	vst v6  }
0xca: {  	v6 =	vld.idx.msk [tilespmem:v5+s16+$0x0], $0xffff;
	_ =	sdelay $0x4  }
0xcb: {  	[tilespmem:s29+$0x128C0] =	vst v6  }
0xcc: {  	v6 =	vld.idx.msk [tilespmem:v7+s16+$0x0], $0xffff;
	_ =	sdelay $0x4  }
0xcd: {  	[tilespmem:s29+$0x128D0] =	vst v6  }
0xce: {  	v5 =	vld.idx.msk [tilespmem:v5+s17+$0x0], $0xffff;
	_ =	sdelay $0x4  }
0xcf: {  	[tilespmem:s29+$0x148C0] =	vst v5  }
0xd0: {  	v5 =	vld.idx.msk [tilespmem:v7+s17+$0x0], $0xffff;
	_ =	sdelay $0x4  }
0xd1: {  	[tilespmem:s29+$0x148D0] =	vst v5  }
0xd2: {  	v5 =	vld [tilespmem:$0x107C0];
	_ =	sdelay $0x3  }
0xd3: {  	(v2sf) =	vpush v4, $0x7  }
0xd4: {  	(v2sf) =	vpush v5, $0x0;
	_ =	sdelay $0xd  }
0xd5: {  	v4 =	vbroadcast v4, $0x7;
	s31 =	spop (v2sf)  }
0xd6: {  	p1 =	sgt.s32 s31, $0x0;
	s0 =	spop (v2sf)  }
0xd7: {  	vm0 =	vgt.s32 v4, v0;
	s0 =	simm.s32 @!p1 $0x0  }
0xd8: {  	v5 =	vnsel vm0, s0, v5  }
0xd9: {  	v6 =	vld [tilespmem:$0x107D0];
	_ =	sdelay $0x3  }
0xda: {  	vm0 =	vgt.s32 v4, v3;
	v4 =	vld.idx.msk [tilespmem:v5+s2+$0x0], $0xffff  }
0xdb: {  	v6 =	vnsel vm0, s0, v6;
	_ =	sdelay $0x3  }
0xdc: {  	[tilespmem:s29+$0x108E0] =	vst v4  }
0xdd: {  	v4 =	vld.idx.msk [tilespmem:v6+s2+$0x0], $0xffff;
	_ =	sdelay $0x4  }
0xde: {  	[tilespmem:s29+$0x108F0] =	vst v4  }
0xdf: {  	v4 =	vld.idx.msk [tilespmem:v5+s16+$0x0], $0xffff;
	_ =	sdelay $0x4  }
0xe0: {  	[tilespmem:s29+$0x128E0] =	vst v4  }
0xe1: {  	v4 =	vld.idx.msk [tilespmem:v6+s16+$0x0], $0xffff;
	_ =	sdelay $0x4  }
0xe2: {  	[tilespmem:s29+$0x128F0] =	vst v4  }
0xe3: {  	v4 =	vld.idx.msk [tilespmem:v5+s17+$0x0], $0xffff;
	_ =	sdelay $0x4  }
0xe4: {  	s28 =	sadd.s32 $0x1, s28;
	[tilespmem:s29+$0x148E0] =	vst v4  }
0xe5: {  	p1 =	sne.s32 s28, $0x20;
	v4 =	vld.idx.msk [tilespmem:v6+s17+$0x0], $0xffff  }
.Ltmp3:
0xe6: {  	_ = 	snop;
	(pc) =	sbr.rel @!p1 .LBB2_7-.Ltmp3, $2  }
0xe7: {  	_ =	sdelay $0x2  }
0xe8: {  	[tilespmem:s29+$0x148F0] =	vst v4  }
.LBB2_2:
.Ltmp4:
0xe9: {  	(pc) =	sbr.rel @p0 .LBB2_6-.Ltmp4, $2  }
0xea: {  	_ =	sdelay $0x2  }
0xeb: {  	v4 =	vmov v2  }
0xec: {  	s0 =	sshll.u32 s28, $0x3  }
0xed: {  	v35 =	vld [tilespmem:s0+$0x10480]  }
0xee: {  	v33 =	vld [tilespmem:s0+$0x10180]  }
0xef: {  	v32 =	vld [tilespmem:s0+$0x10000]  }
0xf0: {  	v34 =	vld [tilespmem:s0+$0x10300];
	_ =	sdelay $0x3  }
0xf1: {  	v4 =	vbroadcast v32, $0x0;
	v5 =	vbroadcast v33, $0x0  }
0xf2: {  	v6 =	vbroadcast v34, $0x0;
	v7 =	vbroadcast v35, $0x0  }
0xf3: {  	v8 =	vbroadcast v32, $0x1;
	v9 =	vbroadcast v33, $0x1  }
0xf4: {  	v10 =	vbroadcast v34, $0x1;
	v11 =	vbroadcast v35, $0x1  }
0xf5: {  	v12 =	vbroadcast v32, $0x2;
	v13 =	vbroadcast v33, $0x2  }
0xf6: {  	v14 =	vbroadcast v34, $0x2;
	v15 =	vbroadcast v35, $0x2  }
0xf7: {  	v16 =	vbroadcast v32, $0x3;
	v17 =	vbroadcast v33, $0x3  }
0xf8: {  	v18 =	vbroadcast v34, $0x3;
	v19 =	vbroadcast v35, $0x3  }
0xf9: {  	v20 =	vbroadcast v32, $0x4;
	v21 =	vbroadcast v33, $0x4  }
0xfa: {  	v22 =	vbroadcast v34, $0x4;
	v23 =	vbroadcast v35, $0x4  }
0xfb: {  	v36 =	vld [tilespmem:$0x1FFF0];
	v24 =	vbroadcast v32, $0x5;
	v25 =	vbroadcast v33, $0x5  }
0xfc: {  	v26 =	vbroadcast v34, $0x5;
	v27 =	vbroadcast v35, $0x5  }
0xfd: {  	v28 =	vbroadcast v32, $0x6;
	v29 =	vbroadcast v33, $0x6  }
0xfe: {  	v30 =	vbroadcast v34, $0x6;
	v31 =	vbroadcast v35, $0x6  }
0xff: {  	s18 =	simm.s32 $0x0;
	s29 =	simm.s32 $0x4000;
	s30 =	simm.s32 $0x8000;
	v32 =	vbroadcast v32, $0x7;
	v33 =	vbroadcast v33, $0x7  }
0x100: {  	s31 =	simm.s32 $0xC000;
	s1 =	simm.s32 $0x0;
	s0 =	simm.s32 $0x0;
	vm9 =	vnez.u8 v36;
	v36 =	vmovc v2;
	v34 =	vbroadcast v34, $0x7;
	v35 =	vbroadcast v35, $0x7  }
.LBB2_4:
0x101: {  	v37 =	vld [tilespmem:s1+$0x0]  }
0x102: {  	v38 =	vld [tilespmem:s29+$0x0]  }
0x103: {  	v39 =	vld [tilespmem:s30+$0x0]  }
0x104: {  	v42 =	vld [tilespmem:s31+$0x0]  }
0x105: {  	(v2sf) =	vpush v36, $0x0  }
0x106: {  	vm4 =	vmmov vm3;
	vm6 =	vmmov vm14;
	(v2sf) =	vpush v36, $0x1  }
0x107: {  	vm7 =	vcmask $0x1320;
	(v2sf) =	vpush v36, $0x2;
	v40 =	vshrl.u32 v37, $0x10  }
0x108: {  	v41 =	vshrl.u32 v38, $0x10;
	v56 =	vshrl.u32 v39, $0x10;
	v40 =	vand.u32 $0x1, v40  }
0x109: {  	v62 =	vadd.f32 v42, v7;
	v41 =	vand.u32 $0x1, v41;
	v37 =	vadd.s32 v40, v37  }
0x10a: {  	v46 =	vadd.f32 v42, v11;
	v38 =	vadd.s32 v41, v38;
	v37 =	vadd.s32 $0x7FFF, v37  }
0x10b: {  	v55 =	vadd.f32 v42, v15;
	v38 =	vadd.s32 $0x7FFF, v38;
	v37 =	vand.u32 $0xFFFF0000, v37  }
0x10c: {  	v50 =	vadd.f32 v42, v27;
	v38 =	vand.u32 $0xFFFF0000, v38;
	v57 =	vmul.f32 v37, v4  }
0x10d: {  	v40 =	vand.u32 $0x1, v56;
	v58 =	vmul.f32 v38, v5;
	v43 =	vmul.f32 v37, v8  }
0x10e: {  	v39 =	vadd.s32 v40, v39;
	v44 =	vmul.f32 v38, v9;
	v63 =	vmul.f32 v37, v12  }
0x10f: {  	v39 =	vadd.s32 $0x7FFF, v39;
	v45 =	vmul.f32 v38, v13;
	v47 =	vmul.f32 v37, v16  }
0x110: {  	v39 =	vand.u32 $0xFFFF0000, v39;
	v48 =	vmul.f32 v38, v17;
	v49 =	vmul.f32 v38, v25  }
0x111: {  	v56 =	vadd.f32 v42, v19;
	v51 =	vmul.f32 v37, v28;
	v59 =	vmul.f32 v39, v6  }
0x112: {  	v61 =	vmul.f32 v39, v10;
	v52 =	vmul.f32 v39, v14;
	v40 =	vadd.f32 v58, v57  }
0x113: {  	v54 =	vmul.f32 v39, v18;
	v60 =	vadd.f32 v44, v43;
	v43 =	vadd.f32 v45, v63  }
0x114: {  	v53 =	vadd.f32 v48, v47;
	v57 =	vmul.f32 v37, v20;
	v48 =	vadd.f32 v42, v23  }
0x115: {  	v58 =	vmul.f32 v38, v21;
	v40 =	vadd.f32 v59, v40;
	v41 =	vadd.f32 v61, v60  }
0x116: {  	v43 =	vadd.f32 v52, v43;
	v44 =	vadd.f32 v54, v53;
	v59 =	vmul.f32 v37, v24  }
0x117: {  	v60 =	vadd.f32 v58, v57;
	v52 =	vmul.f32 v38, v29;
	v57 =	vadd.f32 v42, v31  }
0x118: {  	v37 =	vmul.f32 v37, v32;
	v42 =	vadd.f32 v42, v35;
	v40 =	vadd.f32 v40, v40  }
0x119: {  	v38 =	vmul.f32 v38, v33;
	v41 =	vadd.f32 v41, v41;
	v43 =	vadd.f32 v43, v43  }
0x11a: {  	v61 =	vmul.f32 v39, v22;
	v44 =	vadd.f32 v44, v44;
	v45 =	vadd.f32 v49, v59  }
0x11b: {  	v54 =	vmul.f32 v39, v30;
	v37 =	vadd.f32 v38, v37;
	v40 =	vsub.f32 v62, v40  }
0x11c: {  	v41 =	vsub.f32 v46, v41;
	v43 =	vsub.f32 v55, v43;
	v62 =	vmul.f32 v39, v26  }
0x11d: {  	v44 =	vsub.f32 v56, v44;
	v46 =	vadd.f32 v61, v60;
	v39 =	vmul.f32 v39, v34  }
0x11e: {  	vm10 =	vlt.f32 v40, $3.999999910e-02;
	v63 =	vadd.f32 v62, v45;
	vm11 =	vlt.f32 v41, $3.999999910e-02  }
0x11f: {  	v49 =	vadd.f32 v46, v46;
	vm12 =	vlt.f32 v43, $3.999999910e-02;
	v45 =	vadd.f32 v52, v51  }
0x120: {  	v37 =	vadd.f32 v39, v37;
	vm13 =	vlt.f32 v44, $3.999999910e-02;
	v53 =	vmpcnt.ones.xlane vm10  }
0x121: {  	v55 =	vmpcnt.ones.xlane vm11;
	v56 =	vmpcnt.ones.xlane vm12;
	v45 =	vadd.f32 v54, v45  }
0x122: {  	v59 =	vmpcnt.ones.xlane vm13;
	v40 =	vadd.f32 v63, v63;
	v41 =	vsub.f32 v48, v49  }
0x123: {  	v37 =	vadd.f32 v37, v37;
	v43 =	vnsel vm1, $0x0, v53;
	v58 =	vadd.f32 v45, v45  }
0x124: {  	v40 =	vsub.f32 v50, v40;
	v38 =	vsel vm2, v43, v55;
	vm15 =	vlt.f32 v41, $3.999999910e-02  }
0x125: {  	v37 =	vsub.f32 v42, v37;
	v38 =	vsel vm3, v38, v56;
	v39 =	vsub.f32 v57, v58  }
0x126: {  	v41 =	vmpcnt.ones.xlane vm15;
	vm3 =	vmmov vm2;
	vm0 =	vlt.f32 v40, $3.999999910e-02  }
0x127: {  	v38 =	vsel vm5, v38, v59;
	v40 =	vmpcnt.ones.xlane vm0;
	vm2 =	vlt.f32 v39, $3.999999910e-02  }
0x128: {  	v38 =	vsel vm14, v38, v41;
	vm14 =	vlt.f32 v37, $3.999999910e-02;
	v39 =	vmpcnt.ones.xlane vm2  }
0x129: {  	(v2sf) =	vpush v36, $0x3;
	v61 =	vmpcnt.ones.xlane vm14;
	v60 =	vsel vm7, v38, v40  }
0x12a: {  	(v2sf) =	vpush v36, $0x4;
	vm7 =	vcmask $0x1B20;
	v37 =	vsel vm8, v60, v39  }
0x12b: {  	(v2sf) =	vpush v36, $0x5;
	v37 =	vsel vm7, v37, v61  }
0x12c: {  	(v2sf) =	vpush v36, $0x6;
	v37 =	vnsel vm9, $0x0, v37  }
0x12d: {  	(v2sf) =	vpush v36, $0x7;
	v36 =	vadd.s32 v36, v37  }
0x12e: {  	vm9 =	vlt.s32 v36, $0x20  }
0x12f: {  	v62 =	vmpcnt.ones.xlane vm9;
	_ =	sdelay $0x1  }
0x130: {  	(v2sf) =	vpush v62, $0x0;
	_ =	sdelay $0x6  }
0x131: {  	s19 =	spop (v2sf)  }
0x132: {  	s20 =	spop (v2sf)  }
0x133: {  	s21 =	spop (v2sf)  }
0x134: {  	s22 =	spop (v2sf);
	v63 =	vor.u32 s0, v0  }
0x135: {  	[tilespmem:s19+$0x10600] =	vst.msk vm10, v63;
	s19 =	spop (v2sf)  }
0x136: {  	[tilespmem:s20+$0x10640] =	vst.msk vm11, v63;
	s20 =	spop (v2sf)  }
0x137: {  	[tilespmem:s21+$0x10680] =	vst.msk vm12, v63;
	s21 =	spop (v2sf)  }
0x138: {  	[tilespmem:s22+$0x106C0] =	vst.msk vm13, v63;
	s22 =	spop (v2sf)  }
0x139: {  	p1 =	sgt.u32 s18, $0x3FE;
	[tilespmem:s19+$0x10700] =	vst.msk vm15, v63;
	s19 =	spop (v2sf)  }
0x13a: {  	p2 =	sgt.s32 @!p1 s19, $0x0  }
0x13b: {  	p2 =	por p1, !p2  }
.Ltmp5:
0x13c: {  	_ = 	snop;
	(pc) =	sbr.rel @!p2 .LBB2_4-.Ltmp5, $4  }
0x13d: {  	_ = 	snop  }
0x13e: {  	[tilespmem:s20+$0x10740] =	vst.msk vm0, v63  }
0x13f: {  	s18 =	sadd.s32 $0x1, s18;
	s1 =	sadd.s32 $0x10, s1;
	s29 =	sadd.s32 $0x10, s29;
	[tilespmem:s21+$0x10780] =	vst.msk vm2, v63  }
0x140: {  	s30 =	sadd.s32 $0x10, s30;
	s31 =	sadd.s32 $0x10, s31;
	s0 =	sadd.s32 $0x10, s0;
	vm2 =	vmmov vm3;
	vm3 =	vmmov vm4;
	[tilespmem:s22+$0x107C0] =	vst.msk vm14, v63;
	vm14 =	vmmov vm6  }
.Ltmp6:
0x141: {  	(pc) =	sbr.rel .LBB2_6-.Ltmp6, $2  }
0x142: {  	_ =	sdelay $0x2  }
0x143: {  	v4 =	vpsel p1, v36, v36  }
.LBB2_8:
0x144: {  	_ =	sfence.sel $0x180000  }
0x145: {  	[bflag:$0x0] =	sbarrier.arrive $0xFFFF  }
0x146: {  	_ =	strace $0x90000047  }
0x147: {  	s0 =	stileid.u32;
	[bflag:$0x2] =	sbarrier.arrive $0xFFFF  }
0x148: {  	p0 =	sne.s32 s0, $0x0;
	s0 =	rddreg [dreg:$0x2]  }
0x149: {  	s0 =	sadd.s32 @!p0 $0x100000, s0  }
0x14a: {  	[sflag:s0] =	ssyncadd.tile.s32 @!p0 $0x1;
	_ =	shalt  }
.Lfunc_end2:
_tile_overlayer_lowered:
.L_overlay_start_2:
0x14b: {  	(tag) =	ssettag $0x2  }
0x14c: {  	s0 =	rddreg [dreg:$0x0];
	s2 =	stileid.u32  }
0x14d: {  	s1 =	rddreg [dreg:$0x1];
	p0 =	sne.s32 s2, $0x0  }
0x14e: {  	s3 =	rddreg [dreg:$0x2];
	[bflag:$0x3] =	sbarrier.arrive $0xFFFF;
	s2 =	simm.s32 @!p0 $0x1C01  }
0x14f: {  	[timem:s3], [sflag:s2] =	dma.local @!p0 [hbm:s0], s1  }
0x150: {  	s0 =	simm.s32 @!p0 $0x1  }
0x151: {  	_ =	swait.ge @!p0 [sflag:s0], s1  }
0x152: {  	s1 =	ssub.s32 @!p0 $0x0, s1;
	[sflag:s0] =	ssyncset.done @!p0 $0x0  }
0x153: {  	[sflag:s0] =	ssyncadd.s32 @!p0 s1  }
0x154: {  	[bflag:$0x3] =	sbarrier.arrive $0xFFFF  }
0x155: {  	_ =	shalt  }

</sc_bundles>
